<compile_context>
chip_gen: v7x
topology: tpu7x:2x2x1
jax: 0.10.2.dev20260603
libtpu: 0.0.44.dev20260713+nightly
codegen_flags: <defaults>
</compile_context>

<pallas_src>
import dataclasses
import functools

import jax
import jax.numpy as jnp
from jax import lax
from jax.experimental import pallas as pl
from jax.experimental.pallas import tpu as pltpu
from jax.experimental.pallas import tpu_sc as plsc

N = 10000
E = 320000
D = 128
H = 128

NC = 2
NS = 16
CHUNK = 120
NCHUNKS = 84
EPW = NCHUNKS * CHUNK
E_PAD = NC * NS * EPW
N_PAD = 10240
RPT = N_PAD // NS
LANES = 16
NR = 3
NI = 6



def _edge_mm_body(x_ref, w_ref, b_ref, y_ref):
    acc = jnp.dot(x_ref[...], w_ref[...], preferred_element_type=jnp.float32)
    y_ref[...] = jnp.maximum(acc + b_ref[...], 0.0)


def _node_mm_body(pp_ref, w_ref, b_ref, x_ref, o_ref):
    pooled = pp_ref[0, :N, :] + pp_ref[1, :N, :]
    acc = jnp.dot(pooled, w_ref[...], preferred_element_type=jnp.float32)
    o_ref[...] = jnp.maximum(acc + b_ref[...], 0.0) + x_ref[...]



def _sc_body(y_hbm, meta_hbm, out_hbm, *scratch):
    idxs = scratch[0:NI]
    rowss = scratch[NI:NI + NR]
    pooled_sh = scratch[NI + NR]
    sems = scratch[NI + NR + 1:]
    sem_is = sems[0:NI]
    sem_gs = sems[NI:NI + NR]
    sem_ss = sems[NI + NR:NI + 2 * NR]

    c = lax.axis_index("c")
    s = lax.axis_index("s")
    w = c * NS + s
    row0 = w * NCHUNKS

    rows0 = rowss[0]

    @plsc.parallel_loop(0, CHUNK)
    def _zero(i):
        for j in range(H // LANES):
            rows0[i, pl.ds(j * LANES, LANES)] = jnp.zeros((LANES,), jnp.float32)

    for r in range(RPT // CHUNK):
        pltpu.sync_copy(rows0, pooled_sh.at[pl.ds(s * RPT + r * CHUNK, CHUNK)])
    _REM = RPT % CHUNK
    if _REM:
        pltpu.sync_copy(
            rows0.at[pl.ds(0, _REM)],
            pooled_sh.at[pl.ds(s * RPT + (RPT // CHUNK) * CHUNK, _REM)])
    plsc.subcore_barrier()

    i2 = jnp.full((LANES,), 2, dtype=jnp.int32)

    def scale(rows, idx):
        @plsc.parallel_loop(0, CHUNK, step=1, unroll=4)
        def _edge(e):
            ie = jnp.full((LANES,), e, dtype=jnp.int32)
            nb = plsc.bitcast(plsc.load_gather(idx, [i2, ie]), jnp.float32)
            for j in range(H // LANES):
                sl = (e, pl.ds(j * LANES, LANES))
                rows[sl] = rows[sl] * nb

    pltpu.sync_copy(meta_hbm.at[row0], idxs[0])
    pltpu.sync_copy(meta_hbm.at[row0 + 1], idxs[1])
    pltpu.async_copy(y_hbm.at[idxs[0].at[0]], rowss[0], sem_gs[0])
    pltpu.async_copy(y_hbm.at[idxs[1].at[0]], rowss[1], sem_gs[1])
    for q in (2, 3, 4):
        pltpu.async_copy(meta_hbm.at[row0 + q], idxs[q], sem_is[q])

    def process(u, k):
        b, t = u % NR, u % NI
        rows, idx = rowss[b], idxs[t]
        pltpu.make_async_copy(y_hbm.at[idx.at[0]], rows, sem_gs[b]).wait()
        scale(rows, idx)
        pltpu.async_copy(rows, pooled_sh.at[idx.at[1]], sem_ss[b], add=True)

    def launch(u, k):
        q = k + u
        b, t, t3 = u % NR, u % NI, (u + 3) % NI
        rows, idx, idx_old = rowss[b], idxs[t], idxs[t3]

        @pl.when(jnp.logical_and(q >= 3, q < NCHUNKS))
        def _():
            pltpu.make_async_copy(rows, pooled_sh.at[idx_old.at[1]],
                                  sem_ss[b]).wait()

        @pl.when(q < NCHUNKS)
        def _():
            pltpu.make_async_copy(meta_hbm.at[row0 + q], idx, sem_is[t]).wait()
            pltpu.async_copy(y_hbm.at[idx.at[0]], rows, sem_gs[b])

        @pl.when(q + 3 < NCHUNKS)
        def _():
            pltpu.async_copy(meta_hbm.at[row0 + q + 3], idx_old, sem_is[t3])

    @pl.loop(0, NCHUNKS, step=NI)
    def _six(k):
        for u in range(NI):
            process(u, k)
            launch(u + 2, k)

    for j in range(NR):
        m = NCHUNKS - NR + j
        pltpu.make_async_copy(rowss[m % NR], pooled_sh.at[idxs[m % NI].at[1]],
                              sem_ss[m % NR]).wait()
    plsc.subcore_barrier()
    pltpu.sync_copy(pooled_sh.at[pl.ds(s * RPT, RPT)],
                    out_hbm.at[c, pl.ds(s * RPT, RPT)])


@jax.jit
def _run(x, meta, W_edge, b_edge, W_node, b_node):
    y = pl.pallas_call(
        _edge_mm_body,
        out_shape=jax.ShapeDtypeStruct((N, H), jnp.float32),
    )(x, W_edge, b_edge.reshape(1, H))

    mesh = plsc.VectorSubcoreMesh(core_axis_name="c", subcore_axis_name="s")
    cp = pltpu.CompilerParams()
    if "needs_layout_passes" in pltpu.CompilerParams.__dataclass_fields__:
        cp = dataclasses.replace(cp, needs_layout_passes=False)
    partials = pl.kernel(
        _sc_body,
        out_type=jax.ShapeDtypeStruct((NC, N_PAD, H), jnp.float32),
        mesh=mesh,
        scratch_types=(
            [pltpu.VMEM((3, CHUNK), jnp.int32)] * NI
            + [pltpu.VMEM((CHUNK, H), jnp.float32)] * NR
            + [pltpu.VMEM_SHARED((N_PAD, H), jnp.float32)]
            + [pltpu.SemaphoreType.DMA] * (NI + 2 * NR)
        ),
        compiler_params=cp,
    )(y, meta)

    out = pl.pallas_call(
        _node_mm_body,
        out_shape=jax.ShapeDtypeStruct((N, H), jnp.float32),
    )(partials, W_node, b_node.reshape(1, H), x)
    return out


def kernel(x, edge_index, gcn_norm, W_edge, b_edge, W_node, b_node):
    pad = E_PAD - E
    spread = (jnp.arange(pad, dtype=jnp.int32) * 41) % N
    src = jnp.concatenate([edge_index[0], spread])
    dst = jnp.concatenate([edge_index[1], spread])
    nrm = jnp.concatenate([gcn_norm, jnp.zeros((pad,), jnp.float32)])
    nrm_i = lax.bitcast_convert_type(nrm, jnp.int32)
    nrows = E_PAD // CHUNK
    meta = jnp.stack([src.reshape(nrows, CHUNK),
                      dst.reshape(nrows, CHUNK),
                      nrm_i.reshape(nrows, CHUNK)], axis=1)
    return _run(x, meta, W_edge, b_edge, W_node, b_node)

# --- scband reference (transcript-rebuilt; emitter-appended) ---
"""Pipeline reference for scband-gcnconvolution-1357209666173 (READ-ONLY COPY).

The authoritative reference and input builder live on the scoring server;
editing this copy changes nothing except your own understanding.
"""

import jax, jax.numpy as jnp
import numpy as np

N = 10000
E = 320000
D = 128
H = 128


def setup_inputs(seed: int = 0) -> dict:
    key = jax.random.key(seed)
    ks = jax.random.split(key, 8)
    x = jax.random.normal(ks[0], (N, D), dtype=jnp.float32)
    edge_index = jax.random.randint(ks[1], (2, E), 0, N, dtype=jnp.int32)
    gcn_norm = jax.random.uniform(ks[2], (E,), dtype=jnp.float32)
    # learned parameters (Glorot-ish scale)
    W_edge = jax.random.normal(ks[3], (D, H), dtype=jnp.float32) * (1.0 / np.sqrt(D))
    b_edge = jnp.zeros((H,), dtype=jnp.float32)
    W_node = jax.random.normal(ks[4], (H, H), dtype=jnp.float32) * (1.0 / np.sqrt(H))
    b_node = jnp.zeros((H,), dtype=jnp.float32)
    return {
        "x": x,
        "edge_index": edge_index,
        "gcn_norm": gcn_norm,
        "W_edge": W_edge,
        "b_edge": b_edge,
        "W_node": W_node,
        "b_node": b_node,
    }


def reference(x, edge_index, gcn_norm, W_edge, b_edge, W_node, b_node):
    # GCNConvolution.call with training=False (dropout is identity),
    # edge_feature_name=None (no concat of edge embeddings).
    src = edge_index[0]
    dst = edge_index[1]
    # broadcast_node_to_edges (SOURCE): gather source node hidden states
    hidden_states = jnp.take(x, src, axis=0)                # [E, D]
    # edge transformation: Dense(hidden_size, relu)
    transformed = jax.nn.relu(hidden_states @ W_edge + b_edge)  # [E, H]
    # scale by per-edge gcn normalization
    messages = gcn_norm[:, None] * transformed               # [E, H]
    # pool_edges_to_node (TARGET, sum): scatter-add over dst
    pooled = jax.ops.segment_sum(messages, dst, num_segments=N)  # [N, H]
    # node transformation: Dense(hidden_size, residual_activation=relu)
    h = jax.nn.relu(pooled @ W_node + b_node)                # [N, H]
    # residual connection with target node feature
    out = h + x
    return out

if __name__ == "__main__":
    import jax
    _d = setup_inputs()
    print(jax.jit(kernel)(*tuple(_d.values())))

</pallas_src>

<mosaic_0001>
#map = affine_map<(d0, d1) -> (0, 0)>
#map1 = affine_map<(d0, d1) -> (0, 0, 0)>
module attributes {stable_mosaic.version = 14 : i64} {
  func.func @_sc_body(%arg0: i32, %arg1: i32, %arg2: memref<10000x128xf32, #tpu.memory_space<hbm>>, %arg3: memref<2688x3x120xi32, #tpu.memory_space<hbm>>, %arg4: memref<2x10240x128xf32, #tpu.memory_space<hbm>>, %arg5: memref<3x120xi32, #tpu.memory_space<vmem>>, %arg6: memref<3x120xi32, #tpu.memory_space<vmem>>, %arg7: memref<3x120xi32, #tpu.memory_space<vmem>>, %arg8: memref<3x120xi32, #tpu.memory_space<vmem>>, %arg9: memref<3x120xi32, #tpu.memory_space<vmem>>, %arg10: memref<3x120xi32, #tpu.memory_space<vmem>>, %arg11: memref<120x128xf32, #tpu.memory_space<vmem>>, %arg12: memref<120x128xf32, #tpu.memory_space<vmem>>, %arg13: memref<120x128xf32, #tpu.memory_space<vmem>>, %arg14: memref<10240x128xf32, #tpu.memory_space<vmem_shared>>, %arg15: memref<!tpu.dma_semaphore, #tpu.memory_space<semaphore_mem>>, %arg16: memref<!tpu.dma_semaphore, #tpu.memory_space<semaphore_mem>>, %arg17: memref<!tpu.dma_semaphore, #tpu.memory_space<semaphore_mem>>, %arg18: memref<!tpu.dma_semaphore, #tpu.memory_space<semaphore_mem>>, %arg19: memref<!tpu.dma_semaphore, #tpu.memory_space<semaphore_mem>>, %arg20: memref<!tpu.dma_semaphore, #tpu.memory_space<semaphore_mem>>, %arg21: memref<!tpu.dma_semaphore, #tpu.memory_space<semaphore_mem>>, %arg22: memref<!tpu.dma_semaphore, #tpu.memory_space<semaphore_mem>>, %arg23: memref<!tpu.dma_semaphore, #tpu.memory_space<semaphore_mem>>, %arg24: memref<!tpu.dma_semaphore, #tpu.memory_space<semaphore_mem>>, %arg25: memref<!tpu.dma_semaphore, #tpu.memory_space<semaphore_mem>>, %arg26: memref<!tpu.dma_semaphore, #tpu.memory_space<semaphore_mem>>) attributes {dimension_semantics = [#tpu.dimension_semantics<core_parallel>, #tpu.dimension_semantics<subcore_parallel>], iteration_bounds = array<i64: 2, 16>, scalar_prefetch = 0 : i64, scratch_operands = 22 : i64, tpu.core_type = #tpu.core_type<sc_vector_subcore>, window_params = [{transform_indices = #map}, {transform_indices = #map1}, {transform_indices = #map1}]} {
    %mul3A = arith.constant 16 : i32
    %mul3A_0 = arith.muli %arg0, %mul3A : i32
    %add3A = arith.addi %mul3A_0, %arg1 : i32
    %mul3A_1 = arith.constant 84 : i32
    %mul3A_2 = arith.muli %add3A, %mul3A_1 : i32
    %parallel_loop3A = arith.constant 0 : i32
    %parallel_loop3A_3 = arith.constant 120 : i32
    %parallel_loop3A_4 = arith.constant 1 : i32
    scf.for %parallel_loop3A_104 = %parallel_loop3A to %parallel_loop3A_3 step %parallel_loop3A_4  : i32 {
      %parallel_loop3A_105 = arith.constant 0.000000e+00 : f32
      %parallel_loop3A_106 = vector.broadcast %parallel_loop3A_105 : f32 to vector<16xf32>
      %parallel_loop3A_107 = arith.index_cast %parallel_loop3A_104 : i32 to index
      %parallel_loop3A_108 = arith.constant 0 : index
      %parallel_loop3A_109 = tpu.vector_load %arg11[%parallel_loop3A_107, %parallel_loop3A_108] {strides = array<i32>} : memref<120x128xf32, #tpu.memory_space<vmem>>, vector<16xf32>,
      tpu.vector_store %arg11[%parallel_loop3A_107, %parallel_loop3A_108], %parallel_loop3A_106 {strides = array<i32>} : memref<120x128xf32, #tpu.memory_space<vmem>>, vector<16xf32>,
      %parallel_loop3A_110 = arith.constant 0.000000e+00 : f32
      %parallel_loop3A_111 = vector.broadcast %parallel_loop3A_110 : f32 to vector<16xf32>
      %parallel_loop3A_112 = arith.index_cast %parallel_loop3A_104 : i32 to index
      %parallel_loop3A_113 = arith.constant 16 : index
      %parallel_loop3A_114 = tpu.vector_load %arg11[%parallel_loop3A_112, %parallel_loop3A_113] {strides = array<i32>} : memref<120x128xf32, #tpu.memory_space<vmem>>, vector<16xf32>,
      tpu.vector_store %arg11[%parallel_loop3A_112, %parallel_loop3A_113], %parallel_loop3A_111 {strides = array<i32>} : memref<120x128xf32, #tpu.memory_space<vmem>>, vector<16xf32>,
      %parallel_loop3A_115 = arith.constant 0.000000e+00 : f32
      %parallel_loop3A_116 = vector.broadcast %parallel_loop3A_115 : f32 to vector<16xf32>
      %parallel_loop3A_117 = arith.index_cast %parallel_loop3A_104 : i32 to index
      %parallel_loop3A_118 = arith.constant 32 : index
      %parallel_loop3A_119 = tpu.vector_load %arg11[%parallel_loop3A_117, %parallel_loop3A_118] {strides = array<i32>} : memref<120x128xf32, #tpu.memory_space<vmem>>, vector<16xf32>,
      tpu.vector_store %arg11[%parallel_loop3A_117, %parallel_loop3A_118], %parallel_loop3A_116 {strides = array<i32>} : memref<120x128xf32, #tpu.memory_space<vmem>>, vector<16xf32>,
      %parallel_loop3A_120 = arith.constant 0.000000e+00 : f32
      %parallel_loop3A_121 = vector.broadcast %parallel_loop3A_120 : f32 to vector<16xf32>
      %parallel_loop3A_122 = arith.index_cast %parallel_loop3A_104 : i32 to index
      %parallel_loop3A_123 = arith.constant 48 : index
      %parallel_loop3A_124 = tpu.vector_load %arg11[%parallel_loop3A_122, %parallel_loop3A_123] {strides = array<i32>} : memref<120x128xf32, #tpu.memory_space<vmem>>, vector<16xf32>,
      tpu.vector_store %arg11[%parallel_loop3A_122, %parallel_loop3A_123], %parallel_loop3A_121 {strides = array<i32>} : memref<120x128xf32, #tpu.memory_space<vmem>>, vector<16xf32>,
      %parallel_loop3A_125 = arith.constant 0.000000e+00 : f32
      %parallel_loop3A_126 = vector.broadcast %parallel_loop3A_125 : f32 to vector<16xf32>
      %parallel_loop3A_127 = arith.index_cast %parallel_loop3A_104 : i32 to index
      %parallel_loop3A_128 = arith.constant 64 : index
      %parallel_loop3A_129 = tpu.vector_load %arg11[%parallel_loop3A_127, %parallel_loop3A_128] {strides = array<i32>} : memref<120x128xf32, #tpu.memory_space<vmem>>, vector<16xf32>,
      tpu.vector_store %arg11[%parallel_loop3A_127, %parallel_loop3A_128], %parallel_loop3A_126 {strides = array<i32>} : memref<120x128xf32, #tpu.memory_space<vmem>>, vector<16xf32>,
      %parallel_loop3A_130 = arith.constant 0.000000e+00 : f32
      %parallel_loop3A_131 = vector.broadcast %parallel_loop3A_130 : f32 to vector<16xf32>
      %parallel_loop3A_132 = arith.index_cast %parallel_loop3A_104 : i32 to index
      %parallel_loop3A_133 = arith.constant 80 : index
      %parallel_loop3A_134 = tpu.vector_load %arg11[%parallel_loop3A_132, %parallel_loop3A_133] {strides = array<i32>} : memref<120x128xf32, #tpu.memory_space<vmem>>, vector<16xf32>,
      tpu.vector_store %arg11[%parallel_loop3A_132, %parallel_loop3A_133], %parallel_loop3A_131 {strides = array<i32>} : memref<120x128xf32, #tpu.memory_space<vmem>>, vector<16xf32>,
      %parallel_loop3A_135 = arith.constant 0.000000e+00 : f32
      %parallel_loop3A_136 = vector.broadcast %parallel_loop3A_135 : f32 to vector<16xf32>
      %parallel_loop3A_137 = arith.index_cast %parallel_loop3A_104 : i32 to index
      %parallel_loop3A_138 = arith.constant 96 : index
      %parallel_loop3A_139 = tpu.vector_load %arg11[%parallel_loop3A_137, %parallel_loop3A_138] {strides = array<i32>} : memref<120x128xf32, #tpu.memory_space<vmem>>, vector<16xf32>,
      tpu.vector_store %arg11[%parallel_loop3A_137, %parallel_loop3A_138], %parallel_loop3A_136 {strides = array<i32>} : memref<120x128xf32, #tpu.memory_space<vmem>>, vector<16xf32>,
      %parallel_loop3A_140 = arith.constant 0.000000e+00 : f32
      %parallel_loop3A_141 = vector.broadcast %parallel_loop3A_140 : f32 to vector<16xf32>
      %parallel_loop3A_142 = arith.index_cast %parallel_loop3A_104 : i32 to index
      %parallel_loop3A_143 = arith.constant 112 : index
      %parallel_loop3A_144 = tpu.vector_load %arg11[%parallel_loop3A_142, %parallel_loop3A_143] {strides = array<i32>} : memref<120x128xf32, #tpu.memory_space<vmem>>, vector<16xf32>,
      tpu.vector_store %arg11[%parallel_loop3A_142, %parallel_loop3A_143], %parallel_loop3A_141 {strides = array<i32>} : memref<120x128xf32, #tpu.memory_space<vmem>>, vector<16xf32>,
    } {sc.loop_unroll_factor = 1 : i64, sc.parallel_access}
    %mul3A_5 = arith.constant 640 : i32
    %mul3A_6 = arith.muli %arg1, %mul3A_5 : i32
    %add3A_7 = arith.constant 0 : i32
    %add3A_8 = arith.addi %mul3A_6, %add3A_7 : i32
    "tpu.region"() ({
      %run_scoped3A = tpu.sem_alloc : memref<!tpu.dma_semaphore, #tpu.memory_space<semaphore_mem>>
      %dma_start3A_104 = arith.constant 0 : i32
      %dma_start3A_105 = tpu.memref_slice %arg14[%add3A_8, %dma_start3A_104] : memref<10240x128xf32, #tpu.memory_space<vmem_shared>> -> memref<120x128xf32, #tpu.memory_space<vmem_shared>>
      %dma_start3A_106 = arith.constant 0 : i32
      %dma_start3A_107 = tpu.memref_slice %arg14[%add3A_8, %dma_start3A_106] : memref<10240x128xf32, #tpu.memory_space<vmem_shared>> -> memref<120x128xf32, #tpu.memory_space<vmem_shared>>
      tpu.enqueue_dma source(%arg11 : memref<120x128xf32, #tpu.memory_space<vmem>>) target(%dma_start3A_107 : memref<120x128xf32, #tpu.memory_space<vmem_shared>>) target_semaphore(%run_scoped3A : memref<!tpu.dma_semaphore, #tpu.memory_space<semaphore_mem>>)
      %dma_wait3A_108 = arith.constant 0 : i32
      %dma_wait3A_109 = tpu.memref_slice %arg14[%add3A_8, %dma_wait3A_108] : memref<10240x128xf32, #tpu.memory_space<vmem_shared>> -> memref<120x128xf32, #tpu.memory_space<vmem_shared>>
      %dma_wait3A_110 = arith.constant 0 : i32
      %dma_wait3A_111 = tpu.memref_slice %arg14[%add3A_8, %dma_wait3A_110] : memref<10240x128xf32, #tpu.memory_space<vmem_shared>> -> memref<120x128xf32, #tpu.memory_space<vmem_shared>>
      tpu.wait_dma2 semaphore(%run_scoped3A : memref<!tpu.dma_semaphore, #tpu.memory_space<semaphore_mem>>) src(%arg11 : memref<120x128xf32, #tpu.memory_space<vmem>>) dst(%dma_wait3A_111 : memref<120x128xf32, #tpu.memory_space<vmem_shared>>)
      tpu.yield
    }) : () -> ()
    %mul3A_9 = arith.constant 640 : i32
    %mul3A_10 = arith.muli %arg1, %mul3A_9 : i32
    %add3A_11 = arith.constant 120 : i32
    %add3A_12 = arith.addi %mul3A_10, %add3A_11 : i32
    "tpu.region"() ({
      %run_scoped3A = tpu.sem_alloc : memref<!tpu.dma_semaphore, #tpu.memory_space<semaphore_mem>>
      %dma_start3A_104 = arith.constant 0 : i32
      %dma_start3A_105 = tpu.memref_slice %arg14[%add3A_12, %dma_start3A_104] : memref<10240x128xf32, #tpu.memory_space<vmem_shared>> -> memref<120x128xf32, #tpu.memory_space<vmem_shared>>
      %dma_start3A_106 = arith.constant 0 : i32
      %dma_start3A_107 = tpu.memref_slice %arg14[%add3A_12, %dma_start3A_106] : memref<10240x128xf32, #tpu.memory_space<vmem_shared>> -> memref<120x128xf32, #tpu.memory_space<vmem_shared>>
      tpu.enqueue_dma source(%arg11 : memref<120x128xf32, #tpu.memory_space<vmem>>) target(%dma_start3A_107 : memref<120x128xf32, #tpu.memory_space<vmem_shared>>) target_semaphore(%run_scoped3A : memref<!tpu.dma_semaphore, #tpu.memory_space<semaphore_mem>>)
      %dma_wait3A_108 = arith.constant 0 : i32
      %dma_wait3A_109 = tpu.memref_slice %arg14[%add3A_12, %dma_wait3A_108] : memref<10240x128xf32, #tpu.memory_space<vmem_shared>> -> memref<120x128xf32, #tpu.memory_space<vmem_shared>>
      %dma_wait3A_110 = arith.constant 0 : i32
      %dma_wait3A_111 = tpu.memref_slice %arg14[%add3A_12, %dma_wait3A_110] : memref<10240x128xf32, #tpu.memory_space<vmem_shared>> -> memref<120x128xf32, #tpu.memory_space<vmem_shared>>
      tpu.wait_dma2 semaphore(%run_scoped3A : memref<!tpu.dma_semaphore, #tpu.memory_space<semaphore_mem>>) src(%arg11 : memref<120x128xf32, #tpu.memory_space<vmem>>) dst(%dma_wait3A_111 : memref<120x128xf32, #tpu.memory_space<vmem_shared>>)
      tpu.yield
    }) : () -> ()
    %mul3A_13 = arith.constant 640 : i32
    %mul3A_14 = arith.muli %arg1, %mul3A_13 : i32
    %add3A_15 = arith.constant 240 : i32
    %add3A_16 = arith.addi %mul3A_14, %add3A_15 : i32
    "tpu.region"() ({
      %run_scoped3A = tpu.sem_alloc : memref<!tpu.dma_semaphore, #tpu.memory_space<semaphore_mem>>
      %dma_start3A_104 = arith.constant 0 : i32
      %dma_start3A_105 = tpu.memref_slice %arg14[%add3A_16, %dma_start3A_104] : memref<10240x128xf32, #tpu.memory_space<vmem_shared>> -> memref<120x128xf32, #tpu.memory_space<vmem_shared>>
      %dma_start3A_106 = arith.constant 0 : i32
      %dma_start3A_107 = tpu.memref_slice %arg14[%add3A_16, %dma_start3A_106] : memref<10240x128xf32, #tpu.memory_space<vmem_shared>> -> memref<120x128xf32, #tpu.memory_space<vmem_shared>>
      tpu.enqueue_dma source(%arg11 : memref<120x128xf32, #tpu.memory_space<vmem>>) target(%dma_start3A_107 : memref<120x128xf32, #tpu.memory_space<vmem_shared>>) target_semaphore(%run_scoped3A : memref<!tpu.dma_semaphore, #tpu.memory_space<semaphore_mem>>)
      %dma_wait3A_108 = arith.constant 0 : i32
      %dma_wait3A_109 = tpu.memref_slice %arg14[%add3A_16, %dma_wait3A_108] : memref<10240x128xf32, #tpu.memory_space<vmem_shared>> -> memref<120x128xf32, #tpu.memory_space<vmem_shared>>
      %dma_wait3A_110 = arith.constant 0 : i32
      %dma_wait3A_111 = tpu.memref_slice %arg14[%add3A_16, %dma_wait3A_110] : memref<10240x128xf32, #tpu.memory_space<vmem_shared>> -> memref<120x128xf32, #tpu.memory_space<vmem_shared>>
      tpu.wait_dma2 semaphore(%run_scoped3A : memref<!tpu.dma_semaphore, #tpu.memory_space<semaphore_mem>>) src(%arg11 : memref<120x128xf32, #tpu.memory_space<vmem>>) dst(%dma_wait3A_111 : memref<120x128xf32, #tpu.memory_space<vmem_shared>>)
      tpu.yield
    }) : () -> ()
    %mul3A_17 = arith.constant 640 : i32
    %mul3A_18 = arith.muli %arg1, %mul3A_17 : i32
    %add3A_19 = arith.constant 360 : i32
    %add3A_20 = arith.addi %mul3A_18, %add3A_19 : i32
    "tpu.region"() ({
      %run_scoped3A = tpu.sem_alloc : memref<!tpu.dma_semaphore, #tpu.memory_space<semaphore_mem>>
      %dma_start3A_104 = arith.constant 0 : i32
      %dma_start3A_105 = tpu.memref_slice %arg14[%add3A_20, %dma_start3A_104] : memref<10240x128xf32, #tpu.memory_space<vmem_shared>> -> memref<120x128xf32, #tpu.memory_space<vmem_shared>>
      %dma_start3A_106 = arith.constant 0 : i32
      %dma_start3A_107 = tpu.memref_slice %arg14[%add3A_20, %dma_start3A_106] : memref<10240x128xf32, #tpu.memory_space<vmem_shared>> -> memref<120x128xf32, #tpu.memory_space<vmem_shared>>
      tpu.enqueue_dma source(%arg11 : memref<120x128xf32, #tpu.memory_space<vmem>>) target(%dma_start3A_107 : memref<120x128xf32, #tpu.memory_space<vmem_shared>>) target_semaphore(%run_scoped3A : memref<!tpu.dma_semaphore, #tpu.memory_space<semaphore_mem>>)
      %dma_wait3A_108 = arith.constant 0 : i32
      %dma_wait3A_109 = tpu.memref_slice %arg14[%add3A_20, %dma_wait3A_108] : memref<10240x128xf32, #tpu.memory_space<vmem_shared>> -> memref<120x128xf32, #tpu.memory_space<vmem_shared>>
      %dma_wait3A_110 = arith.constant 0 : i32
      %dma_wait3A_111 = tpu.memref_slice %arg14[%add3A_20, %dma_wait3A_110] : memref<10240x128xf32, #tpu.memory_space<vmem_shared>> -> memref<120x128xf32, #tpu.memory_space<vmem_shared>>
      tpu.wait_dma2 semaphore(%run_scoped3A : memref<!tpu.dma_semaphore, #tpu.memory_space<semaphore_mem>>) src(%arg11 : memref<120x128xf32, #tpu.memory_space<vmem>>) dst(%dma_wait3A_111 : memref<120x128xf32, #tpu.memory_space<vmem_shared>>)
      tpu.yield
    }) : () -> ()
    %mul3A_21 = arith.constant 640 : i32
    %mul3A_22 = arith.muli %arg1, %mul3A_21 : i32
    %add3A_23 = arith.constant 480 : i32
    %add3A_24 = arith.addi %mul3A_22, %add3A_23 : i32
    "tpu.region"() ({
      %run_scoped3A = tpu.sem_alloc : memref<!tpu.dma_semaphore, #tpu.memory_space<semaphore_mem>>
      %dma_start3A_104 = arith.constant 0 : i32
      %dma_start3A_105 = tpu.memref_slice %arg14[%add3A_24, %dma_start3A_104] : memref<10240x128xf32, #tpu.memory_space<vmem_shared>> -> memref<120x128xf32, #tpu.memory_space<vmem_shared>>
      %dma_start3A_106 = arith.constant 0 : i32
      %dma_start3A_107 = tpu.memref_slice %arg14[%add3A_24, %dma_start3A_106] : memref<10240x128xf32, #tpu.memory_space<vmem_shared>> -> memref<120x128xf32, #tpu.memory_space<vmem_shared>>
      tpu.enqueue_dma source(%arg11 : memref<120x128xf32, #tpu.memory_space<vmem>>) target(%dma_start3A_107 : memref<120x128xf32, #tpu.memory_space<vmem_shared>>) target_semaphore(%run_scoped3A : memref<!tpu.dma_semaphore, #tpu.memory_space<semaphore_mem>>)
      %dma_wait3A_108 = arith.constant 0 : i32
      %dma_wait3A_109 = tpu.memref_slice %arg14[%add3A_24, %dma_wait3A_108] : memref<10240x128xf32, #tpu.memory_space<vmem_shared>> -> memref<120x128xf32, #tpu.memory_space<vmem_shared>>
      %dma_wait3A_110 = arith.constant 0 : i32
      %dma_wait3A_111 = tpu.memref_slice %arg14[%add3A_24, %dma_wait3A_110] : memref<10240x128xf32, #tpu.memory_space<vmem_shared>> -> memref<120x128xf32, #tpu.memory_space<vmem_shared>>
      tpu.wait_dma2 semaphore(%run_scoped3A : memref<!tpu.dma_semaphore, #tpu.memory_space<semaphore_mem>>) src(%arg11 : memref<120x128xf32, #tpu.memory_space<vmem>>) dst(%dma_wait3A_111 : memref<120x128xf32, #tpu.memory_space<vmem_shared>>)
      tpu.yield
    }) : () -> ()
    %mul3A_25 = arith.constant 640 : i32
    %mul3A_26 = arith.muli %arg1, %mul3A_25 : i32
    %add3A_27 = arith.constant 600 : i32
    %add3A_28 = arith.addi %mul3A_26, %add3A_27 : i32
    "tpu.region"() ({
      %run_scoped3A = tpu.sem_alloc : memref<!tpu.dma_semaphore, #tpu.memory_space<semaphore_mem>>
      %dma_start3A_104 = arith.constant 0 : i32
      %dma_start3A_105 = arith.constant 0 : i32
      %dma_start3A_106 = tpu.memref_slice %arg11[%dma_start3A_104, %dma_start3A_105] : memref<120x128xf32, #tpu.memory_space<vmem>> -> memref<40x128xf32, #tpu.memory_space<vmem>>
      %dma_start3A_107 = arith.constant 0 : i32
      %dma_start3A_108 = tpu.memref_slice %arg14[%add3A_28, %dma_start3A_107] : memref<10240x128xf32, #tpu.memory_space<vmem_shared>> -> memref<40x128xf32, #tpu.memory_space<vmem_shared>>
      %dma_start3A_109 = arith.constant 0 : i32
      %dma_start3A_110 = tpu.memref_slice %arg14[%add3A_28, %dma_start3A_109] : memref<10240x128xf32, #tpu.memory_space<vmem_shared>> -> memref<40x128xf32, #tpu.memory_space<vmem_shared>>
      %dma_start3A_111 = arith.constant 0 : i32
      %dma_start3A_112 = arith.constant 0 : i32
      %dma_start3A_113 = tpu.memref_slice %arg11[%dma_start3A_111, %dma_start3A_112] : memref<120x128xf32, #tpu.memory_space<vmem>> -> memref<40x128xf32, #tpu.memory_space<vmem>>
      tpu.enqueue_dma source(%dma_start3A_113 : memref<40x128xf32, #tpu.memory_space<vmem>>) target(%dma_start3A_110 : memref<40x128xf32, #tpu.memory_space<vmem_shared>>) target_semaphore(%run_scoped3A : memref<!tpu.dma_semaphore, #tpu.memory_space<semaphore_mem>>)
      %dma_wait3A_114 = arith.constant 0 : i32
      %dma_wait3A_115 = arith.constant 0 : i32
      %dma_wait3A_116 = tpu.memref_slice %arg11[%dma_wait3A_114, %dma_wait3A_115] : memref<120x128xf32, #tpu.memory_space<vmem>> -> memref<40x128xf32, #tpu.memory_space<vmem>>
      %dma_wait3A_117 = arith.constant 0 : i32
      %dma_wait3A_118 = tpu.memref_slice %arg14[%add3A_28, %dma_wait3A_117] : memref<10240x128xf32, #tpu.memory_space<vmem_shared>> -> memref<40x128xf32, #tpu.memory_space<vmem_shared>>
      %dma_wait3A_119 = arith.constant 0 : i32
      %dma_wait3A_120 = tpu.memref_slice %arg14[%add3A_28, %dma_wait3A_119] : memref<10240x128xf32, #tpu.memory_space<vmem_shared>> -> memref<40x128xf32, #tpu.memory_space<vmem_shared>>
      %dma_wait3A_121 = arith.constant 0 : i32
      %dma_wait3A_122 = arith.constant 0 : i32
      %dma_wait3A_123 = tpu.memref_slice %arg11[%dma_wait3A_121, %dma_wait3A_122] : memref<120x128xf32, #tpu.memory_space<vmem>> -> memref<40x128xf32, #tpu.memory_space<vmem>>
      tpu.wait_dma2 semaphore(%run_scoped3A : memref<!tpu.dma_semaphore, #tpu.memory_space<semaphore_mem>>) src(%dma_wait3A_123 : memref<40x128xf32, #tpu.memory_space<vmem>>) dst(%dma_wait3A_120 : memref<40x128xf32, #tpu.memory_space<vmem_shared>>)
      tpu.yield
    }) : () -> ()
    %barrier3A = arith.constant 0 : index
    tpu.barrier barrier_id(%barrier3A)
    %broadcast_in_dim3A = arith.constant 2 : i32
    %broadcast_in_dim3A_29 = vector.broadcast %broadcast_in_dim3A : i32 to vector<16xi32>
    "tpu.region"() ({
      %run_scoped3A = tpu.sem_alloc : memref<!tpu.dma_semaphore, #tpu.memory_space<semaphore_mem>>
      %dma_start3A_104 = arith.constant 0 : i32
      %dma_start3A_105 = arith.constant 0 : i32
      %dma_start3A_106 = tpu.memref_slice %arg3[%mul3A_2, %dma_start3A_104, %dma_start3A_105] : memref<2688x3x120xi32, #tpu.memory_space<hbm>> -> memref<1x3x120xi32, #tpu.memory_space<hbm>>
      %dma_start3A_107 = tpu.memref_squeeze %dma_start3A_106 : memref<1x3x120xi32, #tpu.memory_space<hbm>> -> memref<3x120xi32, #tpu.memory_space<hbm>>
      %dma_start3A_108 = arith.constant 0 : i32
      %dma_start3A_109 = arith.constant 0 : i32
      %dma_start3A_110 = tpu.memref_slice %arg3[%mul3A_2, %dma_start3A_108, %dma_start3A_109] : memref<2688x3x120xi32, #tpu.memory_space<hbm>> -> memref<1x3x120xi32, #tpu.memory_space<hbm>>
      %dma_start3A_111 = tpu.memref_squeeze %dma_start3A_110 : memref<1x3x120xi32, #tpu.memory_space<hbm>> -> memref<3x120xi32, #tpu.memory_space<hbm>>
      tpu.enqueue_dma source(%dma_start3A_111 : memref<3x120xi32, #tpu.memory_space<hbm>>) target(%arg5 : memref<3x120xi32, #tpu.memory_space<vmem>>) target_semaphore(%run_scoped3A : memref<!tpu.dma_semaphore, #tpu.memory_space<semaphore_mem>>)
      %dma_wait3A_112 = arith.constant 0 : i32
      %dma_wait3A_113 = arith.constant 0 : i32
      %dma_wait3A_114 = tpu.memref_slice %arg3[%mul3A_2, %dma_wait3A_112, %dma_wait3A_113] : memref<2688x3x120xi32, #tpu.memory_space<hbm>> -> memref<1x3x120xi32, #tpu.memory_space<hbm>>
      %dma_wait3A_115 = tpu.memref_squeeze %dma_wait3A_114 : memref<1x3x120xi32, #tpu.memory_space<hbm>> -> memref<3x120xi32, #tpu.memory_space<hbm>>
      %dma_wait3A_116 = arith.constant 0 : i32
      %dma_wait3A_117 = arith.constant 0 : i32
      %dma_wait3A_118 = tpu.memref_slice %arg3[%mul3A_2, %dma_wait3A_116, %dma_wait3A_117] : memref<2688x3x120xi32, #tpu.memory_space<hbm>> -> memref<1x3x120xi32, #tpu.memory_space<hbm>>
      %dma_wait3A_119 = tpu.memref_squeeze %dma_wait3A_118 : memref<1x3x120xi32, #tpu.memory_space<hbm>> -> memref<3x120xi32, #tpu.memory_space<hbm>>
      tpu.wait_dma2 semaphore(%run_scoped3A : memref<!tpu.dma_semaphore, #tpu.memory_space<semaphore_mem>>) src(%dma_wait3A_119 : memref<3x120xi32, #tpu.memory_space<hbm>>) dst(%arg5 : memref<3x120xi32, #tpu.memory_space<vmem>>)
      tpu.yield
    }) : () -> ()
    %add3A_30 = arith.constant 1 : i32
    %add3A_31 = arith.addi %mul3A_2, %add3A_30 : i32
    "tpu.region"() ({
      %run_scoped3A = tpu.sem_alloc : memref<!tpu.dma_semaphore, #tpu.memory_space<semaphore_mem>>
      %dma_start3A_104 = arith.constant 0 : i32
      %dma_start3A_105 = arith.constant 0 : i32
      %dma_start3A_106 = tpu.memref_slice %arg3[%add3A_31, %dma_start3A_104, %dma_start3A_105] : memref<2688x3x120xi32, #tpu.memory_space<hbm>> -> memref<1x3x120xi32, #tpu.memory_space<hbm>>
      %dma_start3A_107 = tpu.memref_squeeze %dma_start3A_106 : memref<1x3x120xi32, #tpu.memory_space<hbm>> -> memref<3x120xi32, #tpu.memory_space<hbm>>
      %dma_start3A_108 = arith.constant 0 : i32
      %dma_start3A_109 = arith.constant 0 : i32
      %dma_start3A_110 = tpu.memref_slice %arg3[%add3A_31, %dma_start3A_108, %dma_start3A_109] : memref<2688x3x120xi32, #tpu.memory_space<hbm>> -> memref<1x3x120xi32, #tpu.memory_space<hbm>>
      %dma_start3A_111 = tpu.memref_squeeze %dma_start3A_110 : memref<1x3x120xi32, #tpu.memory_space<hbm>> -> memref<3x120xi32, #tpu.memory_space<hbm>>
      tpu.enqueue_dma source(%dma_start3A_111 : memref<3x120xi32, #tpu.memory_space<hbm>>) target(%arg6 : memref<3x120xi32, #tpu.memory_space<vmem>>) target_semaphore(%run_scoped3A : memref<!tpu.dma_semaphore, #tpu.memory_space<semaphore_mem>>)
      %dma_wait3A_112 = arith.constant 0 : i32
      %dma_wait3A_113 = arith.constant 0 : i32
      %dma_wait3A_114 = tpu.memref_slice %arg3[%add3A_31, %dma_wait3A_112, %dma_wait3A_113] : memref<2688x3x120xi32, #tpu.memory_space<hbm>> -> memref<1x3x120xi32, #tpu.memory_space<hbm>>
      %dma_wait3A_115 = tpu.memref_squeeze %dma_wait3A_114 : memref<1x3x120xi32, #tpu.memory_space<hbm>> -> memref<3x120xi32, #tpu.memory_space<hbm>>
      %dma_wait3A_116 = arith.constant 0 : i32
      %dma_wait3A_117 = arith.constant 0 : i32
      %dma_wait3A_118 = tpu.memref_slice %arg3[%add3A_31, %dma_wait3A_116, %dma_wait3A_117] : memref<2688x3x120xi32, #tpu.memory_space<hbm>> -> memref<1x3x120xi32, #tpu.memory_space<hbm>>
      %dma_wait3A_119 = tpu.memref_squeeze %dma_wait3A_118 : memref<1x3x120xi32, #tpu.memory_space<hbm>> -> memref<3x120xi32, #tpu.memory_space<hbm>>
      tpu.wait_dma2 semaphore(%run_scoped3A : memref<!tpu.dma_semaphore, #tpu.memory_space<semaphore_mem>>) src(%dma_wait3A_119 : memref<3x120xi32, #tpu.memory_space<hbm>>) dst(%arg6 : memref<3x120xi32, #tpu.memory_space<vmem>>)
      tpu.yield
    }) : () -> ()
    %dma_start3A = arith.constant 0 : i32
    %dma_start3A_32 = arith.constant 0 : i32
    %dma_start3A_33 = tpu.memref_slice %arg5[%dma_start3A, %dma_start3A_32] : memref<3x120xi32, #tpu.memory_space<vmem>> -> memref<1x120xi32, #tpu.memory_space<vmem>>
    %dma_start3A_34 = tpu.memref_squeeze %dma_start3A_33 : memref<1x120xi32, #tpu.memory_space<vmem>> -> memref<120xi32, #tpu.memory_space<vmem>>
    %dma_start3A_35 = arith.constant 0 : i32
    %dma_start3A_36 = arith.constant 0 : i32
    %dma_start3A_37 = tpu.memref_slice %arg2[%dma_start3A_35, %dma_start3A_36] : memref<10000x128xf32, #tpu.memory_space<hbm>> -> memref<10000x128xf32, #tpu.memory_space<hbm>>
    tpu.enqueue_indirect_dma source(%dma_start3A_37 : memref<10000x128xf32, #tpu.memory_space<hbm>>) target(%arg11 : memref<120x128xf32, #tpu.memory_space<vmem>>) offsets(%dma_start3A_34 : memref<120xi32, #tpu.memory_space<vmem>>) semaphore(%arg21 : memref<!tpu.dma_semaphore, #tpu.memory_space<semaphore_mem>>)
    %dma_start3A_38 = arith.constant 0 : i32
    %dma_start3A_39 = arith.constant 0 : i32
    %dma_start3A_40 = tpu.memref_slice %arg6[%dma_start3A_38, %dma_start3A_39] : memref<3x120xi32, #tpu.memory_space<vmem>> -> memref<1x120xi32, #tpu.memory_space<vmem>>
    %dma_start3A_41 = tpu.memref_squeeze %dma_start3A_40 : memref<1x120xi32, #tpu.memory_space<vmem>> -> memref<120xi32, #tpu.memory_space<vmem>>
    %dma_start3A_42 = arith.constant 0 : i32
    %dma_start3A_43 = arith.constant 0 : i32
    %dma_start3A_44 = tpu.memref_slice %arg2[%dma_start3A_42, %dma_start3A_43] : memref<10000x128xf32, #tpu.memory_space<hbm>> -> memref<10000x128xf32, #tpu.memory_space<hbm>>
    tpu.enqueue_indirect_dma source(%dma_start3A_44 : memref<10000x128xf32, #tpu.memory_space<hbm>>) target(%arg12 : memref<120x128xf32, #tpu.memory_space<vmem>>) offsets(%dma_start3A_41 : memref<120xi32, #tpu.memory_space<vmem>>) semaphore(%arg22 : memref<!tpu.dma_semaphore, #tpu.memory_space<semaphore_mem>>)
    %add3A_45 = arith.constant 2 : i32
    %add3A_46 = arith.addi %mul3A_2, %add3A_45 : i32
    %dma_start3A_47 = arith.constant 0 : i32
    %dma_start3A_48 = arith.constant 0 : i32
    %dma_start3A_49 = tpu.memref_slice %arg3[%add3A_46, %dma_start3A_47, %dma_start3A_48] : memref<2688x3x120xi32, #tpu.memory_space<hbm>> -> memref<1x3x120xi32, #tpu.memory_space<hbm>>
    %dma_start3A_50 = tpu.memref_squeeze %dma_start3A_49 : memref<1x3x120xi32, #tpu.memory_space<hbm>> -> memref<3x120xi32, #tpu.memory_space<hbm>>
    %dma_start3A_51 = arith.constant 0 : i32
    %dma_start3A_52 = arith.constant 0 : i32
    %dma_start3A_53 = tpu.memref_slice %arg3[%add3A_46, %dma_start3A_51, %dma_start3A_52] : memref<2688x3x120xi32, #tpu.memory_space<hbm>> -> memref<1x3x120xi32, #tpu.memory_space<hbm>>
    %dma_start3A_54 = tpu.memref_squeeze %dma_start3A_53 : memref<1x3x120xi32, #tpu.memory_space<hbm>> -> memref<3x120xi32, #tpu.memory_space<hbm>>
    tpu.enqueue_dma source(%dma_start3A_54 : memref<3x120xi32, #tpu.memory_space<hbm>>) target(%arg7 : memref<3x120xi32, #tpu.memory_space<vmem>>) target_semaphore(%arg17 : memref<!tpu.dma_semaphore, #tpu.memory_space<semaphore_mem>>)
    %add3A_55 = arith.constant 3 : i32
    %add3A_56 = arith.addi %mul3A_2, %add3A_55 : i32
    %dma_start3A_57 = arith.constant 0 : i32
    %dma_start3A_58 = arith.constant 0 : i32
    %dma_start3A_59 = tpu.memref_slice %arg3[%add3A_56, %dma_start3A_57, %dma_start3A_58] : memref<2688x3x120xi32, #tpu.memory_space<hbm>> -> memref<1x3x120xi32, #tpu.memory_space<hbm>>
    %dma_start3A_60 = tpu.memref_squeeze %dma_start3A_59 : memref<1x3x120xi32, #tpu.memory_space<hbm>> -> memref<3x120xi32, #tpu.memory_space<hbm>>
    %dma_start3A_61 = arith.constant 0 : i32
    %dma_start3A_62 = arith.constant 0 : i32
    %dma_start3A_63 = tpu.memref_slice %arg3[%add3A_56, %dma_start3A_61, %dma_start3A_62] : memref<2688x3x120xi32, #tpu.memory_space<hbm>> -> memref<1x3x120xi32, #tpu.memory_space<hbm>>
    %dma_start3A_64 = tpu.memref_squeeze %dma_start3A_63 : memref<1x3x120xi32, #tpu.memory_space<hbm>> -> memref<3x120xi32, #tpu.memory_space<hbm>>
    tpu.enqueue_dma source(%dma_start3A_64 : memref<3x120xi32, #tpu.memory_space<hbm>>) target(%arg8 : memref<3x120xi32, #tpu.memory_space<vmem>>) target_semaphore(%arg18 : memref<!tpu.dma_semaphore, #tpu.memory_space<semaphore_mem>>)
    %add3A_65 = arith.constant 4 : i32
    %add3A_66 = arith.addi %mul3A_2, %add3A_65 : i32
    %dma_start3A_67 = arith.constant 0 : i32
    %dma_start3A_68 = arith.constant 0 : i32
    %dma_start3A_69 = tpu.memref_slice %arg3[%add3A_66, %dma_start3A_67, %dma_start3A_68] : memref<2688x3x120xi32, #tpu.memory_space<hbm>> -> memref<1x3x120xi32, #tpu.memory_space<hbm>>
    %dma_start3A_70 = tpu.memref_squeeze %dma_start3A_69 : memref<1x3x120xi32, #tpu.memory_space<hbm>> -> memref<3x120xi32, #tpu.memory_space<hbm>>
    %dma_start3A_71 = arith.constant 0 : i32
    %dma_start3A_72 = arith.constant 0 : i32
    %dma_start3A_73 = tpu.memref_slice %arg3[%add3A_66, %dma_start3A_71, %dma_start3A_72] : memref<2688x3x120xi32, #tpu.memory_space<hbm>> -> memref<1x3x120xi32, #tpu.memory_space<hbm>>
    %dma_start3A_74 = tpu.memref_squeeze %dma_start3A_73 : memref<1x3x120xi32, #tpu.memory_space<hbm>> -> memref<3x120xi32, #tpu.memory_space<hbm>>
    tpu.enqueue_dma source(%dma_start3A_74 : memref<3x120xi32, #tpu.memory_space<hbm>>) target(%arg9 : memref<3x120xi32, #tpu.memory_space<vmem>>) target_semaphore(%arg19 : memref<!tpu.dma_semaphore, #tpu.memory_space<semaphore_mem>>)
    %scan3A = arith.constant 0 : i32
    %scan3A_75 = arith.constant 14 : i32
    %scan3A_76 = arith.addi %scan3A, %scan3A_75 : i32
    %scan3A_77 = arith.constant 1 : i32
    scf.for %scan3A_104 = %scan3A to %scan3A_76 step %scan3A_77  : i32 {
      %mul3A_105 = arith.constant 6 : i32
      %mul3A_106 = arith.muli %scan3A_104, %mul3A_105 : i32
      %add3A_107 = arith.constant 0 : i32
      %add3A_108 = arith.addi %add3A_107, %mul3A_106 : i32
      %dma_wait3A_109 = arith.constant 0 : i32
      %dma_wait3A_110 = arith.constant 0 : i32
      %dma_wait3A_111 = tpu.memref_slice %arg5[%dma_wait3A_109, %dma_wait3A_110] : memref<3x120xi32, #tpu.memory_space<vmem>> -> memref<1x120xi32, #tpu.memory_space<vmem>>
      %dma_wait3A_112 = tpu.memref_squeeze %dma_wait3A_111 : memref<1x120xi32, #tpu.memory_space<vmem>> -> memref<120xi32, #tpu.memory_space<vmem>>
      %dma_wait3A_113 = arith.constant 0 : i32
      %dma_wait3A_114 = arith.constant 0 : i32
      %dma_wait3A_115 = tpu.memref_slice %arg2[%dma_wait3A_113, %dma_wait3A_114] : memref<10000x128xf32, #tpu.memory_space<hbm>> -> memref<10000x128xf32, #tpu.memory_space<hbm>>
      tpu.wait_indirect_dma semaphore(%arg21 : memref<!tpu.dma_semaphore, #tpu.memory_space<semaphore_mem>>) src(%dma_wait3A_115 : memref<10000x128xf32, #tpu.memory_space<hbm>>) dst(%arg11 : memref<120x128xf32, #tpu.memory_space<vmem>>)
      %parallel_loop3A_116 = arith.constant 0 : i32
      %parallel_loop3A_117 = arith.constant 120 : i32
      %parallel_loop3A_118 = arith.constant 1 : i32
      scf.for %parallel_loop3A_338 = %parallel_loop3A_116 to %parallel_loop3A_117 step %parallel_loop3A_118  : i32 {
        %parallel_loop3A_339 = vector.broadcast %parallel_loop3A_338 : i32 to vector<16xi32>
        %parallel_loop3A_340 = tpu.vector_load_idx %arg5[%broadcast_in_dim3A_29, %parallel_loop3A_339] : memref<3x120xi32, #tpu.memory_space<vmem>>[vector<16xi32>, vector<16xi32>], vector<16xi32>,
        %parallel_loop3A_341 = vector.bitcast %parallel_loop3A_340 : vector<16xi32> to vector<16xf32>
        %parallel_loop3A_342 = arith.index_cast %parallel_loop3A_338 : i32 to index
        %parallel_loop3A_343 = arith.constant 0 : index
        %parallel_loop3A_344 = tpu.vector_load %arg11[%parallel_loop3A_342, %parallel_loop3A_343] {strides = array<i32>} : memref<120x128xf32, #tpu.memory_space<vmem>>, vector<16xf32>,
        %parallel_loop3A_345 = arith.mulf %parallel_loop3A_344, %parallel_loop3A_341 : vector<16xf32>
        %parallel_loop3A_346 = arith.index_cast %parallel_loop3A_338 : i32 to index
        %parallel_loop3A_347 = arith.constant 0 : index
        %parallel_loop3A_348 = tpu.vector_load %arg11[%parallel_loop3A_346, %parallel_loop3A_347] {strides = array<i32>} : memref<120x128xf32, #tpu.memory_space<vmem>>, vector<16xf32>,
        tpu.vector_store %arg11[%parallel_loop3A_346, %parallel_loop3A_347], %parallel_loop3A_345 {strides = array<i32>} : memref<120x128xf32, #tpu.memory_space<vmem>>, vector<16xf32>,
        %parallel_loop3A_349 = arith.index_cast %parallel_loop3A_338 : i32 to index
        %parallel_loop3A_350 = arith.constant 16 : index
        %parallel_loop3A_351 = tpu.vector_load %arg11[%parallel_loop3A_349, %parallel_loop3A_350] {strides = array<i32>} : memref<120x128xf32, #tpu.memory_space<vmem>>, vector<16xf32>,
        %parallel_loop3A_352 = arith.mulf %parallel_loop3A_351, %parallel_loop3A_341 : vector<16xf32>
        %parallel_loop3A_353 = arith.index_cast %parallel_loop3A_338 : i32 to index
        %parallel_loop3A_354 = arith.constant 16 : index
        %parallel_loop3A_355 = tpu.vector_load %arg11[%parallel_loop3A_353, %parallel_loop3A_354] {strides = array<i32>} : memref<120x128xf32, #tpu.memory_space<vmem>>, vector<16xf32>,
        tpu.vector_store %arg11[%parallel_loop3A_353, %parallel_loop3A_354], %parallel_loop3A_352 {strides = array<i32>} : memref<120x128xf32, #tpu.memory_space<vmem>>, vector<16xf32>,
        %parallel_loop3A_356 = arith.index_cast %parallel_loop3A_338 : i32 to index
        %parallel_loop3A_357 = arith.constant 32 : index
        %parallel_loop3A_358 = tpu.vector_load %arg11[%parallel_loop3A_356, %parallel_loop3A_357] {strides = array<i32>} : memref<120x128xf32, #tpu.memory_space<vmem>>, vector<16xf32>,
        %parallel_loop3A_359 = arith.mulf %parallel_loop3A_358, %parallel_loop3A_341 : vector<16xf32>
        %parallel_loop3A_360 = arith.index_cast %parallel_loop3A_338 : i32 to index
        %parallel_loop3A_361 = arith.constant 32 : index
        %parallel_loop3A_362 = tpu.vector_load %arg11[%parallel_loop3A_360, %parallel_loop3A_361] {strides = array<i32>} : memref<120x128xf32, #tpu.memory_space<vmem>>, vector<16xf32>,
        tpu.vector_store %arg11[%parallel_loop3A_360, %parallel_loop3A_361], %parallel_loop3A_359 {strides = array<i32>} : memref<120x128xf32, #tpu.memory_space<vmem>>, vector<16xf32>,
        %parallel_loop3A_363 = arith.index_cast %parallel_loop3A_338 : i32 to index
        %parallel_loop3A_364 = arith.constant 48 : index
        %parallel_loop3A_365 = tpu.vector_load %arg11[%parallel_loop3A_363, %parallel_loop3A_364] {strides = array<i32>} : memref<120x128xf32, #tpu.memory_space<vmem>>, vector<16xf32>,
        %parallel_loop3A_366 = arith.mulf %parallel_loop3A_365, %parallel_loop3A_341 : vector<16xf32>
        %parallel_loop3A_367 = arith.index_cast %parallel_loop3A_338 : i32 to index
        %parallel_loop3A_368 = arith.constant 48 : index
        %parallel_loop3A_369 = tpu.vector_load %arg11[%parallel_loop3A_367, %parallel_loop3A_368] {strides = array<i32>} : memref<120x128xf32, #tpu.memory_space<vmem>>, vector<16xf32>,
        tpu.vector_store %arg11[%parallel_loop3A_367, %parallel_loop3A_368], %parallel_loop3A_366 {strides = array<i32>} : memref<120x128xf32, #tpu.memory_space<vmem>>, vector<16xf32>,
        %parallel_loop3A_370 = arith.index_cast %parallel_loop3A_338 : i32 to index
        %parallel_loop3A_371 = arith.constant 64 : index
        %parallel_loop3A_372 = tpu.vector_load %arg11[%parallel_loop3A_370, %parallel_loop3A_371] {strides = array<i32>} : memref<120x128xf32, #tpu.memory_space<vmem>>, vector<16xf32>,
        %parallel_loop3A_373 = arith.mulf %parallel_loop3A_372, %parallel_loop3A_341 : vector<16xf32>
        %parallel_loop3A_374 = arith.index_cast %parallel_loop3A_338 : i32 to index
        %parallel_loop3A_375 = arith.constant 64 : index
        %parallel_loop3A_376 = tpu.vector_load %arg11[%parallel_loop3A_374, %parallel_loop3A_375] {strides = array<i32>} : memref<120x128xf32, #tpu.memory_space<vmem>>, vector<16xf32>,
        tpu.vector_store %arg11[%parallel_loop3A_374, %parallel_loop3A_375], %parallel_loop3A_373 {strides = array<i32>} : memref<120x128xf32, #tpu.memory_space<vmem>>, vector<16xf32>,
        %parallel_loop3A_377 = arith.index_cast %parallel_loop3A_338 : i32 to index
        %parallel_loop3A_378 = arith.constant 80 : index
        %parallel_loop3A_379 = tpu.vector_load %arg11[%parallel_loop3A_377, %parallel_loop3A_378] {strides = array<i32>} : memref<120x128xf32, #tpu.memory_space<vmem>>, vector<16xf32>,
        %parallel_loop3A_380 = arith.mulf %parallel_loop3A_379, %parallel_loop3A_341 : vector<16xf32>
        %parallel_loop3A_381 = arith.index_cast %parallel_loop3A_338 : i32 to index
        %parallel_loop3A_382 = arith.constant 80 : index
        %parallel_loop3A_383 = tpu.vector_load %arg11[%parallel_loop3A_381, %parallel_loop3A_382] {strides = array<i32>} : memref<120x128xf32, #tpu.memory_space<vmem>>, vector<16xf32>,
        tpu.vector_store %arg11[%parallel_loop3A_381, %parallel_loop3A_382], %parallel_loop3A_380 {strides = array<i32>} : memref<120x128xf32, #tpu.memory_space<vmem>>, vector<16xf32>,
        %parallel_loop3A_384 = arith.index_cast %parallel_loop3A_338 : i32 to index
        %parallel_loop3A_385 = arith.constant 96 : index
        %parallel_loop3A_386 = tpu.vector_load %arg11[%parallel_loop3A_384, %parallel_loop3A_385] {strides = array<i32>} : memref<120x128xf32, #tpu.memory_space<vmem>>, vector<16xf32>,
        %parallel_loop3A_387 = arith.mulf %parallel_loop3A_386, %parallel_loop3A_341 : vector<16xf32>
        %parallel_loop3A_388 = arith.index_cast %parallel_loop3A_338 : i32 to index
        %parallel_loop3A_389 = arith.constant 96 : index
        %parallel_loop3A_390 = tpu.vector_load %arg11[%parallel_loop3A_388, %parallel_loop3A_389] {strides = array<i32>} : memref<120x128xf32, #tpu.memory_space<vmem>>, vector<16xf32>,
        tpu.vector_store %arg11[%parallel_loop3A_388, %parallel_loop3A_389], %parallel_loop3A_387 {strides = array<i32>} : memref<120x128xf32, #tpu.memory_space<vmem>>, vector<16xf32>,
        %parallel_loop3A_391 = arith.index_cast %parallel_loop3A_338 : i32 to index
        %parallel_loop3A_392 = arith.constant 112 : index
        %parallel_loop3A_393 = tpu.vector_load %arg11[%parallel_loop3A_391, %parallel_loop3A_392] {strides = array<i32>} : memref<120x128xf32, #tpu.memory_space<vmem>>, vector<16xf32>,
        %parallel_loop3A_394 = arith.mulf %parallel_loop3A_393, %parallel_loop3A_341 : vector<16xf32>
        %parallel_loop3A_395 = arith.index_cast %parallel_loop3A_338 : i32 to index
        %parallel_loop3A_396 = arith.constant 112 : index
        %parallel_loop3A_397 = tpu.vector_load %arg11[%parallel_loop3A_395, %parallel_loop3A_396] {strides = array<i32>} : memref<120x128xf32, #tpu.memory_space<vmem>>, vector<16xf32>,
        tpu.vector_store %arg11[%parallel_loop3A_395, %parallel_loop3A_396], %parallel_loop3A_394 {strides = array<i32>} : memref<120x128xf32, #tpu.memory_space<vmem>>, vector<16xf32>,
      } {sc.loop_unroll_factor = 4 : i64, sc.parallel_access}
      %dma_start3A_119 = arith.constant 1 : i32
      %dma_start3A_120 = arith.constant 0 : i32
      %dma_start3A_121 = tpu.memref_slice %arg5[%dma_start3A_119, %dma_start3A_120] : memref<3x120xi32, #tpu.memory_space<vmem>> -> memref<1x120xi32, #tpu.memory_space<vmem>>
      %dma_start3A_122 = tpu.memref_squeeze %dma_start3A_121 : memref<1x120xi32, #tpu.memory_space<vmem>> -> memref<120xi32, #tpu.memory_space<vmem>>
      %dma_start3A_123 = arith.constant 0 : i32
      %dma_start3A_124 = arith.constant 0 : i32
      %dma_start3A_125 = tpu.memref_slice %arg14[%dma_start3A_123, %dma_start3A_124] : memref<10240x128xf32, #tpu.memory_space<vmem_shared>> -> memref<10240x128xf32, #tpu.memory_space<vmem_shared>>
      tpu.enqueue_indirect_dma source(%arg11 : memref<120x128xf32, #tpu.memory_space<vmem>>) target(%dma_start3A_125 : memref<10240x128xf32, #tpu.memory_space<vmem_shared>>) offsets(%dma_start3A_122 : memref<120xi32, #tpu.memory_space<vmem>>) semaphore(%arg24 : memref<!tpu.dma_semaphore, #tpu.memory_space<semaphore_mem>>) {add = true}
      %add3A_126 = arith.constant 2 : i32
      %add3A_127 = arith.addi %add3A_108, %add3A_126 : i32
      %ge3A = arith.constant 3 : i32
      %ge3A_128 = arith.cmpi sge, %add3A_127, %ge3A : i32
      %lt3A = arith.constant 84 : i32
      %lt3A_129 = arith.cmpi slt, %add3A_127, %lt3A : i32
      %and3A = arith.andi %ge3A_128, %lt3A_129 : i1
      %convert_element_type3A = arith.extui %and3A : i1 to i32
      %cond3A = arith.constant 0 : i32
      %cond3A_130 = arith.cmpi ne, %convert_element_type3A, %cond3A : i32
      scf.if %cond3A_130 {
        %dma_wait3A_338 = arith.constant 1 : i32
        %dma_wait3A_339 = arith.constant 0 : i32
        %dma_wait3A_340 = tpu.memref_slice %arg10[%dma_wait3A_338, %dma_wait3A_339] : memref<3x120xi32, #tpu.memory_space<vmem>> -> memref<1x120xi32, #tpu.memory_space<vmem>>
        %dma_wait3A_341 = tpu.memref_squeeze %dma_wait3A_340 : memref<1x120xi32, #tpu.memory_space<vmem>> -> memref<120xi32, #tpu.memory_space<vmem>>
        %dma_wait3A_342 = arith.constant 0 : i32
        %dma_wait3A_343 = arith.constant 0 : i32
        %dma_wait3A_344 = tpu.memref_slice %arg14[%dma_wait3A_342, %dma_wait3A_343] : memref<10240x128xf32, #tpu.memory_space<vmem_shared>> -> memref<10240x128xf32, #tpu.memory_space<vmem_shared>>
        tpu.wait_indirect_dma semaphore(%arg26 : memref<!tpu.dma_semaphore, #tpu.memory_space<semaphore_mem>>) src(%arg13 : memref<120x128xf32, #tpu.memory_space<vmem>>) dst(%dma_wait3A_344 : memref<10240x128xf32, #tpu.memory_space<vmem_shared>>)
      } else {
      }
      %lt3A_131 = arith.constant 84 : i32
      %lt3A_132 = arith.cmpi slt, %add3A_127, %lt3A_131 : i32
      %convert_element_type3A_133 = arith.extui %lt3A_132 : i1 to i32
      %cond3A_134 = arith.constant 0 : i32
      %cond3A_135 = arith.cmpi ne, %convert_element_type3A_133, %cond3A_134 : i32
      scf.if %cond3A_135 {
        %add3A_338 = arith.addi %mul3A_2, %add3A_127 : i32
        %dma_wait3A_339 = arith.constant 0 : i32
        %dma_wait3A_340 = arith.constant 0 : i32
        %dma_wait3A_341 = tpu.memref_slice %arg3[%add3A_338, %dma_wait3A_339, %dma_wait3A_340] : memref<2688x3x120xi32, #tpu.memory_space<hbm>> -> memref<1x3x120xi32, #tpu.memory_space<hbm>>
        %dma_wait3A_342 = tpu.memref_squeeze %dma_wait3A_341 : memref<1x3x120xi32, #tpu.memory_space<hbm>> -> memref<3x120xi32, #tpu.memory_space<hbm>>
        %dma_wait3A_343 = arith.constant 0 : i32
        %dma_wait3A_344 = arith.constant 0 : i32
        %dma_wait3A_345 = tpu.memref_slice %arg3[%add3A_338, %dma_wait3A_343, %dma_wait3A_344] : memref<2688x3x120xi32, #tpu.memory_space<hbm>> -> memref<1x3x120xi32, #tpu.memory_space<hbm>>
        %dma_wait3A_346 = tpu.memref_squeeze %dma_wait3A_345 : memref<1x3x120xi32, #tpu.memory_space<hbm>> -> memref<3x120xi32, #tpu.memory_space<hbm>>
        tpu.wait_dma2 semaphore(%arg17 : memref<!tpu.dma_semaphore, #tpu.memory_space<semaphore_mem>>) src(%dma_wait3A_346 : memref<3x120xi32, #tpu.memory_space<hbm>>) dst(%arg7 : memref<3x120xi32, #tpu.memory_space<vmem>>)
        %dma_start3A_347 = arith.constant 0 : i32
        %dma_start3A_348 = arith.constant 0 : i32
        %dma_start3A_349 = tpu.memref_slice %arg7[%dma_start3A_347, %dma_start3A_348] : memref<3x120xi32, #tpu.memory_space<vmem>> -> memref<1x120xi32, #tpu.memory_space<vmem>>
        %dma_start3A_350 = tpu.memref_squeeze %dma_start3A_349 : memref<1x120xi32, #tpu.memory_space<vmem>> -> memref<120xi32, #tpu.memory_space<vmem>>
        %dma_start3A_351 = arith.constant 0 : i32
        %dma_start3A_352 = arith.constant 0 : i32
        %dma_start3A_353 = tpu.memref_slice %arg2[%dma_start3A_351, %dma_start3A_352] : memref<10000x128xf32, #tpu.memory_space<hbm>> -> memref<10000x128xf32, #tpu.memory_space<hbm>>
        tpu.enqueue_indirect_dma source(%dma_start3A_353 : memref<10000x128xf32, #tpu.memory_space<hbm>>) target(%arg13 : memref<120x128xf32, #tpu.memory_space<vmem>>) offsets(%dma_start3A_350 : memref<120xi32, #tpu.memory_space<vmem>>) semaphore(%arg23 : memref<!tpu.dma_semaphore, #tpu.memory_space<semaphore_mem>>)
      } else {
      }
      %add3A_136 = arith.constant 3 : i32
      %add3A_137 = arith.addi %add3A_127, %add3A_136 : i32
      %lt3A_138 = arith.constant 84 : i32
      %lt3A_139 = arith.cmpi slt, %add3A_137, %lt3A_138 : i32
      %convert_element_type3A_140 = arith.extui %lt3A_139 : i1 to i32
      %cond3A_141 = arith.constant 0 : i32
      %cond3A_142 = arith.cmpi ne, %convert_element_type3A_140, %cond3A_141 : i32
      scf.if %cond3A_142 {
        %add3A_338 = arith.addi %mul3A_2, %add3A_127 : i32
        %add3A_339 = arith.constant 3 : i32
        %add3A_340 = arith.addi %add3A_338, %add3A_339 : i32
        %dma_start3A_341 = arith.constant 0 : i32
        %dma_start3A_342 = arith.constant 0 : i32
        %dma_start3A_343 = tpu.memref_slice %arg3[%add3A_340, %dma_start3A_341, %dma_start3A_342] : memref<2688x3x120xi32, #tpu.memory_space<hbm>> -> memref<1x3x120xi32, #tpu.memory_space<hbm>>
        %dma_start3A_344 = tpu.memref_squeeze %dma_start3A_343 : memref<1x3x120xi32, #tpu.memory_space<hbm>> -> memref<3x120xi32, #tpu.memory_space<hbm>>
        %dma_start3A_345 = arith.constant 0 : i32
        %dma_start3A_346 = arith.constant 0 : i32
        %dma_start3A_347 = tpu.memref_slice %arg3[%add3A_340, %dma_start3A_345, %dma_start3A_346] : memref<2688x3x120xi32, #tpu.memory_space<hbm>> -> memref<1x3x120xi32, #tpu.memory_space<hbm>>
        %dma_start3A_348 = tpu.memref_squeeze %dma_start3A_347 : memref<1x3x120xi32, #tpu.memory_space<hbm>> -> memref<3x120xi32, #tpu.memory_space<hbm>>
        tpu.enqueue_dma source(%dma_start3A_348 : memref<3x120xi32, #tpu.memory_space<hbm>>) target(%arg10 : memref<3x120xi32, #tpu.memory_space<vmem>>) target_semaphore(%arg20 : memref<!tpu.dma_semaphore, #tpu.memory_space<semaphore_mem>>)
      } else {
      }
      %dma_wait3A_143 = arith.constant 0 : i32
      %dma_wait3A_144 = arith.constant 0 : i32
      %dma_wait3A_145 = tpu.memref_slice %arg6[%dma_wait3A_143, %dma_wait3A_144] : memref<3x120xi32, #tpu.memory_space<vmem>> -> memref<1x120xi32, #tpu.memory_space<vmem>>
      %dma_wait3A_146 = tpu.memref_squeeze %dma_wait3A_145 : memref<1x120xi32, #tpu.memory_space<vmem>> -> memref<120xi32, #tpu.memory_space<vmem>>
      %dma_wait3A_147 = arith.constant 0 : i32
      %dma_wait3A_148 = arith.constant 0 : i32
      %dma_wait3A_149 = tpu.memref_slice %arg2[%dma_wait3A_147, %dma_wait3A_148] : memref<10000x128xf32, #tpu.memory_space<hbm>> -> memref<10000x128xf32, #tpu.memory_space<hbm>>
      tpu.wait_indirect_dma semaphore(%arg22 : memref<!tpu.dma_semaphore, #tpu.memory_space<semaphore_mem>>) src(%dma_wait3A_149 : memref<10000x128xf32, #tpu.memory_space<hbm>>) dst(%arg12 : memref<120x128xf32, #tpu.memory_space<vmem>>)
      %parallel_loop3A_150 = arith.constant 0 : i32
      %parallel_loop3A_151 = arith.constant 120 : i32
      %parallel_loop3A_152 = arith.constant 1 : i32
      scf.for %parallel_loop3A_338 = %parallel_loop3A_150 to %parallel_loop3A_151 step %parallel_loop3A_152  : i32 {
        %parallel_loop3A_339 = vector.broadcast %parallel_loop3A_338 : i32 to vector<16xi32>
        %parallel_loop3A_340 = tpu.vector_load_idx %arg6[%broadcast_in_dim3A_29, %parallel_loop3A_339] : memref<3x120xi32, #tpu.memory_space<vmem>>[vector<16xi32>, vector<16xi32>], vector<16xi32>,
        %parallel_loop3A_341 = vector.bitcast %parallel_loop3A_340 : vector<16xi32> to vector<16xf32>
        %parallel_loop3A_342 = arith.index_cast %parallel_loop3A_338 : i32 to index
        %parallel_loop3A_343 = arith.constant 0 : index
        %parallel_loop3A_344 = tpu.vector_load %arg12[%parallel_loop3A_342, %parallel_loop3A_343] {strides = array<i32>} : memref<120x128xf32, #tpu.memory_space<vmem>>, vector<16xf32>,
        %parallel_loop3A_345 = arith.mulf %parallel_loop3A_344, %parallel_loop3A_341 : vector<16xf32>
        %parallel_loop3A_346 = arith.index_cast %parallel_loop3A_338 : i32 to index
        %parallel_loop3A_347 = arith.constant 0 : index
        %parallel_loop3A_348 = tpu.vector_load %arg12[%parallel_loop3A_346, %parallel_loop3A_347] {strides = array<i32>} : memref<120x128xf32, #tpu.memory_space<vmem>>, vector<16xf32>,
        tpu.vector_store %arg12[%parallel_loop3A_346, %parallel_loop3A_347], %parallel_loop3A_345 {strides = array<i32>} : memref<120x128xf32, #tpu.memory_space<vmem>>, vector<16xf32>,
        %parallel_loop3A_349 = arith.index_cast %parallel_loop3A_338 : i32 to index
        %parallel_loop3A_350 = arith.constant 16 : index
        %parallel_loop3A_351 = tpu.vector_load %arg12[%parallel_loop3A_349, %parallel_loop3A_350] {strides = array<i32>} : memref<120x128xf32, #tpu.memory_space<vmem>>, vector<16xf32>,
        %parallel_loop3A_352 = arith.mulf %parallel_loop3A_351, %parallel_loop3A_341 : vector<16xf32>
        %parallel_loop3A_353 = arith.index_cast %parallel_loop3A_338 : i32 to index
        %parallel_loop3A_354 = arith.constant 16 : index
        %parallel_loop3A_355 = tpu.vector_load %arg12[%parallel_loop3A_353, %parallel_loop3A_354] {strides = array<i32>} : memref<120x128xf32, #tpu.memory_space<vmem>>, vector<16xf32>,
        tpu.vector_store %arg12[%parallel_loop3A_353, %parallel_loop3A_354], %parallel_loop3A_352 {strides = array<i32>} : memref<120x128xf32, #tpu.memory_space<vmem>>, vector<16xf32>,
        %parallel_loop3A_356 = arith.index_cast %parallel_loop3A_338 : i32 to index
        %parallel_loop3A_357 = arith.constant 32 : index
        %parallel_loop3A_358 = tpu.vector_load %arg12[%parallel_loop3A_356, %parallel_loop3A_357] {strides = array<i32>} : memref<120x128xf32, #tpu.memory_space<vmem>>, vector<16xf32>,
        %parallel_loop3A_359 = arith.mulf %parallel_loop3A_358, %parallel_loop3A_341 : vector<16xf32>
        %parallel_loop3A_360 = arith.index_cast %parallel_loop3A_338 : i32 to index
        %parallel_loop3A_361 = arith.constant 32 : index
        %parallel_loop3A_362 = tpu.vector_load %arg12[%parallel_loop3A_360, %parallel_loop3A_361] {strides = array<i32>} : memref<120x128xf32, #tpu.memory_space<vmem>>, vector<16xf32>,
        tpu.vector_store %arg12[%parallel_loop3A_360, %parallel_loop3A_361], %parallel_loop3A_359 {strides = array<i32>} : memref<120x128xf32, #tpu.memory_space<vmem>>, vector<16xf32>,
        %parallel_loop3A_363 = arith.index_cast %parallel_loop3A_338 : i32 to index
        %parallel_loop3A_364 = arith.constant 48 : index
        %parallel_loop3A_365 = tpu.vector_load %arg12[%parallel_loop3A_363, %parallel_loop3A_364] {strides = array<i32>} : memref<120x128xf32, #tpu.memory_space<vmem>>, vector<16xf32>,
        %parallel_loop3A_366 = arith.mulf %parallel_loop3A_365, %parallel_loop3A_341 : vector<16xf32>
        %parallel_loop3A_367 = arith.index_cast %parallel_loop3A_338 : i32 to index
        %parallel_loop3A_368 = arith.constant 48 : index
        %parallel_loop3A_369 = tpu.vector_load %arg12[%parallel_loop3A_367, %parallel_loop3A_368] {strides = array<i32>} : memref<120x128xf32, #tpu.memory_space<vmem>>, vector<16xf32>,
        tpu.vector_store %arg12[%parallel_loop3A_367, %parallel_loop3A_368], %parallel_loop3A_366 {strides = array<i32>} : memref<120x128xf32, #tpu.memory_space<vmem>>, vector<16xf32>,
        %parallel_loop3A_370 = arith.index_cast %parallel_loop3A_338 : i32 to index
        %parallel_loop3A_371 = arith.constant 64 : index
        %parallel_loop3A_372 = tpu.vector_load %arg12[%parallel_loop3A_370, %parallel_loop3A_371] {strides = array<i32>} : memref<120x128xf32, #tpu.memory_space<vmem>>, vector<16xf32>,
        %parallel_loop3A_373 = arith.mulf %parallel_loop3A_372, %parallel_loop3A_341 : vector<16xf32>
        %parallel_loop3A_374 = arith.index_cast %parallel_loop3A_338 : i32 to index
        %parallel_loop3A_375 = arith.constant 64 : index
        %parallel_loop3A_376 = tpu.vector_load %arg12[%parallel_loop3A_374, %parallel_loop3A_375] {strides = array<i32>} : memref<120x128xf32, #tpu.memory_space<vmem>>, vector<16xf32>,
        tpu.vector_store %arg12[%parallel_loop3A_374, %parallel_loop3A_375], %parallel_loop3A_373 {strides = array<i32>} : memref<120x128xf32, #tpu.memory_space<vmem>>, vector<16xf32>,
        %parallel_loop3A_377 = arith.index_cast %parallel_loop3A_338 : i32 to index
        %parallel_loop3A_378 = arith.constant 80 : index
        %parallel_loop3A_379 = tpu.vector_load %arg12[%parallel_loop3A_377, %parallel_loop3A_378] {strides = array<i32>} : memref<120x128xf32, #tpu.memory_space<vmem>>, vector<16xf32>,
        %parallel_loop3A_380 = arith.mulf %parallel_loop3A_379, %parallel_loop3A_341 : vector<16xf32>
        %parallel_loop3A_381 = arith.index_cast %parallel_loop3A_338 : i32 to index
        %parallel_loop3A_382 = arith.constant 80 : index
        %parallel_loop3A_383 = tpu.vector_load %arg12[%parallel_loop3A_381, %parallel_loop3A_382] {strides = array<i32>} : memref<120x128xf32, #tpu.memory_space<vmem>>, vector<16xf32>,
        tpu.vector_store %arg12[%parallel_loop3A_381, %parallel_loop3A_382], %parallel_loop3A_380 {strides = array<i32>} : memref<120x128xf32, #tpu.memory_space<vmem>>, vector<16xf32>,
        %parallel_loop3A_384 = arith.index_cast %parallel_loop3A_338 : i32 to index
        %parallel_loop3A_385 = arith.constant 96 : index
        %parallel_loop3A_386 = tpu.vector_load %arg12[%parallel_loop3A_384, %parallel_loop3A_385] {strides = array<i32>} : memref<120x128xf32, #tpu.memory_space<vmem>>, vector<16xf32>,
        %parallel_loop3A_387 = arith.mulf %parallel_loop3A_386, %parallel_loop3A_341 : vector<16xf32>
        %parallel_loop3A_388 = arith.index_cast %parallel_loop3A_338 : i32 to index
        %parallel_loop3A_389 = arith.constant 96 : index
        %parallel_loop3A_390 = tpu.vector_load %arg12[%parallel_loop3A_388, %parallel_loop3A_389] {strides = array<i32>} : memref<120x128xf32, #tpu.memory_space<vmem>>, vector<16xf32>,
        tpu.vector_store %arg12[%parallel_loop3A_388, %parallel_loop3A_389], %parallel_loop3A_387 {strides = array<i32>} : memref<120x128xf32, #tpu.memory_space<vmem>>, vector<16xf32>,
        %parallel_loop3A_391 = arith.index_cast %parallel_loop3A_338 : i32 to index
        %parallel_loop3A_392 = arith.constant 112 : index
        %parallel_loop3A_393 = tpu.vector_load %arg12[%parallel_loop3A_391, %parallel_loop3A_392] {strides = array<i32>} : memref<120x128xf32, #tpu.memory_space<vmem>>, vector<16xf32>,
        %parallel_loop3A_394 = arith.mulf %parallel_loop3A_393, %parallel_loop3A_341 : vector<16xf32>
        %parallel_loop3A_395 = arith.index_cast %parallel_loop3A_338 : i32 to index
        %parallel_loop3A_396 = arith.constant 112 : index
        %parallel_loop3A_397 = tpu.vector_load %arg12[%parallel_loop3A_395, %parallel_loop3A_396] {strides = array<i32>} : memref<120x128xf32, #tpu.memory_space<vmem>>, vector<16xf32>,
        tpu.vector_store %arg12[%parallel_loop3A_395, %parallel_loop3A_396], %parallel_loop3A_394 {strides = array<i32>} : memref<120x128xf32, #tpu.memory_space<vmem>>, vector<16xf32>,
      } {sc.loop_unroll_factor = 4 : i64, sc.parallel_access}
      %dma_start3A_153 = arith.constant 1 : i32
      %dma_start3A_154 = arith.constant 0 : i32
      %dma_start3A_155 = tpu.memref_slice %arg6[%dma_start3A_153, %dma_start3A_154] : memref<3x120xi32, #tpu.memory_space<vmem>> -> memref<1x120xi32, #tpu.memory_space<vmem>>
      %dma_start3A_156 = tpu.memref_squeeze %dma_start3A_155 : memref<1x120xi32, #tpu.memory_space<vmem>> -> memref<120xi32, #tpu.memory_space<vmem>>
      %dma_start3A_157 = arith.constant 0 : i32
      %dma_start3A_158 = arith.constant 0 : i32
      %dma_start3A_159 = tpu.memref_slice %arg14[%dma_start3A_157, %dma_start3A_158] : memref<10240x128xf32, #tpu.memory_space<vmem_shared>> -> memref<10240x128xf32, #tpu.memory_space<vmem_shared>>
      tpu.enqueue_indirect_dma source(%arg12 : memref<120x128xf32, #tpu.memory_space<vmem>>) target(%dma_start3A_159 : memref<10240x128xf32, #tpu.memory_space<vmem_shared>>) offsets(%dma_start3A_156 : memref<120xi32, #tpu.memory_space<vmem>>) semaphore(%arg25 : memref<!tpu.dma_semaphore, #tpu.memory_space<semaphore_mem>>) {add = true}
      %add3A_160 = arith.constant 3 : i32
      %add3A_161 = arith.addi %add3A_108, %add3A_160 : i32
      %ge3A_162 = arith.constant 3 : i32
      %ge3A_163 = arith.cmpi sge, %add3A_161, %ge3A_162 : i32
      %lt3A_164 = arith.constant 84 : i32
      %lt3A_165 = arith.cmpi slt, %add3A_161, %lt3A_164 : i32
      %and3A_166 = arith.andi %ge3A_163, %lt3A_165 : i1
      %convert_element_type3A_167 = arith.extui %and3A_166 : i1 to i32
      %cond3A_168 = arith.constant 0 : i32
      %cond3A_169 = arith.cmpi ne, %convert_element_type3A_167, %cond3A_168 : i32
      scf.if %cond3A_169 {
        %dma_wait3A_338 = arith.constant 1 : i32
        %dma_wait3A_339 = arith.constant 0 : i32
        %dma_wait3A_340 = tpu.memref_slice %arg5[%dma_wait3A_338, %dma_wait3A_339] : memref<3x120xi32, #tpu.memory_space<vmem>> -> memref<1x120xi32, #tpu.memory_space<vmem>>
        %dma_wait3A_341 = tpu.memref_squeeze %dma_wait3A_340 : memref<1x120xi32, #tpu.memory_space<vmem>> -> memref<120xi32, #tpu.memory_space<vmem>>
        %dma_wait3A_342 = arith.constant 0 : i32
        %dma_wait3A_343 = arith.constant 0 : i32
        %dma_wait3A_344 = tpu.memref_slice %arg14[%dma_wait3A_342, %dma_wait3A_343] : memref<10240x128xf32, #tpu.memory_space<vmem_shared>> -> memref<10240x128xf32, #tpu.memory_space<vmem_shared>>
        tpu.wait_indirect_dma semaphore(%arg24 : memref<!tpu.dma_semaphore, #tpu.memory_space<semaphore_mem>>) src(%arg11 : memref<120x128xf32, #tpu.memory_space<vmem>>) dst(%dma_wait3A_344 : memref<10240x128xf32, #tpu.memory_space<vmem_shared>>)
      } else {
      }
      %lt3A_170 = arith.constant 84 : i32
      %lt3A_171 = arith.cmpi slt, %add3A_161, %lt3A_170 : i32
      %convert_element_type3A_172 = arith.extui %lt3A_171 : i1 to i32
      %cond3A_173 = arith.constant 0 : i32
      %cond3A_174 = arith.cmpi ne, %convert_element_type3A_172, %cond3A_173 : i32
      scf.if %cond3A_174 {
        %add3A_338 = arith.addi %mul3A_2, %add3A_161 : i32
        %dma_wait3A_339 = arith.constant 0 : i32
        %dma_wait3A_340 = arith.constant 0 : i32
        %dma_wait3A_341 = tpu.memref_slice %arg3[%add3A_338, %dma_wait3A_339, %dma_wait3A_340] : memref<2688x3x120xi32, #tpu.memory_space<hbm>> -> memref<1x3x120xi32, #tpu.memory_space<hbm>>
        %dma_wait3A_342 = tpu.memref_squeeze %dma_wait3A_341 : memref<1x3x120xi32, #tpu.memory_space<hbm>> -> memref<3x120xi32, #tpu.memory_space<hbm>>
        %dma_wait3A_343 = arith.constant 0 : i32
        %dma_wait3A_344 = arith.constant 0 : i32
        %dma_wait3A_345 = tpu.memref_slice %arg3[%add3A_338, %dma_wait3A_343, %dma_wait3A_344] : memref<2688x3x120xi32, #tpu.memory_space<hbm>> -> memref<1x3x120xi32, #tpu.memory_space<hbm>>
        %dma_wait3A_346 = tpu.memref_squeeze %dma_wait3A_345 : memref<1x3x120xi32, #tpu.memory_space<hbm>> -> memref<3x120xi32, #tpu.memory_space<hbm>>
        tpu.wait_dma2 semaphore(%arg18 : memref<!tpu.dma_semaphore, #tpu.memory_space<semaphore_mem>>) src(%dma_wait3A_346 : memref<3x120xi32, #tpu.memory_space<hbm>>) dst(%arg8 : memref<3x120xi32, #tpu.memory_space<vmem>>)
        %dma_start3A_347 = arith.constant 0 : i32
        %dma_start3A_348 = arith.constant 0 : i32
        %dma_start3A_349 = tpu.memref_slice %arg8[%dma_start3A_347, %dma_start3A_348] : memref<3x120xi32, #tpu.memory_space<vmem>> -> memref<1x120xi32, #tpu.memory_space<vmem>>
        %dma_start3A_350 = tpu.memref_squeeze %dma_start3A_349 : memref<1x120xi32, #tpu.memory_space<vmem>> -> memref<120xi32, #tpu.memory_space<vmem>>
        %dma_start3A_351 = arith.constant 0 : i32
        %dma_start3A_352 = arith.constant 0 : i32
        %dma_start3A_353 = tpu.memref_slice %arg2[%dma_start3A_351, %dma_start3A_352] : memref<10000x128xf32, #tpu.memory_space<hbm>> -> memref<10000x128xf32, #tpu.memory_space<hbm>>
        tpu.enqueue_indirect_dma source(%dma_start3A_353 : memref<10000x128xf32, #tpu.memory_space<hbm>>) target(%arg11 : memref<120x128xf32, #tpu.memory_space<vmem>>) offsets(%dma_start3A_350 : memref<120xi32, #tpu.memory_space<vmem>>) semaphore(%arg21 : memref<!tpu.dma_semaphore, #tpu.memory_space<semaphore_mem>>)
      } else {
      }
      %add3A_175 = arith.constant 3 : i32
      %add3A_176 = arith.addi %add3A_161, %add3A_175 : i32
      %lt3A_177 = arith.constant 84 : i32
      %lt3A_178 = arith.cmpi slt, %add3A_176, %lt3A_177 : i32
      %convert_element_type3A_179 = arith.extui %lt3A_178 : i1 to i32
      %cond3A_180 = arith.constant 0 : i32
      %cond3A_181 = arith.cmpi ne, %convert_element_type3A_179, %cond3A_180 : i32
      scf.if %cond3A_181 {
        %add3A_338 = arith.addi %mul3A_2, %add3A_161 : i32
        %add3A_339 = arith.constant 3 : i32
        %add3A_340 = arith.addi %add3A_338, %add3A_339 : i32
        %dma_start3A_341 = arith.constant 0 : i32
        %dma_start3A_342 = arith.constant 0 : i32
        %dma_start3A_343 = tpu.memref_slice %arg3[%add3A_340, %dma_start3A_341, %dma_start3A_342] : memref<2688x3x120xi32, #tpu.memory_space<hbm>> -> memref<1x3x120xi32, #tpu.memory_space<hbm>>
        %dma_start3A_344 = tpu.memref_squeeze %dma_start3A_343 : memref<1x3x120xi32, #tpu.memory_space<hbm>> -> memref<3x120xi32, #tpu.memory_space<hbm>>
        %dma_start3A_345 = arith.constant 0 : i32
        %dma_start3A_346 = arith.constant 0 : i32
        %dma_start3A_347 = tpu.memref_slice %arg3[%add3A_340, %dma_start3A_345, %dma_start3A_346] : memref<2688x3x120xi32, #tpu.memory_space<hbm>> -> memref<1x3x120xi32, #tpu.memory_space<hbm>>
        %dma_start3A_348 = tpu.memref_squeeze %dma_start3A_347 : memref<1x3x120xi32, #tpu.memory_space<hbm>> -> memref<3x120xi32, #tpu.memory_space<hbm>>
        tpu.enqueue_dma source(%dma_start3A_348 : memref<3x120xi32, #tpu.memory_space<hbm>>) target(%arg5 : memref<3x120xi32, #tpu.memory_space<vmem>>) target_semaphore(%arg15 : memref<!tpu.dma_semaphore, #tpu.memory_space<semaphore_mem>>)
      } else {
      }
      %dma_wait3A_182 = arith.constant 0 : i32
      %dma_wait3A_183 = arith.constant 0 : i32
      %dma_wait3A_184 = tpu.memref_slice %arg7[%dma_wait3A_182, %dma_wait3A_183] : memref<3x120xi32, #tpu.memory_space<vmem>> -> memref<1x120xi32, #tpu.memory_space<vmem>>
      %dma_wait3A_185 = tpu.memref_squeeze %dma_wait3A_184 : memref<1x120xi32, #tpu.memory_space<vmem>> -> memref<120xi32, #tpu.memory_space<vmem>>
      %dma_wait3A_186 = arith.constant 0 : i32
      %dma_wait3A_187 = arith.constant 0 : i32
      %dma_wait3A_188 = tpu.memref_slice %arg2[%dma_wait3A_186, %dma_wait3A_187] : memref<10000x128xf32, #tpu.memory_space<hbm>> -> memref<10000x128xf32, #tpu.memory_space<hbm>>
      tpu.wait_indirect_dma semaphore(%arg23 : memref<!tpu.dma_semaphore, #tpu.memory_space<semaphore_mem>>) src(%dma_wait3A_188 : memref<10000x128xf32, #tpu.memory_space<hbm>>) dst(%arg13 : memref<120x128xf32, #tpu.memory_space<vmem>>)
      %parallel_loop3A_189 = arith.constant 0 : i32
      %parallel_loop3A_190 = arith.constant 120 : i32
      %parallel_loop3A_191 = arith.constant 1 : i32
      scf.for %parallel_loop3A_338 = %parallel_loop3A_189 to %parallel_loop3A_190 step %parallel_loop3A_191  : i32 {
        %parallel_loop3A_339 = vector.broadcast %parallel_loop3A_338 : i32 to vector<16xi32>
        %parallel_loop3A_340 = tpu.vector_load_idx %arg7[%broadcast_in_dim3A_29, %parallel_loop3A_339] : memref<3x120xi32, #tpu.memory_space<vmem>>[vector<16xi32>, vector<16xi32>], vector<16xi32>,
        %parallel_loop3A_341 = vector.bitcast %parallel_loop3A_340 : vector<16xi32> to vector<16xf32>
        %parallel_loop3A_342 = arith.index_cast %parallel_loop3A_338 : i32 to index
        %parallel_loop3A_343 = arith.constant 0 : index
        %parallel_loop3A_344 = tpu.vector_load %arg13[%parallel_loop3A_342, %parallel_loop3A_343] {strides = array<i32>} : memref<120x128xf32, #tpu.memory_space<vmem>>, vector<16xf32>,
        %parallel_loop3A_345 = arith.mulf %parallel_loop3A_344, %parallel_loop3A_341 : vector<16xf32>
        %parallel_loop3A_346 = arith.index_cast %parallel_loop3A_338 : i32 to index
        %parallel_loop3A_347 = arith.constant 0 : index
        %parallel_loop3A_348 = tpu.vector_load %arg13[%parallel_loop3A_346, %parallel_loop3A_347] {strides = array<i32>} : memref<120x128xf32, #tpu.memory_space<vmem>>, vector<16xf32>,
        tpu.vector_store %arg13[%parallel_loop3A_346, %parallel_loop3A_347], %parallel_loop3A_345 {strides = array<i32>} : memref<120x128xf32, #tpu.memory_space<vmem>>, vector<16xf32>,
        %parallel_loop3A_349 = arith.index_cast %parallel_loop3A_338 : i32 to index
        %parallel_loop3A_350 = arith.constant 16 : index
        %parallel_loop3A_351 = tpu.vector_load %arg13[%parallel_loop3A_349, %parallel_loop3A_350] {strides = array<i32>} : memref<120x128xf32, #tpu.memory_space<vmem>>, vector<16xf32>,
        %parallel_loop3A_352 = arith.mulf %parallel_loop3A_351, %parallel_loop3A_341 : vector<16xf32>
        %parallel_loop3A_353 = arith.index_cast %parallel_loop3A_338 : i32 to index
        %parallel_loop3A_354 = arith.constant 16 : index
        %parallel_loop3A_355 = tpu.vector_load %arg13[%parallel_loop3A_353, %parallel_loop3A_354] {strides = array<i32>} : memref<120x128xf32, #tpu.memory_space<vmem>>, vector<16xf32>,
        tpu.vector_store %arg13[%parallel_loop3A_353, %parallel_loop3A_354], %parallel_loop3A_352 {strides = array<i32>} : memref<120x128xf32, #tpu.memory_space<vmem>>, vector<16xf32>,
        %parallel_loop3A_356 = arith.index_cast %parallel_loop3A_338 : i32 to index
        %parallel_loop3A_357 = arith.constant 32 : index
        %parallel_loop3A_358 = tpu.vector_load %arg13[%parallel_loop3A_356, %parallel_loop3A_357] {strides = array<i32>} : memref<120x128xf32, #tpu.memory_space<vmem>>, vector<16xf32>,
        %parallel_loop3A_359 = arith.mulf %parallel_loop3A_358, %parallel_loop3A_341 : vector<16xf32>
        %parallel_loop3A_360 = arith.index_cast %parallel_loop3A_338 : i32 to index
        %parallel_loop3A_361 = arith.constant 32 : index
        %parallel_loop3A_362 = tpu.vector_load %arg13[%parallel_loop3A_360, %parallel_loop3A_361] {strides = array<i32>} : memref<120x128xf32, #tpu.memory_space<vmem>>, vector<16xf32>,
        tpu.vector_store %arg13[%parallel_loop3A_360, %parallel_loop3A_361], %parallel_loop3A_359 {strides = array<i32>} : memref<120x128xf32, #tpu.memory_space<vmem>>, vector<16xf32>,
        %parallel_loop3A_363 = arith.index_cast %parallel_loop3A_338 : i32 to index
        %parallel_loop3A_364 = arith.constant 48 : index
        %parallel_loop3A_365 = tpu.vector_load %arg13[%parallel_loop3A_363, %parallel_loop3A_364] {strides = array<i32>} : memref<120x128xf32, #tpu.memory_space<vmem>>, vector<16xf32>,
        %parallel_loop3A_366 = arith.mulf %parallel_loop3A_365, %parallel_loop3A_341 : vector<16xf32>
        %parallel_loop3A_367 = arith.index_cast %parallel_loop3A_338 : i32 to index
        %parallel_loop3A_368 = arith.constant 48 : index
        %parallel_loop3A_369 = tpu.vector_load %arg13[%parallel_loop3A_367, %parallel_loop3A_368] {strides = array<i32>} : memref<120x128xf32, #tpu.memory_space<vmem>>, vector<16xf32>,
        tpu.vector_store %arg13[%parallel_loop3A_367, %parallel_loop3A_368], %parallel_loop3A_366 {strides = array<i32>} : memref<120x128xf32, #tpu.memory_space<vmem>>, vector<16xf32>,
        %parallel_loop3A_370 = arith.index_cast %parallel_loop3A_338 : i32 to index
        %parallel_loop3A_371 = arith.constant 64 : index
        %parallel_loop3A_372 = tpu.vector_load %arg13[%parallel_loop3A_370, %parallel_loop3A_371] {strides = array<i32>} : memref<120x128xf32, #tpu.memory_space<vmem>>, vector<16xf32>,
        %parallel_loop3A_373 = arith.mulf %parallel_loop3A_372, %parallel_loop3A_341 : vector<16xf32>
        %parallel_loop3A_374 = arith.index_cast %parallel_loop3A_338 : i32 to index
        %parallel_loop3A_375 = arith.constant 64 : index
        %parallel_loop3A_376 = tpu.vector_load %arg13[%parallel_loop3A_374, %parallel_loop3A_375] {strides = array<i32>} : memref<120x128xf32, #tpu.memory_space<vmem>>, vector<16xf32>,
        tpu.vector_store %arg13[%parallel_loop3A_374, %parallel_loop3A_375], %parallel_loop3A_373 {strides = array<i32>} : memref<120x128xf32, #tpu.memory_space<vmem>>, vector<16xf32>,
        %parallel_loop3A_377 = arith.index_cast %parallel_loop3A_338 : i32 to index
        %parallel_loop3A_378 = arith.constant 80 : index
        %parallel_loop3A_379 = tpu.vector_load %arg13[%parallel_loop3A_377, %parallel_loop3A_378] {strides = array<i32>} : memref<120x128xf32, #tpu.memory_space<vmem>>, vector<16xf32>,
        %parallel_loop3A_380 = arith.mulf %parallel_loop3A_379, %parallel_loop3A_341 : vector<16xf32>
        %parallel_loop3A_381 = arith.index_cast %parallel_loop3A_338 : i32 to index
        %parallel_loop3A_382 = arith.constant 80 : index
        %parallel_loop3A_383 = tpu.vector_load %arg13[%parallel_loop3A_381, %parallel_loop3A_382] {strides = array<i32>} : memref<120x128xf32, #tpu.memory_space<vmem>>, vector<16xf32>,
        tpu.vector_store %arg13[%parallel_loop3A_381, %parallel_loop3A_382], %parallel_loop3A_380 {strides = array<i32>} : memref<120x128xf32, #tpu.memory_space<vmem>>, vector<16xf32>,
        %parallel_loop3A_384 = arith.index_cast %parallel_loop3A_338 : i32 to index
        %parallel_loop3A_385 = arith.constant 96 : index
        %parallel_loop3A_386 = tpu.vector_load %arg13[%parallel_loop3A_384, %parallel_loop3A_385] {strides = array<i32>} : memref<120x128xf32, #tpu.memory_space<vmem>>, vector<16xf32>,
        %parallel_loop3A_387 = arith.mulf %parallel_loop3A_386, %parallel_loop3A_341 : vector<16xf32>
        %parallel_loop3A_388 = arith.index_cast %parallel_loop3A_338 : i32 to index
        %parallel_loop3A_389 = arith.constant 96 : index
        %parallel_loop3A_390 = tpu.vector_load %arg13[%parallel_loop3A_388, %parallel_loop3A_389] {strides = array<i32>} : memref<120x128xf32, #tpu.memory_space<vmem>>, vector<16xf32>,
        tpu.vector_store %arg13[%parallel_loop3A_388, %parallel_loop3A_389], %parallel_loop3A_387 {strides = array<i32>} : memref<120x128xf32, #tpu.memory_space<vmem>>, vector<16xf32>,
        %parallel_loop3A_391 = arith.index_cast %parallel_loop3A_338 : i32 to index
        %parallel_loop3A_392 = arith.constant 112 : index
        %parallel_loop3A_393 = tpu.vector_load %arg13[%parallel_loop3A_391, %parallel_loop3A_392] {strides = array<i32>} : memref<120x128xf32, #tpu.memory_space<vmem>>, vector<16xf32>,
        %parallel_loop3A_394 = arith.mulf %parallel_loop3A_393, %parallel_loop3A_341 : vector<16xf32>
        %parallel_loop3A_395 = arith.index_cast %parallel_loop3A_338 : i32 to index
        %parallel_loop3A_396 = arith.constant 112 : index
        %parallel_loop3A_397 = tpu.vector_load %arg13[%parallel_loop3A_395, %parallel_loop3A_396] {strides = array<i32>} : memref<120x128xf32, #tpu.memory_space<vmem>>, vector<16xf32>,
        tpu.vector_store %arg13[%parallel_loop3A_395, %parallel_loop3A_396], %parallel_loop3A_394 {strides = array<i32>} : memref<120x128xf32, #tpu.memory_space<vmem>>, vector<16xf32>,
      } {sc.loop_unroll_factor = 4 : i64, sc.parallel_access}
      %dma_start3A_192 = arith.constant 1 : i32
      %dma_start3A_193 = arith.constant 0 : i32
      %dma_start3A_194 = tpu.memref_slice %arg7[%dma_start3A_192, %dma_start3A_193] : memref<3x120xi32, #tpu.memory_space<vmem>> -> memref<1x120xi32, #tpu.memory_space<vmem>>
      %dma_start3A_195 = tpu.memref_squeeze %dma_start3A_194 : memref<1x120xi32, #tpu.memory_space<vmem>> -> memref<120xi32, #tpu.memory_space<vmem>>
      %dma_start3A_196 = arith.constant 0 : i32
      %dma_start3A_197 = arith.constant 0 : i32
      %dma_start3A_198 = tpu.memref_slice %arg14[%dma_start3A_196, %dma_start3A_197] : memref<10240x128xf32, #tpu.memory_space<vmem_shared>> -> memref<10240x128xf32, #tpu.memory_space<vmem_shared>>
      tpu.enqueue_indirect_dma source(%arg13 : memref<120x128xf32, #tpu.memory_space<vmem>>) target(%dma_start3A_198 : memref<10240x128xf32, #tpu.memory_space<vmem_shared>>) offsets(%dma_start3A_195 : memref<120xi32, #tpu.memory_space<vmem>>) semaphore(%arg26 : memref<!tpu.dma_semaphore, #tpu.memory_space<semaphore_mem>>) {add = true}
      %add3A_199 = arith.constant 4 : i32
      %add3A_200 = arith.addi %add3A_108, %add3A_199 : i32
      %ge3A_201 = arith.constant 3 : i32
      %ge3A_202 = arith.cmpi sge, %add3A_200, %ge3A_201 : i32
      %lt3A_203 = arith.constant 84 : i32
      %lt3A_204 = arith.cmpi slt, %add3A_200, %lt3A_203 : i32
      %and3A_205 = arith.andi %ge3A_202, %lt3A_204 : i1
      %convert_element_type3A_206 = arith.extui %and3A_205 : i1 to i32
      %cond3A_207 = arith.constant 0 : i32
      %cond3A_208 = arith.cmpi ne, %convert_element_type3A_206, %cond3A_207 : i32
      scf.if %cond3A_208 {
        %dma_wait3A_338 = arith.constant 1 : i32
        %dma_wait3A_339 = arith.constant 0 : i32
        %dma_wait3A_340 = tpu.memref_slice %arg6[%dma_wait3A_338, %dma_wait3A_339] : memref<3x120xi32, #tpu.memory_space<vmem>> -> memref<1x120xi32, #tpu.memory_space<vmem>>
        %dma_wait3A_341 = tpu.memref_squeeze %dma_wait3A_340 : memref<1x120xi32, #tpu.memory_space<vmem>> -> memref<120xi32, #tpu.memory_space<vmem>>
        %dma_wait3A_342 = arith.constant 0 : i32
        %dma_wait3A_343 = arith.constant 0 : i32
        %dma_wait3A_344 = tpu.memref_slice %arg14[%dma_wait3A_342, %dma_wait3A_343] : memref<10240x128xf32, #tpu.memory_space<vmem_shared>> -> memref<10240x128xf32, #tpu.memory_space<vmem_shared>>
        tpu.wait_indirect_dma semaphore(%arg25 : memref<!tpu.dma_semaphore, #tpu.memory_space<semaphore_mem>>) src(%arg12 : memref<120x128xf32, #tpu.memory_space<vmem>>) dst(%dma_wait3A_344 : memref<10240x128xf32, #tpu.memory_space<vmem_shared>>)
      } else {
      }
      %lt3A_209 = arith.constant 84 : i32
      %lt3A_210 = arith.cmpi slt, %add3A_200, %lt3A_209 : i32
      %convert_element_type3A_211 = arith.extui %lt3A_210 : i1 to i32
      %cond3A_212 = arith.constant 0 : i32
      %cond3A_213 = arith.cmpi ne, %convert_element_type3A_211, %cond3A_212 : i32
      scf.if %cond3A_213 {
        %add3A_338 = arith.addi %mul3A_2, %add3A_200 : i32
        %dma_wait3A_339 = arith.constant 0 : i32
        %dma_wait3A_340 = arith.constant 0 : i32
        %dma_wait3A_341 = tpu.memref_slice %arg3[%add3A_338, %dma_wait3A_339, %dma_wait3A_340] : memref<2688x3x120xi32, #tpu.memory_space<hbm>> -> memref<1x3x120xi32, #tpu.memory_space<hbm>>
        %dma_wait3A_342 = tpu.memref_squeeze %dma_wait3A_341 : memref<1x3x120xi32, #tpu.memory_space<hbm>> -> memref<3x120xi32, #tpu.memory_space<hbm>>
        %dma_wait3A_343 = arith.constant 0 : i32
        %dma_wait3A_344 = arith.constant 0 : i32
        %dma_wait3A_345 = tpu.memref_slice %arg3[%add3A_338, %dma_wait3A_343, %dma_wait3A_344] : memref<2688x3x120xi32, #tpu.memory_space<hbm>> -> memref<1x3x120xi32, #tpu.memory_space<hbm>>
        %dma_wait3A_346 = tpu.memref_squeeze %dma_wait3A_345 : memref<1x3x120xi32, #tpu.memory_space<hbm>> -> memref<3x120xi32, #tpu.memory_space<hbm>>
        tpu.wait_dma2 semaphore(%arg19 : memref<!tpu.dma_semaphore, #tpu.memory_space<semaphore_mem>>) src(%dma_wait3A_346 : memref<3x120xi32, #tpu.memory_space<hbm>>) dst(%arg9 : memref<3x120xi32, #tpu.memory_space<vmem>>)
        %dma_start3A_347 = arith.constant 0 : i32
        %dma_start3A_348 = arith.constant 0 : i32
        %dma_start3A_349 = tpu.memref_slice %arg9[%dma_start3A_347, %dma_start3A_348] : memref<3x120xi32, #tpu.memory_space<vmem>> -> memref<1x120xi32, #tpu.memory_space<vmem>>
        %dma_start3A_350 = tpu.memref_squeeze %dma_start3A_349 : memref<1x120xi32, #tpu.memory_space<vmem>> -> memref<120xi32, #tpu.memory_space<vmem>>
        %dma_start3A_351 = arith.constant 0 : i32
        %dma_start3A_352 = arith.constant 0 : i32
        %dma_start3A_353 = tpu.memref_slice %arg2[%dma_start3A_351, %dma_start3A_352] : memref<10000x128xf32, #tpu.memory_space<hbm>> -> memref<10000x128xf32, #tpu.memory_space<hbm>>
        tpu.enqueue_indirect_dma source(%dma_start3A_353 : memref<10000x128xf32, #tpu.memory_space<hbm>>) target(%arg12 : memref<120x128xf32, #tpu.memory_space<vmem>>) offsets(%dma_start3A_350 : memref<120xi32, #tpu.memory_space<vmem>>) semaphore(%arg22 : memref<!tpu.dma_semaphore, #tpu.memory_space<semaphore_mem>>)
      } else {
      }
      %add3A_214 = arith.constant 3 : i32
      %add3A_215 = arith.addi %add3A_200, %add3A_214 : i32
      %lt3A_216 = arith.constant 84 : i32
      %lt3A_217 = arith.cmpi slt, %add3A_215, %lt3A_216 : i32
      %convert_element_type3A_218 = arith.extui %lt3A_217 : i1 to i32
      %cond3A_219 = arith.constant 0 : i32
      %cond3A_220 = arith.cmpi ne, %convert_element_type3A_218, %cond3A_219 : i32
      scf.if %cond3A_220 {
        %add3A_338 = arith.addi %mul3A_2, %add3A_200 : i32
        %add3A_339 = arith.constant 3 : i32
        %add3A_340 = arith.addi %add3A_338, %add3A_339 : i32
        %dma_start3A_341 = arith.constant 0 : i32
        %dma_start3A_342 = arith.constant 0 : i32
        %dma_start3A_343 = tpu.memref_slice %arg3[%add3A_340, %dma_start3A_341, %dma_start3A_342] : memref<2688x3x120xi32, #tpu.memory_space<hbm>> -> memref<1x3x120xi32, #tpu.memory_space<hbm>>
        %dma_start3A_344 = tpu.memref_squeeze %dma_start3A_343 : memref<1x3x120xi32, #tpu.memory_space<hbm>> -> memref<3x120xi32, #tpu.memory_space<hbm>>
        %dma_start3A_345 = arith.constant 0 : i32
        %dma_start3A_346 = arith.constant 0 : i32
        %dma_start3A_347 = tpu.memref_slice %arg3[%add3A_340, %dma_start3A_345, %dma_start3A_346] : memref<2688x3x120xi32, #tpu.memory_space<hbm>> -> memref<1x3x120xi32, #tpu.memory_space<hbm>>
        %dma_start3A_348 = tpu.memref_squeeze %dma_start3A_347 : memref<1x3x120xi32, #tpu.memory_space<hbm>> -> memref<3x120xi32, #tpu.memory_space<hbm>>
        tpu.enqueue_dma source(%dma_start3A_348 : memref<3x120xi32, #tpu.memory_space<hbm>>) target(%arg6 : memref<3x120xi32, #tpu.memory_space<vmem>>) target_semaphore(%arg16 : memref<!tpu.dma_semaphore, #tpu.memory_space<semaphore_mem>>)
      } else {
      }
      %dma_wait3A_221 = arith.constant 0 : i32
      %dma_wait3A_222 = arith.constant 0 : i32
      %dma_wait3A_223 = tpu.memref_slice %arg8[%dma_wait3A_221, %dma_wait3A_222] : memref<3x120xi32, #tpu.memory_space<vmem>> -> memref<1x120xi32, #tpu.memory_space<vmem>>
      %dma_wait3A_224 = tpu.memref_squeeze %dma_wait3A_223 : memref<1x120xi32, #tpu.memory_space<vmem>> -> memref<120xi32, #tpu.memory_space<vmem>>
      %dma_wait3A_225 = arith.constant 0 : i32
      %dma_wait3A_226 = arith.constant 0 : i32
      %dma_wait3A_227 = tpu.memref_slice %arg2[%dma_wait3A_225, %dma_wait3A_226] : memref<10000x128xf32, #tpu.memory_space<hbm>> -> memref<10000x128xf32, #tpu.memory_space<hbm>>
      tpu.wait_indirect_dma semaphore(%arg21 : memref<!tpu.dma_semaphore, #tpu.memory_space<semaphore_mem>>) src(%dma_wait3A_227 : memref<10000x128xf32, #tpu.memory_space<hbm>>) dst(%arg11 : memref<120x128xf32, #tpu.memory_space<vmem>>)
      %parallel_loop3A_228 = arith.constant 0 : i32
      %parallel_loop3A_229 = arith.constant 120 : i32
      %parallel_loop3A_230 = arith.constant 1 : i32
      scf.for %parallel_loop3A_338 = %parallel_loop3A_228 to %parallel_loop3A_229 step %parallel_loop3A_230  : i32 {
        %parallel_loop3A_339 = vector.broadcast %parallel_loop3A_338 : i32 to vector<16xi32>
        %parallel_loop3A_340 = tpu.vector_load_idx %arg8[%broadcast_in_dim3A_29, %parallel_loop3A_339] : memref<3x120xi32, #tpu.memory_space<vmem>>[vector<16xi32>, vector<16xi32>], vector<16xi32>,
        %parallel_loop3A_341 = vector.bitcast %parallel_loop3A_340 : vector<16xi32> to vector<16xf32>
        %parallel_loop3A_342 = arith.index_cast %parallel_loop3A_338 : i32 to index
        %parallel_loop3A_343 = arith.constant 0 : index
        %parallel_loop3A_344 = tpu.vector_load %arg11[%parallel_loop3A_342, %parallel_loop3A_343] {strides = array<i32>} : memref<120x128xf32, #tpu.memory_space<vmem>>, vector<16xf32>,
        %parallel_loop3A_345 = arith.mulf %parallel_loop3A_344, %parallel_loop3A_341 : vector<16xf32>
        %parallel_loop3A_346 = arith.index_cast %parallel_loop3A_338 : i32 to index
        %parallel_loop3A_347 = arith.constant 0 : index
        %parallel_loop3A_348 = tpu.vector_load %arg11[%parallel_loop3A_346, %parallel_loop3A_347] {strides = array<i32>} : memref<120x128xf32, #tpu.memory_space<vmem>>, vector<16xf32>,
        tpu.vector_store %arg11[%parallel_loop3A_346, %parallel_loop3A_347], %parallel_loop3A_345 {strides = array<i32>} : memref<120x128xf32, #tpu.memory_space<vmem>>, vector<16xf32>,
        %parallel_loop3A_349 = arith.index_cast %parallel_loop3A_338 : i32 to index
        %parallel_loop3A_350 = arith.constant 16 : index
        %parallel_loop3A_351 = tpu.vector_load %arg11[%parallel_loop3A_349, %parallel_loop3A_350] {strides = array<i32>} : memref<120x128xf32, #tpu.memory_space<vmem>>, vector<16xf32>,
        %parallel_loop3A_352 = arith.mulf %parallel_loop3A_351, %parallel_loop3A_341 : vector<16xf32>
        %parallel_loop3A_353 = arith.index_cast %parallel_loop3A_338 : i32 to index
        %parallel_loop3A_354 = arith.constant 16 : index
        %parallel_loop3A_355 = tpu.vector_load %arg11[%parallel_loop3A_353, %parallel_loop3A_354] {strides = array<i32>} : memref<120x128xf32, #tpu.memory_space<vmem>>, vector<16xf32>,
        tpu.vector_store %arg11[%parallel_loop3A_353, %parallel_loop3A_354], %parallel_loop3A_352 {strides = array<i32>} : memref<120x128xf32, #tpu.memory_space<vmem>>, vector<16xf32>,
        %parallel_loop3A_356 = arith.index_cast %parallel_loop3A_338 : i32 to index
        %parallel_loop3A_357 = arith.constant 32 : index
        %parallel_loop3A_358 = tpu.vector_load %arg11[%parallel_loop3A_356, %parallel_loop3A_357] {strides = array<i32>} : memref<120x128xf32, #tpu.memory_space<vmem>>, vector<16xf32>,
        %parallel_loop3A_359 = arith.mulf %parallel_loop3A_358, %parallel_loop3A_341 : vector<16xf32>
        %parallel_loop3A_360 = arith.index_cast %parallel_loop3A_338 : i32 to index
        %parallel_loop3A_361 = arith.constant 32 : index
        %parallel_loop3A_362 = tpu.vector_load %arg11[%parallel_loop3A_360, %parallel_loop3A_361] {strides = array<i32>} : memref<120x128xf32, #tpu.memory_space<vmem>>, vector<16xf32>,
        tpu.vector_store %arg11[%parallel_loop3A_360, %parallel_loop3A_361], %parallel_loop3A_359 {strides = array<i32>} : memref<120x128xf32, #tpu.memory_space<vmem>>, vector<16xf32>,
        %parallel_loop3A_363 = arith.index_cast %parallel_loop3A_338 : i32 to index
        %parallel_loop3A_364 = arith.constant 48 : index
        %parallel_loop3A_365 = tpu.vector_load %arg11[%parallel_loop3A_363, %parallel_loop3A_364] {strides = array<i32>} : memref<120x128xf32, #tpu.memory_space<vmem>>, vector<16xf32>,
        %parallel_loop3A_366 = arith.mulf %parallel_loop3A_365, %parallel_loop3A_341 : vector<16xf32>
        %parallel_loop3A_367 = arith.index_cast %parallel_loop3A_338 : i32 to index
        %parallel_loop3A_368 = arith.constant 48 : index
        %parallel_loop3A_369 = tpu.vector_load %arg11[%parallel_loop3A_367, %parallel_loop3A_368] {strides = array<i32>} : memref<120x128xf32, #tpu.memory_space<vmem>>, vector<16xf32>,
        tpu.vector_store %arg11[%parallel_loop3A_367, %parallel_loop3A_368], %parallel_loop3A_366 {strides = array<i32>} : memref<120x128xf32, #tpu.memory_space<vmem>>, vector<16xf32>,
        %parallel_loop3A_370 = arith.index_cast %parallel_loop3A_338 : i32 to index
        %parallel_loop3A_371 = arith.constant 64 : index
        %parallel_loop3A_372 = tpu.vector_load %arg11[%parallel_loop3A_370, %parallel_loop3A_371] {strides = array<i32>} : memref<120x128xf32, #tpu.memory_space<vmem>>, vector<16xf32>,
        %parallel_loop3A_373 = arith.mulf %parallel_loop3A_372, %parallel_loop3A_341 : vector<16xf32>
        %parallel_loop3A_374 = arith.index_cast %parallel_loop3A_338 : i32 to index
        %parallel_loop3A_375 = arith.constant 64 : index
        %parallel_loop3A_376 = tpu.vector_load %arg11[%parallel_loop3A_374, %parallel_loop3A_375] {strides = array<i32>} : memref<120x128xf32, #tpu.memory_space<vmem>>, vector<16xf32>,
        tpu.vector_store %arg11[%parallel_loop3A_374, %parallel_loop3A_375], %parallel_loop3A_373 {strides = array<i32>} : memref<120x128xf32, #tpu.memory_space<vmem>>, vector<16xf32>,
        %parallel_loop3A_377 = arith.index_cast %parallel_loop3A_338 : i32 to index
        %parallel_loop3A_378 = arith.constant 80 : index
        %parallel_loop3A_379 = tpu.vector_load %arg11[%parallel_loop3A_377, %parallel_loop3A_378] {strides = array<i32>} : memref<120x128xf32, #tpu.memory_space<vmem>>, vector<16xf32>,
        %parallel_loop3A_380 = arith.mulf %parallel_loop3A_379, %parallel_loop3A_341 : vector<16xf32>
        %parallel_loop3A_381 = arith.index_cast %parallel_loop3A_338 : i32 to index
        %parallel_loop3A_382 = arith.constant 80 : index
        %parallel_loop3A_383 = tpu.vector_load %arg11[%parallel_loop3A_381, %parallel_loop3A_382] {strides = array<i32>} : memref<120x128xf32, #tpu.memory_space<vmem>>, vector<16xf32>,
        tpu.vector_store %arg11[%parallel_loop3A_381, %parallel_loop3A_382], %parallel_loop3A_380 {strides = array<i32>} : memref<120x128xf32, #tpu.memory_space<vmem>>, vector<16xf32>,
        %parallel_loop3A_384 = arith.index_cast %parallel_loop3A_338 : i32 to index
        %parallel_loop3A_385 = arith.constant 96 : index
        %parallel_loop3A_386 = tpu.vector_load %arg11[%parallel_loop3A_384, %parallel_loop3A_385] {strides = array<i32>} : memref<120x128xf32, #tpu.memory_space<vmem>>, vector<16xf32>,
        %parallel_loop3A_387 = arith.mulf %parallel_loop3A_386, %parallel_loop3A_341 : vector<16xf32>
        %parallel_loop3A_388 = arith.index_cast %parallel_loop3A_338 : i32 to index
        %parallel_loop3A_389 = arith.constant 96 : index
        %parallel_loop3A_390 = tpu.vector_load %arg11[%parallel_loop3A_388, %parallel_loop3A_389] {strides = array<i32>} : memref<120x128xf32, #tpu.memory_space<vmem>>, vector<16xf32>,
        tpu.vector_store %arg11[%parallel_loop3A_388, %parallel_loop3A_389], %parallel_loop3A_387 {strides = array<i32>} : memref<120x128xf32, #tpu.memory_space<vmem>>, vector<16xf32>,
        %parallel_loop3A_391 = arith.index_cast %parallel_loop3A_338 : i32 to index
        %parallel_loop3A_392 = arith.constant 112 : index
        %parallel_loop3A_393 = tpu.vector_load %arg11[%parallel_loop3A_391, %parallel_loop3A_392] {strides = array<i32>} : memref<120x128xf32, #tpu.memory_space<vmem>>, vector<16xf32>,
        %parallel_loop3A_394 = arith.mulf %parallel_loop3A_393, %parallel_loop3A_341 : vector<16xf32>
        %parallel_loop3A_395 = arith.index_cast %parallel_loop3A_338 : i32 to index
        %parallel_loop3A_396 = arith.constant 112 : index
        %parallel_loop3A_397 = tpu.vector_load %arg11[%parallel_loop3A_395, %parallel_loop3A_396] {strides = array<i32>} : memref<120x128xf32, #tpu.memory_space<vmem>>, vector<16xf32>,
        tpu.vector_store %arg11[%parallel_loop3A_395, %parallel_loop3A_396], %parallel_loop3A_394 {strides = array<i32>} : memref<120x128xf32, #tpu.memory_space<vmem>>, vector<16xf32>,
      } {sc.loop_unroll_factor = 4 : i64, sc.parallel_access}
      %dma_start3A_231 = arith.constant 1 : i32
      %dma_start3A_232 = arith.constant 0 : i32
      %dma_start3A_233 = tpu.memref_slice %arg8[%dma_start3A_231, %dma_start3A_232] : memref<3x120xi32, #tpu.memory_space<vmem>> -> memref<1x120xi32, #tpu.memory_space<vmem>>
      %dma_start3A_234 = tpu.memref_squeeze %dma_start3A_233 : memref<1x120xi32, #tpu.memory_space<vmem>> -> memref<120xi32, #tpu.memory_space<vmem>>
      %dma_start3A_235 = arith.constant 0 : i32
      %dma_start3A_236 = arith.constant 0 : i32
      %dma_start3A_237 = tpu.memref_slice %arg14[%dma_start3A_235, %dma_start3A_236] : memref<10240x128xf32, #tpu.memory_space<vmem_shared>> -> memref<10240x128xf32, #tpu.memory_space<vmem_shared>>
      tpu.enqueue_indirect_dma source(%arg11 : memref<120x128xf32, #tpu.memory_space<vmem>>) target(%dma_start3A_237 : memref<10240x128xf32, #tpu.memory_space<vmem_shared>>) offsets(%dma_start3A_234 : memref<120xi32, #tpu.memory_space<vmem>>) semaphore(%arg24 : memref<!tpu.dma_semaphore, #tpu.memory_space<semaphore_mem>>) {add = true}
      %add3A_238 = arith.constant 5 : i32
      %add3A_239 = arith.addi %add3A_108, %add3A_238 : i32
      %ge3A_240 = arith.constant 3 : i32
      %ge3A_241 = arith.cmpi sge, %add3A_239, %ge3A_240 : i32
      %lt3A_242 = arith.constant 84 : i32
      %lt3A_243 = arith.cmpi slt, %add3A_239, %lt3A_242 : i32
      %and3A_244 = arith.andi %ge3A_241, %lt3A_243 : i1
      %convert_element_type3A_245 = arith.extui %and3A_244 : i1 to i32
      %cond3A_246 = arith.constant 0 : i32
      %cond3A_247 = arith.cmpi ne, %convert_element_type3A_245, %cond3A_246 : i32
      scf.if %cond3A_247 {
        %dma_wait3A_338 = arith.constant 1 : i32
        %dma_wait3A_339 = arith.constant 0 : i32
        %dma_wait3A_340 = tpu.memref_slice %arg7[%dma_wait3A_338, %dma_wait3A_339] : memref<3x120xi32, #tpu.memory_space<vmem>> -> memref<1x120xi32, #tpu.memory_space<vmem>>
        %dma_wait3A_341 = tpu.memref_squeeze %dma_wait3A_340 : memref<1x120xi32, #tpu.memory_space<vmem>> -> memref<120xi32, #tpu.memory_space<vmem>>
        %dma_wait3A_342 = arith.constant 0 : i32
        %dma_wait3A_343 = arith.constant 0 : i32
        %dma_wait3A_344 = tpu.memref_slice %arg14[%dma_wait3A_342, %dma_wait3A_343] : memref<10240x128xf32, #tpu.memory_space<vmem_shared>> -> memref<10240x128xf32, #tpu.memory_space<vmem_shared>>
        tpu.wait_indirect_dma semaphore(%arg26 : memref<!tpu.dma_semaphore, #tpu.memory_space<semaphore_mem>>) src(%arg13 : memref<120x128xf32, #tpu.memory_space<vmem>>) dst(%dma_wait3A_344 : memref<10240x128xf32, #tpu.memory_space<vmem_shared>>)
      } else {
      }
      %lt3A_248 = arith.constant 84 : i32
      %lt3A_249 = arith.cmpi slt, %add3A_239, %lt3A_248 : i32
      %convert_element_type3A_250 = arith.extui %lt3A_249 : i1 to i32
      %cond3A_251 = arith.constant 0 : i32
      %cond3A_252 = arith.cmpi ne, %convert_element_type3A_250, %cond3A_251 : i32
      scf.if %cond3A_252 {
        %add3A_338 = arith.addi %mul3A_2, %add3A_239 : i32
        %dma_wait3A_339 = arith.constant 0 : i32
        %dma_wait3A_340 = arith.constant 0 : i32
        %dma_wait3A_341 = tpu.memref_slice %arg3[%add3A_338, %dma_wait3A_339, %dma_wait3A_340] : memref<2688x3x120xi32, #tpu.memory_space<hbm>> -> memref<1x3x120xi32, #tpu.memory_space<hbm>>
        %dma_wait3A_342 = tpu.memref_squeeze %dma_wait3A_341 : memref<1x3x120xi32, #tpu.memory_space<hbm>> -> memref<3x120xi32, #tpu.memory_space<hbm>>
        %dma_wait3A_343 = arith.constant 0 : i32
        %dma_wait3A_344 = arith.constant 0 : i32
        %dma_wait3A_345 = tpu.memref_slice %arg3[%add3A_338, %dma_wait3A_343, %dma_wait3A_344] : memref<2688x3x120xi32, #tpu.memory_space<hbm>> -> memref<1x3x120xi32, #tpu.memory_space<hbm>>
        %dma_wait3A_346 = tpu.memref_squeeze %dma_wait3A_345 : memref<1x3x120xi32, #tpu.memory_space<hbm>> -> memref<3x120xi32, #tpu.memory_space<hbm>>
        tpu.wait_dma2 semaphore(%arg20 : memref<!tpu.dma_semaphore, #tpu.memory_space<semaphore_mem>>) src(%dma_wait3A_346 : memref<3x120xi32, #tpu.memory_space<hbm>>) dst(%arg10 : memref<3x120xi32, #tpu.memory_space<vmem>>)
        %dma_start3A_347 = arith.constant 0 : i32
        %dma_start3A_348 = arith.constant 0 : i32
        %dma_start3A_349 = tpu.memref_slice %arg10[%dma_start3A_347, %dma_start3A_348] : memref<3x120xi32, #tpu.memory_space<vmem>> -> memref<1x120xi32, #tpu.memory_space<vmem>>
        %dma_start3A_350 = tpu.memref_squeeze %dma_start3A_349 : memref<1x120xi32, #tpu.memory_space<vmem>> -> memref<120xi32, #tpu.memory_space<vmem>>
        %dma_start3A_351 = arith.constant 0 : i32
        %dma_start3A_352 = arith.constant 0 : i32
        %dma_start3A_353 = tpu.memref_slice %arg2[%dma_start3A_351, %dma_start3A_352] : memref<10000x128xf32, #tpu.memory_space<hbm>> -> memref<10000x128xf32, #tpu.memory_space<hbm>>
        tpu.enqueue_indirect_dma source(%dma_start3A_353 : memref<10000x128xf32, #tpu.memory_space<hbm>>) target(%arg13 : memref<120x128xf32, #tpu.memory_space<vmem>>) offsets(%dma_start3A_350 : memref<120xi32, #tpu.memory_space<vmem>>) semaphore(%arg23 : memref<!tpu.dma_semaphore, #tpu.memory_space<semaphore_mem>>)
      } else {
      }
      %add3A_253 = arith.constant 3 : i32
      %add3A_254 = arith.addi %add3A_239, %add3A_253 : i32
      %lt3A_255 = arith.constant 84 : i32
      %lt3A_256 = arith.cmpi slt, %add3A_254, %lt3A_255 : i32
      %convert_element_type3A_257 = arith.extui %lt3A_256 : i1 to i32
      %cond3A_258 = arith.constant 0 : i32
      %cond3A_259 = arith.cmpi ne, %convert_element_type3A_257, %cond3A_258 : i32
      scf.if %cond3A_259 {
        %add3A_338 = arith.addi %mul3A_2, %add3A_239 : i32
        %add3A_339 = arith.constant 3 : i32
        %add3A_340 = arith.addi %add3A_338, %add3A_339 : i32
        %dma_start3A_341 = arith.constant 0 : i32
        %dma_start3A_342 = arith.constant 0 : i32
        %dma_start3A_343 = tpu.memref_slice %arg3[%add3A_340, %dma_start3A_341, %dma_start3A_342] : memref<2688x3x120xi32, #tpu.memory_space<hbm>> -> memref<1x3x120xi32, #tpu.memory_space<hbm>>
        %dma_start3A_344 = tpu.memref_squeeze %dma_start3A_343 : memref<1x3x120xi32, #tpu.memory_space<hbm>> -> memref<3x120xi32, #tpu.memory_space<hbm>>
        %dma_start3A_345 = arith.constant 0 : i32
        %dma_start3A_346 = arith.constant 0 : i32
        %dma_start3A_347 = tpu.memref_slice %arg3[%add3A_340, %dma_start3A_345, %dma_start3A_346] : memref<2688x3x120xi32, #tpu.memory_space<hbm>> -> memref<1x3x120xi32, #tpu.memory_space<hbm>>
        %dma_start3A_348 = tpu.memref_squeeze %dma_start3A_347 : memref<1x3x120xi32, #tpu.memory_space<hbm>> -> memref<3x120xi32, #tpu.memory_space<hbm>>
        tpu.enqueue_dma source(%dma_start3A_348 : memref<3x120xi32, #tpu.memory_space<hbm>>) target(%arg7 : memref<3x120xi32, #tpu.memory_space<vmem>>) target_semaphore(%arg17 : memref<!tpu.dma_semaphore, #tpu.memory_space<semaphore_mem>>)
      } else {
      }
      %dma_wait3A_260 = arith.constant 0 : i32
      %dma_wait3A_261 = arith.constant 0 : i32
      %dma_wait3A_262 = tpu.memref_slice %arg9[%dma_wait3A_260, %dma_wait3A_261] : memref<3x120xi32, #tpu.memory_space<vmem>> -> memref<1x120xi32, #tpu.memory_space<vmem>>
      %dma_wait3A_263 = tpu.memref_squeeze %dma_wait3A_262 : memref<1x120xi32, #tpu.memory_space<vmem>> -> memref<120xi32, #tpu.memory_space<vmem>>
      %dma_wait3A_264 = arith.constant 0 : i32
      %dma_wait3A_265 = arith.constant 0 : i32
      %dma_wait3A_266 = tpu.memref_slice %arg2[%dma_wait3A_264, %dma_wait3A_265] : memref<10000x128xf32, #tpu.memory_space<hbm>> -> memref<10000x128xf32, #tpu.memory_space<hbm>>
      tpu.wait_indirect_dma semaphore(%arg22 : memref<!tpu.dma_semaphore, #tpu.memory_space<semaphore_mem>>) src(%dma_wait3A_266 : memref<10000x128xf32, #tpu.memory_space<hbm>>) dst(%arg12 : memref<120x128xf32, #tpu.memory_space<vmem>>)
      %parallel_loop3A_267 = arith.constant 0 : i32
      %parallel_loop3A_268 = arith.constant 120 : i32
      %parallel_loop3A_269 = arith.constant 1 : i32
      scf.for %parallel_loop3A_338 = %parallel_loop3A_267 to %parallel_loop3A_268 step %parallel_loop3A_269  : i32 {
        %parallel_loop3A_339 = vector.broadcast %parallel_loop3A_338 : i32 to vector<16xi32>
        %parallel_loop3A_340 = tpu.vector_load_idx %arg9[%broadcast_in_dim3A_29, %parallel_loop3A_339] : memref<3x120xi32, #tpu.memory_space<vmem>>[vector<16xi32>, vector<16xi32>], vector<16xi32>,
        %parallel_loop3A_341 = vector.bitcast %parallel_loop3A_340 : vector<16xi32> to vector<16xf32>
        %parallel_loop3A_342 = arith.index_cast %parallel_loop3A_338 : i32 to index
        %parallel_loop3A_343 = arith.constant 0 : index
        %parallel_loop3A_344 = tpu.vector_load %arg12[%parallel_loop3A_342, %parallel_loop3A_343] {strides = array<i32>} : memref<120x128xf32, #tpu.memory_space<vmem>>, vector<16xf32>,
        %parallel_loop3A_345 = arith.mulf %parallel_loop3A_344, %parallel_loop3A_341 : vector<16xf32>
        %parallel_loop3A_346 = arith.index_cast %parallel_loop3A_338 : i32 to index
        %parallel_loop3A_347 = arith.constant 0 : index
        %parallel_loop3A_348 = tpu.vector_load %arg12[%parallel_loop3A_346, %parallel_loop3A_347] {strides = array<i32>} : memref<120x128xf32, #tpu.memory_space<vmem>>, vector<16xf32>,
        tpu.vector_store %arg12[%parallel_loop3A_346, %parallel_loop3A_347], %parallel_loop3A_345 {strides = array<i32>} : memref<120x128xf32, #tpu.memory_space<vmem>>, vector<16xf32>,
        %parallel_loop3A_349 = arith.index_cast %parallel_loop3A_338 : i32 to index
        %parallel_loop3A_350 = arith.constant 16 : index
        %parallel_loop3A_351 = tpu.vector_load %arg12[%parallel_loop3A_349, %parallel_loop3A_350] {strides = array<i32>} : memref<120x128xf32, #tpu.memory_space<vmem>>, vector<16xf32>,
        %parallel_loop3A_352 = arith.mulf %parallel_loop3A_351, %parallel_loop3A_341 : vector<16xf32>
        %parallel_loop3A_353 = arith.index_cast %parallel_loop3A_338 : i32 to index
        %parallel_loop3A_354 = arith.constant 16 : index
        %parallel_loop3A_355 = tpu.vector_load %arg12[%parallel_loop3A_353, %parallel_loop3A_354] {strides = array<i32>} : memref<120x128xf32, #tpu.memory_space<vmem>>, vector<16xf32>,
        tpu.vector_store %arg12[%parallel_loop3A_353, %parallel_loop3A_354], %parallel_loop3A_352 {strides = array<i32>} : memref<120x128xf32, #tpu.memory_space<vmem>>, vector<16xf32>,
        %parallel_loop3A_356 = arith.index_cast %parallel_loop3A_338 : i32 to index
        %parallel_loop3A_357 = arith.constant 32 : index
        %parallel_loop3A_358 = tpu.vector_load %arg12[%parallel_loop3A_356, %parallel_loop3A_357] {strides = array<i32>} : memref<120x128xf32, #tpu.memory_space<vmem>>, vector<16xf32>,
        %parallel_loop3A_359 = arith.mulf %parallel_loop3A_358, %parallel_loop3A_341 : vector<16xf32>
        %parallel_loop3A_360 = arith.index_cast %parallel_loop3A_338 : i32 to index
        %parallel_loop3A_361 = arith.constant 32 : index
        %parallel_loop3A_362 = tpu.vector_load %arg12[%parallel_loop3A_360, %parallel_loop3A_361] {strides = array<i32>} : memref<120x128xf32, #tpu.memory_space<vmem>>, vector<16xf32>,
        tpu.vector_store %arg12[%parallel_loop3A_360, %parallel_loop3A_361], %parallel_loop3A_359 {strides = array<i32>} : memref<120x128xf32, #tpu.memory_space<vmem>>, vector<16xf32>,
        %parallel_loop3A_363 = arith.index_cast %parallel_loop3A_338 : i32 to index
        %parallel_loop3A_364 = arith.constant 48 : index
        %parallel_loop3A_365 = tpu.vector_load %arg12[%parallel_loop3A_363, %parallel_loop3A_364] {strides = array<i32>} : memref<120x128xf32, #tpu.memory_space<vmem>>, vector<16xf32>,
        %parallel_loop3A_366 = arith.mulf %parallel_loop3A_365, %parallel_loop3A_341 : vector<16xf32>
        %parallel_loop3A_367 = arith.index_cast %parallel_loop3A_338 : i32 to index
        %parallel_loop3A_368 = arith.constant 48 : index
        %parallel_loop3A_369 = tpu.vector_load %arg12[%parallel_loop3A_367, %parallel_loop3A_368] {strides = array<i32>} : memref<120x128xf32, #tpu.memory_space<vmem>>, vector<16xf32>,
        tpu.vector_store %arg12[%parallel_loop3A_367, %parallel_loop3A_368], %parallel_loop3A_366 {strides = array<i32>} : memref<120x128xf32, #tpu.memory_space<vmem>>, vector<16xf32>,
        %parallel_loop3A_370 = arith.index_cast %parallel_loop3A_338 : i32 to index
        %parallel_loop3A_371 = arith.constant 64 : index
        %parallel_loop3A_372 = tpu.vector_load %arg12[%parallel_loop3A_370, %parallel_loop3A_371] {strides = array<i32>} : memref<120x128xf32, #tpu.memory_space<vmem>>, vector<16xf32>,
        %parallel_loop3A_373 = arith.mulf %parallel_loop3A_372, %parallel_loop3A_341 : vector<16xf32>
        %parallel_loop3A_374 = arith.index_cast %parallel_loop3A_338 : i32 to index
        %parallel_loop3A_375 = arith.constant 64 : index
        %parallel_loop3A_376 = tpu.vector_load %arg12[%parallel_loop3A_374, %parallel_loop3A_375] {strides = array<i32>} : memref<120x128xf32, #tpu.memory_space<vmem>>, vector<16xf32>,
        tpu.vector_store %arg12[%parallel_loop3A_374, %parallel_loop3A_375], %parallel_loop3A_373 {strides = array<i32>} : memref<120x128xf32, #tpu.memory_space<vmem>>, vector<16xf32>,
        %parallel_loop3A_377 = arith.index_cast %parallel_loop3A_338 : i32 to index
        %parallel_loop3A_378 = arith.constant 80 : index
        %parallel_loop3A_379 = tpu.vector_load %arg12[%parallel_loop3A_377, %parallel_loop3A_378] {strides = array<i32>} : memref<120x128xf32, #tpu.memory_space<vmem>>, vector<16xf32>,
        %parallel_loop3A_380 = arith.mulf %parallel_loop3A_379, %parallel_loop3A_341 : vector<16xf32>
        %parallel_loop3A_381 = arith.index_cast %parallel_loop3A_338 : i32 to index
        %parallel_loop3A_382 = arith.constant 80 : index
        %parallel_loop3A_383 = tpu.vector_load %arg12[%parallel_loop3A_381, %parallel_loop3A_382] {strides = array<i32>} : memref<120x128xf32, #tpu.memory_space<vmem>>, vector<16xf32>,
        tpu.vector_store %arg12[%parallel_loop3A_381, %parallel_loop3A_382], %parallel_loop3A_380 {strides = array<i32>} : memref<120x128xf32, #tpu.memory_space<vmem>>, vector<16xf32>,
        %parallel_loop3A_384 = arith.index_cast %parallel_loop3A_338 : i32 to index
        %parallel_loop3A_385 = arith.constant 96 : index
        %parallel_loop3A_386 = tpu.vector_load %arg12[%parallel_loop3A_384, %parallel_loop3A_385] {strides = array<i32>} : memref<120x128xf32, #tpu.memory_space<vmem>>, vector<16xf32>,
        %parallel_loop3A_387 = arith.mulf %parallel_loop3A_386, %parallel_loop3A_341 : vector<16xf32>
        %parallel_loop3A_388 = arith.index_cast %parallel_loop3A_338 : i32 to index
        %parallel_loop3A_389 = arith.constant 96 : index
        %parallel_loop3A_390 = tpu.vector_load %arg12[%parallel_loop3A_388, %parallel_loop3A_389] {strides = array<i32>} : memref<120x128xf32, #tpu.memory_space<vmem>>, vector<16xf32>,
        tpu.vector_store %arg12[%parallel_loop3A_388, %parallel_loop3A_389], %parallel_loop3A_387 {strides = array<i32>} : memref<120x128xf32, #tpu.memory_space<vmem>>, vector<16xf32>,
        %parallel_loop3A_391 = arith.index_cast %parallel_loop3A_338 : i32 to index
        %parallel_loop3A_392 = arith.constant 112 : index
        %parallel_loop3A_393 = tpu.vector_load %arg12[%parallel_loop3A_391, %parallel_loop3A_392] {strides = array<i32>} : memref<120x128xf32, #tpu.memory_space<vmem>>, vector<16xf32>,
        %parallel_loop3A_394 = arith.mulf %parallel_loop3A_393, %parallel_loop3A_341 : vector<16xf32>
        %parallel_loop3A_395 = arith.index_cast %parallel_loop3A_338 : i32 to index
        %parallel_loop3A_396 = arith.constant 112 : index
        %parallel_loop3A_397 = tpu.vector_load %arg12[%parallel_loop3A_395, %parallel_loop3A_396] {strides = array<i32>} : memref<120x128xf32, #tpu.memory_space<vmem>>, vector<16xf32>,
        tpu.vector_store %arg12[%parallel_loop3A_395, %parallel_loop3A_396], %parallel_loop3A_394 {strides = array<i32>} : memref<120x128xf32, #tpu.memory_space<vmem>>, vector<16xf32>,
      } {sc.loop_unroll_factor = 4 : i64, sc.parallel_access}
      %dma_start3A_270 = arith.constant 1 : i32
      %dma_start3A_271 = arith.constant 0 : i32
      %dma_start3A_272 = tpu.memref_slice %arg9[%dma_start3A_270, %dma_start3A_271] : memref<3x120xi32, #tpu.memory_space<vmem>> -> memref<1x120xi32, #tpu.memory_space<vmem>>
      %dma_start3A_273 = tpu.memref_squeeze %dma_start3A_272 : memref<1x120xi32, #tpu.memory_space<vmem>> -> memref<120xi32, #tpu.memory_space<vmem>>
      %dma_start3A_274 = arith.constant 0 : i32
      %dma_start3A_275 = arith.constant 0 : i32
      %dma_start3A_276 = tpu.memref_slice %arg14[%dma_start3A_274, %dma_start3A_275] : memref<10240x128xf32, #tpu.memory_space<vmem_shared>> -> memref<10240x128xf32, #tpu.memory_space<vmem_shared>>
      tpu.enqueue_indirect_dma source(%arg12 : memref<120x128xf32, #tpu.memory_space<vmem>>) target(%dma_start3A_276 : memref<10240x128xf32, #tpu.memory_space<vmem_shared>>) offsets(%dma_start3A_273 : memref<120xi32, #tpu.memory_space<vmem>>) semaphore(%arg25 : memref<!tpu.dma_semaphore, #tpu.memory_space<semaphore_mem>>) {add = true}
      %add3A_277 = arith.constant 6 : i32
      %add3A_278 = arith.addi %add3A_108, %add3A_277 : i32
      %ge3A_279 = arith.constant 3 : i32
      %ge3A_280 = arith.cmpi sge, %add3A_278, %ge3A_279 : i32
      %lt3A_281 = arith.constant 84 : i32
      %lt3A_282 = arith.cmpi slt, %add3A_278, %lt3A_281 : i32
      %and3A_283 = arith.andi %ge3A_280, %lt3A_282 : i1
      %convert_element_type3A_284 = arith.extui %and3A_283 : i1 to i32
      %cond3A_285 = arith.constant 0 : i32
      %cond3A_286 = arith.cmpi ne, %convert_element_type3A_284, %cond3A_285 : i32
      scf.if %cond3A_286 {
        %dma_wait3A_338 = arith.constant 1 : i32
        %dma_wait3A_339 = arith.constant 0 : i32
        %dma_wait3A_340 = tpu.memref_slice %arg8[%dma_wait3A_338, %dma_wait3A_339] : memref<3x120xi32, #tpu.memory_space<vmem>> -> memref<1x120xi32, #tpu.memory_space<vmem>>
        %dma_wait3A_341 = tpu.memref_squeeze %dma_wait3A_340 : memref<1x120xi32, #tpu.memory_space<vmem>> -> memref<120xi32, #tpu.memory_space<vmem>>
        %dma_wait3A_342 = arith.constant 0 : i32
        %dma_wait3A_343 = arith.constant 0 : i32
        %dma_wait3A_344 = tpu.memref_slice %arg14[%dma_wait3A_342, %dma_wait3A_343] : memref<10240x128xf32, #tpu.memory_space<vmem_shared>> -> memref<10240x128xf32, #tpu.memory_space<vmem_shared>>
        tpu.wait_indirect_dma semaphore(%arg24 : memref<!tpu.dma_semaphore, #tpu.memory_space<semaphore_mem>>) src(%arg11 : memref<120x128xf32, #tpu.memory_space<vmem>>) dst(%dma_wait3A_344 : memref<10240x128xf32, #tpu.memory_space<vmem_shared>>)
      } else {
      }
      %lt3A_287 = arith.constant 84 : i32
      %lt3A_288 = arith.cmpi slt, %add3A_278, %lt3A_287 : i32
      %convert_element_type3A_289 = arith.extui %lt3A_288 : i1 to i32
      %cond3A_290 = arith.constant 0 : i32
      %cond3A_291 = arith.cmpi ne, %convert_element_type3A_289, %cond3A_290 : i32
      scf.if %cond3A_291 {
        %add3A_338 = arith.addi %mul3A_2, %add3A_278 : i32
        %dma_wait3A_339 = arith.constant 0 : i32
        %dma_wait3A_340 = arith.constant 0 : i32
        %dma_wait3A_341 = tpu.memref_slice %arg3[%add3A_338, %dma_wait3A_339, %dma_wait3A_340] : memref<2688x3x120xi32, #tpu.memory_space<hbm>> -> memref<1x3x120xi32, #tpu.memory_space<hbm>>
        %dma_wait3A_342 = tpu.memref_squeeze %dma_wait3A_341 : memref<1x3x120xi32, #tpu.memory_space<hbm>> -> memref<3x120xi32, #tpu.memory_space<hbm>>
        %dma_wait3A_343 = arith.constant 0 : i32
        %dma_wait3A_344 = arith.constant 0 : i32
        %dma_wait3A_345 = tpu.memref_slice %arg3[%add3A_338, %dma_wait3A_343, %dma_wait3A_344] : memref<2688x3x120xi32, #tpu.memory_space<hbm>> -> memref<1x3x120xi32, #tpu.memory_space<hbm>>
        %dma_wait3A_346 = tpu.memref_squeeze %dma_wait3A_345 : memref<1x3x120xi32, #tpu.memory_space<hbm>> -> memref<3x120xi32, #tpu.memory_space<hbm>>
        tpu.wait_dma2 semaphore(%arg15 : memref<!tpu.dma_semaphore, #tpu.memory_space<semaphore_mem>>) src(%dma_wait3A_346 : memref<3x120xi32, #tpu.memory_space<hbm>>) dst(%arg5 : memref<3x120xi32, #tpu.memory_space<vmem>>)
        %dma_start3A_347 = arith.constant 0 : i32
        %dma_start3A_348 = arith.constant 0 : i32
        %dma_start3A_349 = tpu.memref_slice %arg5[%dma_start3A_347, %dma_start3A_348] : memref<3x120xi32, #tpu.memory_space<vmem>> -> memref<1x120xi32, #tpu.memory_space<vmem>>
        %dma_start3A_350 = tpu.memref_squeeze %dma_start3A_349 : memref<1x120xi32, #tpu.memory_space<vmem>> -> memref<120xi32, #tpu.memory_space<vmem>>
        %dma_start3A_351 = arith.constant 0 : i32
        %dma_start3A_352 = arith.constant 0 : i32
        %dma_start3A_353 = tpu.memref_slice %arg2[%dma_start3A_351, %dma_start3A_352] : memref<10000x128xf32, #tpu.memory_space<hbm>> -> memref<10000x128xf32, #tpu.memory_space<hbm>>
        tpu.enqueue_indirect_dma source(%dma_start3A_353 : memref<10000x128xf32, #tpu.memory_space<hbm>>) target(%arg11 : memref<120x128xf32, #tpu.memory_space<vmem>>) offsets(%dma_start3A_350 : memref<120xi32, #tpu.memory_space<vmem>>) semaphore(%arg21 : memref<!tpu.dma_semaphore, #tpu.memory_space<semaphore_mem>>)
      } else {
      }
      %add3A_292 = arith.constant 3 : i32
      %add3A_293 = arith.addi %add3A_278, %add3A_292 : i32
      %lt3A_294 = arith.constant 84 : i32
      %lt3A_295 = arith.cmpi slt, %add3A_293, %lt3A_294 : i32
      %convert_element_type3A_296 = arith.extui %lt3A_295 : i1 to i32
      %cond3A_297 = arith.constant 0 : i32
      %cond3A_298 = arith.cmpi ne, %convert_element_type3A_296, %cond3A_297 : i32
      scf.if %cond3A_298 {
        %add3A_338 = arith.addi %mul3A_2, %add3A_278 : i32
        %add3A_339 = arith.constant 3 : i32
        %add3A_340 = arith.addi %add3A_338, %add3A_339 : i32
        %dma_start3A_341 = arith.constant 0 : i32
        %dma_start3A_342 = arith.constant 0 : i32
        %dma_start3A_343 = tpu.memref_slice %arg3[%add3A_340, %dma_start3A_341, %dma_start3A_342] : memref<2688x3x120xi32, #tpu.memory_space<hbm>> -> memref<1x3x120xi32, #tpu.memory_space<hbm>>
        %dma_start3A_344 = tpu.memref_squeeze %dma_start3A_343 : memref<1x3x120xi32, #tpu.memory_space<hbm>> -> memref<3x120xi32, #tpu.memory_space<hbm>>
        %dma_start3A_345 = arith.constant 0 : i32
        %dma_start3A_346 = arith.constant 0 : i32
        %dma_start3A_347 = tpu.memref_slice %arg3[%add3A_340, %dma_start3A_345, %dma_start3A_346] : memref<2688x3x120xi32, #tpu.memory_space<hbm>> -> memref<1x3x120xi32, #tpu.memory_space<hbm>>
        %dma_start3A_348 = tpu.memref_squeeze %dma_start3A_347 : memref<1x3x120xi32, #tpu.memory_space<hbm>> -> memref<3x120xi32, #tpu.memory_space<hbm>>
        tpu.enqueue_dma source(%dma_start3A_348 : memref<3x120xi32, #tpu.memory_space<hbm>>) target(%arg8 : memref<3x120xi32, #tpu.memory_space<vmem>>) target_semaphore(%arg18 : memref<!tpu.dma_semaphore, #tpu.memory_space<semaphore_mem>>)
      } else {
      }
      %dma_wait3A_299 = arith.constant 0 : i32
      %dma_wait3A_300 = arith.constant 0 : i32
      %dma_wait3A_301 = tpu.memref_slice %arg10[%dma_wait3A_299, %dma_wait3A_300] : memref<3x120xi32, #tpu.memory_space<vmem>> -> memref<1x120xi32, #tpu.memory_space<vmem>>
      %dma_wait3A_302 = tpu.memref_squeeze %dma_wait3A_301 : memref<1x120xi32, #tpu.memory_space<vmem>> -> memref<120xi32, #tpu.memory_space<vmem>>
      %dma_wait3A_303 = arith.constant 0 : i32
      %dma_wait3A_304 = arith.constant 0 : i32
      %dma_wait3A_305 = tpu.memref_slice %arg2[%dma_wait3A_303, %dma_wait3A_304] : memref<10000x128xf32, #tpu.memory_space<hbm>> -> memref<10000x128xf32, #tpu.memory_space<hbm>>
      tpu.wait_indirect_dma semaphore(%arg23 : memref<!tpu.dma_semaphore, #tpu.memory_space<semaphore_mem>>) src(%dma_wait3A_305 : memref<10000x128xf32, #tpu.memory_space<hbm>>) dst(%arg13 : memref<120x128xf32, #tpu.memory_space<vmem>>)
      %parallel_loop3A_306 = arith.constant 0 : i32
      %parallel_loop3A_307 = arith.constant 120 : i32
      %parallel_loop3A_308 = arith.constant 1 : i32
      scf.for %parallel_loop3A_338 = %parallel_loop3A_306 to %parallel_loop3A_307 step %parallel_loop3A_308  : i32 {
        %parallel_loop3A_339 = vector.broadcast %parallel_loop3A_338 : i32 to vector<16xi32>
        %parallel_loop3A_340 = tpu.vector_load_idx %arg10[%broadcast_in_dim3A_29, %parallel_loop3A_339] : memref<3x120xi32, #tpu.memory_space<vmem>>[vector<16xi32>, vector<16xi32>], vector<16xi32>,
        %parallel_loop3A_341 = vector.bitcast %parallel_loop3A_340 : vector<16xi32> to vector<16xf32>
        %parallel_loop3A_342 = arith.index_cast %parallel_loop3A_338 : i32 to index
        %parallel_loop3A_343 = arith.constant 0 : index
        %parallel_loop3A_344 = tpu.vector_load %arg13[%parallel_loop3A_342, %parallel_loop3A_343] {strides = array<i32>} : memref<120x128xf32, #tpu.memory_space<vmem>>, vector<16xf32>,
        %parallel_loop3A_345 = arith.mulf %parallel_loop3A_344, %parallel_loop3A_341 : vector<16xf32>
        %parallel_loop3A_346 = arith.index_cast %parallel_loop3A_338 : i32 to index
        %parallel_loop3A_347 = arith.constant 0 : index
        %parallel_loop3A_348 = tpu.vector_load %arg13[%parallel_loop3A_346, %parallel_loop3A_347] {strides = array<i32>} : memref<120x128xf32, #tpu.memory_space<vmem>>, vector<16xf32>,
        tpu.vector_store %arg13[%parallel_loop3A_346, %parallel_loop3A_347], %parallel_loop3A_345 {strides = array<i32>} : memref<120x128xf32, #tpu.memory_space<vmem>>, vector<16xf32>,
        %parallel_loop3A_349 = arith.index_cast %parallel_loop3A_338 : i32 to index
        %parallel_loop3A_350 = arith.constant 16 : index
        %parallel_loop3A_351 = tpu.vector_load %arg13[%parallel_loop3A_349, %parallel_loop3A_350] {strides = array<i32>} : memref<120x128xf32, #tpu.memory_space<vmem>>, vector<16xf32>,
        %parallel_loop3A_352 = arith.mulf %parallel_loop3A_351, %parallel_loop3A_341 : vector<16xf32>
        %parallel_loop3A_353 = arith.index_cast %parallel_loop3A_338 : i32 to index
        %parallel_loop3A_354 = arith.constant 16 : index
        %parallel_loop3A_355 = tpu.vector_load %arg13[%parallel_loop3A_353, %parallel_loop3A_354] {strides = array<i32>} : memref<120x128xf32, #tpu.memory_space<vmem>>, vector<16xf32>,
        tpu.vector_store %arg13[%parallel_loop3A_353, %parallel_loop3A_354], %parallel_loop3A_352 {strides = array<i32>} : memref<120x128xf32, #tpu.memory_space<vmem>>, vector<16xf32>,
        %parallel_loop3A_356 = arith.index_cast %parallel_loop3A_338 : i32 to index
        %parallel_loop3A_357 = arith.constant 32 : index
        %parallel_loop3A_358 = tpu.vector_load %arg13[%parallel_loop3A_356, %parallel_loop3A_357] {strides = array<i32>} : memref<120x128xf32, #tpu.memory_space<vmem>>, vector<16xf32>,
        %parallel_loop3A_359 = arith.mulf %parallel_loop3A_358, %parallel_loop3A_341 : vector<16xf32>
        %parallel_loop3A_360 = arith.index_cast %parallel_loop3A_338 : i32 to index
        %parallel_loop3A_361 = arith.constant 32 : index
        %parallel_loop3A_362 = tpu.vector_load %arg13[%parallel_loop3A_360, %parallel_loop3A_361] {strides = array<i32>} : memref<120x128xf32, #tpu.memory_space<vmem>>, vector<16xf32>,
        tpu.vector_store %arg13[%parallel_loop3A_360, %parallel_loop3A_361], %parallel_loop3A_359 {strides = array<i32>} : memref<120x128xf32, #tpu.memory_space<vmem>>, vector<16xf32>,
        %parallel_loop3A_363 = arith.index_cast %parallel_loop3A_338 : i32 to index
        %parallel_loop3A_364 = arith.constant 48 : index
        %parallel_loop3A_365 = tpu.vector_load %arg13[%parallel_loop3A_363, %parallel_loop3A_364] {strides = array<i32>} : memref<120x128xf32, #tpu.memory_space<vmem>>, vector<16xf32>,
        %parallel_loop3A_366 = arith.mulf %parallel_loop3A_365, %parallel_loop3A_341 : vector<16xf32>
        %parallel_loop3A_367 = arith.index_cast %parallel_loop3A_338 : i32 to index
        %parallel_loop3A_368 = arith.constant 48 : index
        %parallel_loop3A_369 = tpu.vector_load %arg13[%parallel_loop3A_367, %parallel_loop3A_368] {strides = array<i32>} : memref<120x128xf32, #tpu.memory_space<vmem>>, vector<16xf32>,
        tpu.vector_store %arg13[%parallel_loop3A_367, %parallel_loop3A_368], %parallel_loop3A_366 {strides = array<i32>} : memref<120x128xf32, #tpu.memory_space<vmem>>, vector<16xf32>,
        %parallel_loop3A_370 = arith.index_cast %parallel_loop3A_338 : i32 to index
        %parallel_loop3A_371 = arith.constant 64 : index
        %parallel_loop3A_372 = tpu.vector_load %arg13[%parallel_loop3A_370, %parallel_loop3A_371] {strides = array<i32>} : memref<120x128xf32, #tpu.memory_space<vmem>>, vector<16xf32>,
        %parallel_loop3A_373 = arith.mulf %parallel_loop3A_372, %parallel_loop3A_341 : vector<16xf32>
        %parallel_loop3A_374 = arith.index_cast %parallel_loop3A_338 : i32 to index
        %parallel_loop3A_375 = arith.constant 64 : index
        %parallel_loop3A_376 = tpu.vector_load %arg13[%parallel_loop3A_374, %parallel_loop3A_375] {strides = array<i32>} : memref<120x128xf32, #tpu.memory_space<vmem>>, vector<16xf32>,
        tpu.vector_store %arg13[%parallel_loop3A_374, %parallel_loop3A_375], %parallel_loop3A_373 {strides = array<i32>} : memref<120x128xf32, #tpu.memory_space<vmem>>, vector<16xf32>,
        %parallel_loop3A_377 = arith.index_cast %parallel_loop3A_338 : i32 to index
        %parallel_loop3A_378 = arith.constant 80 : index
        %parallel_loop3A_379 = tpu.vector_load %arg13[%parallel_loop3A_377, %parallel_loop3A_378] {strides = array<i32>} : memref<120x128xf32, #tpu.memory_space<vmem>>, vector<16xf32>,
        %parallel_loop3A_380 = arith.mulf %parallel_loop3A_379, %parallel_loop3A_341 : vector<16xf32>
        %parallel_loop3A_381 = arith.index_cast %parallel_loop3A_338 : i32 to index
        %parallel_loop3A_382 = arith.constant 80 : index
        %parallel_loop3A_383 = tpu.vector_load %arg13[%parallel_loop3A_381, %parallel_loop3A_382] {strides = array<i32>} : memref<120x128xf32, #tpu.memory_space<vmem>>, vector<16xf32>,
        tpu.vector_store %arg13[%parallel_loop3A_381, %parallel_loop3A_382], %parallel_loop3A_380 {strides = array<i32>} : memref<120x128xf32, #tpu.memory_space<vmem>>, vector<16xf32>,
        %parallel_loop3A_384 = arith.index_cast %parallel_loop3A_338 : i32 to index
        %parallel_loop3A_385 = arith.constant 96 : index
        %parallel_loop3A_386 = tpu.vector_load %arg13[%parallel_loop3A_384, %parallel_loop3A_385] {strides = array<i32>} : memref<120x128xf32, #tpu.memory_space<vmem>>, vector<16xf32>,
        %parallel_loop3A_387 = arith.mulf %parallel_loop3A_386, %parallel_loop3A_341 : vector<16xf32>
        %parallel_loop3A_388 = arith.index_cast %parallel_loop3A_338 : i32 to index
        %parallel_loop3A_389 = arith.constant 96 : index
        %parallel_loop3A_390 = tpu.vector_load %arg13[%parallel_loop3A_388, %parallel_loop3A_389] {strides = array<i32>} : memref<120x128xf32, #tpu.memory_space<vmem>>, vector<16xf32>,
        tpu.vector_store %arg13[%parallel_loop3A_388, %parallel_loop3A_389], %parallel_loop3A_387 {strides = array<i32>} : memref<120x128xf32, #tpu.memory_space<vmem>>, vector<16xf32>,
        %parallel_loop3A_391 = arith.index_cast %parallel_loop3A_338 : i32 to index
        %parallel_loop3A_392 = arith.constant 112 : index
        %parallel_loop3A_393 = tpu.vector_load %arg13[%parallel_loop3A_391, %parallel_loop3A_392] {strides = array<i32>} : memref<120x128xf32, #tpu.memory_space<vmem>>, vector<16xf32>,
        %parallel_loop3A_394 = arith.mulf %parallel_loop3A_393, %parallel_loop3A_341 : vector<16xf32>
        %parallel_loop3A_395 = arith.index_cast %parallel_loop3A_338 : i32 to index
        %parallel_loop3A_396 = arith.constant 112 : index
        %parallel_loop3A_397 = tpu.vector_load %arg13[%parallel_loop3A_395, %parallel_loop3A_396] {strides = array<i32>} : memref<120x128xf32, #tpu.memory_space<vmem>>, vector<16xf32>,
        tpu.vector_store %arg13[%parallel_loop3A_395, %parallel_loop3A_396], %parallel_loop3A_394 {strides = array<i32>} : memref<120x128xf32, #tpu.memory_space<vmem>>, vector<16xf32>,
      } {sc.loop_unroll_factor = 4 : i64, sc.parallel_access}
      %dma_start3A_309 = arith.constant 1 : i32
      %dma_start3A_310 = arith.constant 0 : i32
      %dma_start3A_311 = tpu.memref_slice %arg10[%dma_start3A_309, %dma_start3A_310] : memref<3x120xi32, #tpu.memory_space<vmem>> -> memref<1x120xi32, #tpu.memory_space<vmem>>
      %dma_start3A_312 = tpu.memref_squeeze %dma_start3A_311 : memref<1x120xi32, #tpu.memory_space<vmem>> -> memref<120xi32, #tpu.memory_space<vmem>>
      %dma_start3A_313 = arith.constant 0 : i32
      %dma_start3A_314 = arith.constant 0 : i32
      %dma_start3A_315 = tpu.memref_slice %arg14[%dma_start3A_313, %dma_start3A_314] : memref<10240x128xf32, #tpu.memory_space<vmem_shared>> -> memref<10240x128xf32, #tpu.memory_space<vmem_shared>>
      tpu.enqueue_indirect_dma source(%arg13 : memref<120x128xf32, #tpu.memory_space<vmem>>) target(%dma_start3A_315 : memref<10240x128xf32, #tpu.memory_space<vmem_shared>>) offsets(%dma_start3A_312 : memref<120xi32, #tpu.memory_space<vmem>>) semaphore(%arg26 : memref<!tpu.dma_semaphore, #tpu.memory_space<semaphore_mem>>) {add = true}
      %add3A_316 = arith.constant 7 : i32
      %add3A_317 = arith.addi %add3A_108, %add3A_316 : i32
      %ge3A_318 = arith.constant 3 : i32
      %ge3A_319 = arith.cmpi sge, %add3A_317, %ge3A_318 : i32
      %lt3A_320 = arith.constant 84 : i32
      %lt3A_321 = arith.cmpi slt, %add3A_317, %lt3A_320 : i32
      %and3A_322 = arith.andi %ge3A_319, %lt3A_321 : i1
      %convert_element_type3A_323 = arith.extui %and3A_322 : i1 to i32
      %cond3A_324 = arith.constant 0 : i32
      %cond3A_325 = arith.cmpi ne, %convert_element_type3A_323, %cond3A_324 : i32
      scf.if %cond3A_325 {
        %dma_wait3A_338 = arith.constant 1 : i32
        %dma_wait3A_339 = arith.constant 0 : i32
        %dma_wait3A_340 = tpu.memref_slice %arg9[%dma_wait3A_338, %dma_wait3A_339] : memref<3x120xi32, #tpu.memory_space<vmem>> -> memref<1x120xi32, #tpu.memory_space<vmem>>
        %dma_wait3A_341 = tpu.memref_squeeze %dma_wait3A_340 : memref<1x120xi32, #tpu.memory_space<vmem>> -> memref<120xi32, #tpu.memory_space<vmem>>
        %dma_wait3A_342 = arith.constant 0 : i32
        %dma_wait3A_343 = arith.constant 0 : i32
        %dma_wait3A_344 = tpu.memref_slice %arg14[%dma_wait3A_342, %dma_wait3A_343] : memref<10240x128xf32, #tpu.memory_space<vmem_shared>> -> memref<10240x128xf32, #tpu.memory_space<vmem_shared>>
        tpu.wait_indirect_dma semaphore(%arg25 : memref<!tpu.dma_semaphore, #tpu.memory_space<semaphore_mem>>) src(%arg12 : memref<120x128xf32, #tpu.memory_space<vmem>>) dst(%dma_wait3A_344 : memref<10240x128xf32, #tpu.memory_space<vmem_shared>>)
      } else {
      }
      %lt3A_326 = arith.constant 84 : i32
      %lt3A_327 = arith.cmpi slt, %add3A_317, %lt3A_326 : i32
      %convert_element_type3A_328 = arith.extui %lt3A_327 : i1 to i32
      %cond3A_329 = arith.constant 0 : i32
      %cond3A_330 = arith.cmpi ne, %convert_element_type3A_328, %cond3A_329 : i32
      scf.if %cond3A_330 {
        %add3A_338 = arith.addi %mul3A_2, %add3A_317 : i32
        %dma_wait3A_339 = arith.constant 0 : i32
        %dma_wait3A_340 = arith.constant 0 : i32
        %dma_wait3A_341 = tpu.memref_slice %arg3[%add3A_338, %dma_wait3A_339, %dma_wait3A_340] : memref<2688x3x120xi32, #tpu.memory_space<hbm>> -> memref<1x3x120xi32, #tpu.memory_space<hbm>>
        %dma_wait3A_342 = tpu.memref_squeeze %dma_wait3A_341 : memref<1x3x120xi32, #tpu.memory_space<hbm>> -> memref<3x120xi32, #tpu.memory_space<hbm>>
        %dma_wait3A_343 = arith.constant 0 : i32
        %dma_wait3A_344 = arith.constant 0 : i32
        %dma_wait3A_345 = tpu.memref_slice %arg3[%add3A_338, %dma_wait3A_343, %dma_wait3A_344] : memref<2688x3x120xi32, #tpu.memory_space<hbm>> -> memref<1x3x120xi32, #tpu.memory_space<hbm>>
        %dma_wait3A_346 = tpu.memref_squeeze %dma_wait3A_345 : memref<1x3x120xi32, #tpu.memory_space<hbm>> -> memref<3x120xi32, #tpu.memory_space<hbm>>
        tpu.wait_dma2 semaphore(%arg16 : memref<!tpu.dma_semaphore, #tpu.memory_space<semaphore_mem>>) src(%dma_wait3A_346 : memref<3x120xi32, #tpu.memory_space<hbm>>) dst(%arg6 : memref<3x120xi32, #tpu.memory_space<vmem>>)
        %dma_start3A_347 = arith.constant 0 : i32
        %dma_start3A_348 = arith.constant 0 : i32
        %dma_start3A_349 = tpu.memref_slice %arg6[%dma_start3A_347, %dma_start3A_348] : memref<3x120xi32, #tpu.memory_space<vmem>> -> memref<1x120xi32, #tpu.memory_space<vmem>>
        %dma_start3A_350 = tpu.memref_squeeze %dma_start3A_349 : memref<1x120xi32, #tpu.memory_space<vmem>> -> memref<120xi32, #tpu.memory_space<vmem>>
        %dma_start3A_351 = arith.constant 0 : i32
        %dma_start3A_352 = arith.constant 0 : i32
        %dma_start3A_353 = tpu.memref_slice %arg2[%dma_start3A_351, %dma_start3A_352] : memref<10000x128xf32, #tpu.memory_space<hbm>> -> memref<10000x128xf32, #tpu.memory_space<hbm>>
        tpu.enqueue_indirect_dma source(%dma_start3A_353 : memref<10000x128xf32, #tpu.memory_space<hbm>>) target(%arg12 : memref<120x128xf32, #tpu.memory_space<vmem>>) offsets(%dma_start3A_350 : memref<120xi32, #tpu.memory_space<vmem>>) semaphore(%arg22 : memref<!tpu.dma_semaphore, #tpu.memory_space<semaphore_mem>>)
      } else {
      }
      %add3A_331 = arith.constant 3 : i32
      %add3A_332 = arith.addi %add3A_317, %add3A_331 : i32
      %lt3A_333 = arith.constant 84 : i32
      %lt3A_334 = arith.cmpi slt, %add3A_332, %lt3A_333 : i32
      %convert_element_type3A_335 = arith.extui %lt3A_334 : i1 to i32
      %cond3A_336 = arith.constant 0 : i32
      %cond3A_337 = arith.cmpi ne, %convert_element_type3A_335, %cond3A_336 : i32
      scf.if %cond3A_337 {
        %add3A_338 = arith.addi %mul3A_2, %add3A_317 : i32
        %add3A_339 = arith.constant 3 : i32
        %add3A_340 = arith.addi %add3A_338, %add3A_339 : i32
        %dma_start3A_341 = arith.constant 0 : i32
        %dma_start3A_342 = arith.constant 0 : i32
        %dma_start3A_343 = tpu.memref_slice %arg3[%add3A_340, %dma_start3A_341, %dma_start3A_342] : memref<2688x3x120xi32, #tpu.memory_space<hbm>> -> memref<1x3x120xi32, #tpu.memory_space<hbm>>
        %dma_start3A_344 = tpu.memref_squeeze %dma_start3A_343 : memref<1x3x120xi32, #tpu.memory_space<hbm>> -> memref<3x120xi32, #tpu.memory_space<hbm>>
        %dma_start3A_345 = arith.constant 0 : i32
        %dma_start3A_346 = arith.constant 0 : i32
        %dma_start3A_347 = tpu.memref_slice %arg3[%add3A_340, %dma_start3A_345, %dma_start3A_346] : memref<2688x3x120xi32, #tpu.memory_space<hbm>> -> memref<1x3x120xi32, #tpu.memory_space<hbm>>
        %dma_start3A_348 = tpu.memref_squeeze %dma_start3A_347 : memref<1x3x120xi32, #tpu.memory_space<hbm>> -> memref<3x120xi32, #tpu.memory_space<hbm>>
        tpu.enqueue_dma source(%dma_start3A_348 : memref<3x120xi32, #tpu.memory_space<hbm>>) target(%arg9 : memref<3x120xi32, #tpu.memory_space<vmem>>) target_semaphore(%arg19 : memref<!tpu.dma_semaphore, #tpu.memory_space<semaphore_mem>>)
      } else {
      }
    }
    %scan3A_78 = arith.constant 14 : i32
    %dma_wait3A = arith.constant 1 : i32
    %dma_wait3A_79 = arith.constant 0 : i32
    %dma_wait3A_80 = tpu.memref_slice %arg8[%dma_wait3A, %dma_wait3A_79] : memref<3x120xi32, #tpu.memory_space<vmem>> -> memref<1x120xi32, #tpu.memory_space<vmem>>
    %dma_wait3A_81 = tpu.memref_squeeze %dma_wait3A_80 : memref<1x120xi32, #tpu.memory_space<vmem>> -> memref<120xi32, #tpu.memory_space<vmem>>
    %dma_wait3A_82 = arith.constant 0 : i32
    %dma_wait3A_83 = arith.constant 0 : i32
    %dma_wait3A_84 = tpu.memref_slice %arg14[%dma_wait3A_82, %dma_wait3A_83] : memref<10240x128xf32, #tpu.memory_space<vmem_shared>> -> memref<10240x128xf32, #tpu.memory_space<vmem_shared>>
    tpu.wait_indirect_dma semaphore(%arg24 : memref<!tpu.dma_semaphore, #tpu.memory_space<semaphore_mem>>) src(%arg11 : memref<120x128xf32, #tpu.memory_space<vmem>>) dst(%dma_wait3A_84 : memref<10240x128xf32, #tpu.memory_space<vmem_shared>>)
    %dma_wait3A_85 = arith.constant 1 : i32
    %dma_wait3A_86 = arith.constant 0 : i32
    %dma_wait3A_87 = tpu.memref_slice %arg9[%dma_wait3A_85, %dma_wait3A_86] : memref<3x120xi32, #tpu.memory_space<vmem>> -> memref<1x120xi32, #tpu.memory_space<vmem>>
    %dma_wait3A_88 = tpu.memref_squeeze %dma_wait3A_87 : memref<1x120xi32, #tpu.memory_space<vmem>> -> memref<120xi32, #tpu.memory_space<vmem>>
    %dma_wait3A_89 = arith.constant 0 : i32
    %dma_wait3A_90 = arith.constant 0 : i32
    %dma_wait3A_91 = tpu.memref_slice %arg14[%dma_wait3A_89, %dma_wait3A_90] : memref<10240x128xf32, #tpu.memory_space<vmem_shared>> -> memref<10240x128xf32, #tpu.memory_space<vmem_shared>>
    tpu.wait_indirect_dma semaphore(%arg25 : memref<!tpu.dma_semaphore, #tpu.memory_space<semaphore_mem>>) src(%arg12 : memref<120x128xf32, #tpu.memory_space<vmem>>) dst(%dma_wait3A_91 : memref<10240x128xf32, #tpu.memory_space<vmem_shared>>)
    %dma_wait3A_92 = arith.constant 1 : i32
    %dma_wait3A_93 = arith.constant 0 : i32
    %dma_wait3A_94 = tpu.memref_slice %arg10[%dma_wait3A_92, %dma_wait3A_93] : memref<3x120xi32, #tpu.memory_space<vmem>> -> memref<1x120xi32, #tpu.memory_space<vmem>>
    %dma_wait3A_95 = tpu.memref_squeeze %dma_wait3A_94 : memref<1x120xi32, #tpu.memory_space<vmem>> -> memref<120xi32, #tpu.memory_space<vmem>>
    %dma_wait3A_96 = arith.constant 0 : i32
    %dma_wait3A_97 = arith.constant 0 : i32
    %dma_wait3A_98 = tpu.memref_slice %arg14[%dma_wait3A_96, %dma_wait3A_97] : memref<10240x128xf32, #tpu.memory_space<vmem_shared>> -> memref<10240x128xf32, #tpu.memory_space<vmem_shared>>
    tpu.wait_indirect_dma semaphore(%arg26 : memref<!tpu.dma_semaphore, #tpu.memory_space<semaphore_mem>>) src(%arg13 : memref<120x128xf32, #tpu.memory_space<vmem>>) dst(%dma_wait3A_98 : memref<10240x128xf32, #tpu.memory_space<vmem_shared>>)
    %barrier3A_99 = arith.constant 0 : index
    tpu.barrier barrier_id(%barrier3A_99)
    %mul3A_100 = arith.constant 640 : i32
    %mul3A_101 = arith.muli %arg1, %mul3A_100 : i32
    %mul3A_102 = arith.constant 640 : i32
    %mul3A_103 = arith.muli %arg1, %mul3A_102 : i32
    "tpu.region"() ({
      %run_scoped3A = tpu.sem_alloc : memref<!tpu.dma_semaphore, #tpu.memory_space<semaphore_mem>>
      %dma_start3A_104 = arith.constant 0 : i32
      %dma_start3A_105 = tpu.memref_slice %arg4[%arg0, %mul3A_103, %dma_start3A_104] : memref<2x10240x128xf32, #tpu.memory_space<hbm>> -> memref<1x640x128xf32, #tpu.memory_space<hbm>>
      %dma_start3A_106 = tpu.memref_squeeze %dma_start3A_105 : memref<1x640x128xf32, #tpu.memory_space<hbm>> -> memref<640x128xf32, #tpu.memory_space<hbm>>
      %dma_start3A_107 = arith.constant 0 : i32
      %dma_start3A_108 = tpu.memref_slice %arg14[%mul3A_101, %dma_start3A_107] : memref<10240x128xf32, #tpu.memory_space<vmem_shared>> -> memref<640x128xf32, #tpu.memory_space<vmem_shared>>
      tpu.enqueue_dma source(%dma_start3A_108 : memref<640x128xf32, #tpu.memory_space<vmem_shared>>) target(%dma_start3A_106 : memref<640x128xf32, #tpu.memory_space<hbm>>) target_semaphore(%run_scoped3A : memref<!tpu.dma_semaphore, #tpu.memory_space<semaphore_mem>>)
      %dma_wait3A_109 = arith.constant 0 : i32
      %dma_wait3A_110 = tpu.memref_slice %arg4[%arg0, %mul3A_103, %dma_wait3A_109] : memref<2x10240x128xf32, #tpu.memory_space<hbm>> -> memref<1x640x128xf32, #tpu.memory_space<hbm>>
      %dma_wait3A_111 = tpu.memref_squeeze %dma_wait3A_110 : memref<1x640x128xf32, #tpu.memory_space<hbm>> -> memref<640x128xf32, #tpu.memory_space<hbm>>
      %dma_wait3A_112 = arith.constant 0 : i32
      %dma_wait3A_113 = tpu.memref_slice %arg14[%mul3A_101, %dma_wait3A_112] : memref<10240x128xf32, #tpu.memory_space<vmem_shared>> -> memref<640x128xf32, #tpu.memory_space<vmem_shared>>
      tpu.wait_dma2 semaphore(%run_scoped3A : memref<!tpu.dma_semaphore, #tpu.memory_space<semaphore_mem>>) src(%dma_wait3A_113 : memref<640x128xf32, #tpu.memory_space<vmem_shared>>) dst(%dma_wait3A_111 : memref<640x128xf32, #tpu.memory_space<hbm>>)
      tpu.yield
    }) : () -> ()
    return
  }
}

module attributes {stable_mosaic.version = 14 : i64} {
  func.func @_node_mm_body(%arg0: memref<2x10240x128xf32, #tpu.memory_space<vmem>>, %arg1: memref<128x128xf32, #tpu.memory_space<vmem>>, %arg2: memref<1x128xf32, #tpu.memory_space<vmem>>, %arg3: memref<10000x128xf32, #tpu.memory_space<vmem>>, %arg4: memref<10000x128xf32, #tpu.memory_space<vmem>>) attributes {dimension_semantics = [], scalar_prefetch = 0 : i64, scratch_operands = 0 : i64, tpu.core_type = #tpu.core_type<tc>} {
    %get3A = arith.constant 0 : index
    %get3A_0 = arith.constant 0 : index
    %get3A_1 = arith.constant 0 : index
    %get3A_2 = vector.load %arg0[%get3A, %get3A_0, %get3A_1] : memref<2x10240x128xf32, #tpu.memory_space<vmem>>, vector<1x10000x128xf32>
    %get3A_3 = vector.shape_cast %get3A_2 : vector<1x10000x128xf32> to vector<10000x128xf32>
    %get3A_4 = arith.constant 1 : index
    %get3A_5 = arith.constant 0 : index
    %get3A_6 = arith.constant 0 : index
    %get3A_7 = vector.load %arg0[%get3A_4, %get3A_5, %get3A_6] : memref<2x10240x128xf32, #tpu.memory_space<vmem>>, vector<1x10000x128xf32>
    %get3A_8 = vector.shape_cast %get3A_7 : vector<1x10000x128xf32> to vector<10000x128xf32>
    %add3A = arith.addf %get3A_3, %get3A_8 : vector<10000x128xf32>
    %get3A_9 = arith.constant 0 : index
    %get3A_10 = arith.constant 0 : index
    %get3A_11 = vector.load %arg1[%get3A_9, %get3A_10] : memref<128x128xf32, #tpu.memory_space<vmem>>, vector<128x128xf32>
    %dot_general3A = arith.constant dense<0.000000e+00> : vector<10000x128xf32>
    %dot_general3A_12 = tpu.matmul %add3A, %get3A_11, %dot_general3A {dimension_numbers = #tpu.dot_dimension_numbers<[1], [0], [0], [1], [0, 0, 1, 1], [], []>, transpose_lhs_hint = false} : vector<10000x128xf32>, vector<128x128xf32>, vector<10000x128xf32> -> vector<10000x128xf32>
    %get3A_13 = arith.constant 0 : index
    %get3A_14 = arith.constant 0 : index
    %get3A_15 = vector.load %arg2[%get3A_13, %get3A_14] : memref<1x128xf32, #tpu.memory_space<vmem>>, vector<1x128xf32>
    %add3A_16 = vector.broadcast %get3A_15 : vector<1x128xf32> to vector<10000x128xf32>
    %add3A_17 = arith.addf %dot_general3A_12, %add3A_16 : vector<10000x128xf32>
    %max3A = arith.constant 0.000000e+00 : f32
    %max3A_18 = vector.broadcast %max3A : f32 to vector<10000x128xf32>
    %max3A_19 = arith.maximumf %add3A_17, %max3A_18 : vector<10000x128xf32>
    %get3A_20 = arith.constant 0 : index
    %get3A_21 = arith.constant 0 : index
    %get3A_22 = vector.load %arg3[%get3A_20, %get3A_21] : memref<10000x128xf32, #tpu.memory_space<vmem>>, vector<10000x128xf32>
    %add3A_23 = arith.addf %max3A_19, %get3A_22 : vector<10000x128xf32>
    %swap3A = arith.constant 0 : index
    %swap3A_24 = arith.constant 0 : index
    %swap3A_25 = vector.load %arg4[%swap3A, %swap3A_24] : memref<10000x128xf32, #tpu.memory_space<vmem>>, vector<10000x128xf32>
    tpu.vector_store %arg4[%swap3A, %swap3A_24], %add3A_23 {strides = array<i32>} : memref<10000x128xf32, #tpu.memory_space<vmem>>, vector<10000x128xf32>,
    return
  }
}

module attributes {stable_mosaic.version = 14 : i64} {
  func.func @_edge_mm_body(%arg0: memref<10000x128xf32, #tpu.memory_space<vmem>>, %arg1: memref<128x128xf32, #tpu.memory_space<vmem>>, %arg2: memref<1x128xf32, #tpu.memory_space<vmem>>, %arg3: memref<10000x128xf32, #tpu.memory_space<vmem>>) attributes {dimension_semantics = [], scalar_prefetch = 0 : i64, scratch_operands = 0 : i64, tpu.core_type = #tpu.core_type<tc>} {
    %get3A = arith.constant 0 : index
    %get3A_0 = arith.constant 0 : index
    %get3A_1 = vector.load %arg0[%get3A, %get3A_0] : memref<10000x128xf32, #tpu.memory_space<vmem>>, vector<10000x128xf32>
    %get3A_2 = arith.constant 0 : index
    %get3A_3 = arith.constant 0 : index
    %get3A_4 = vector.load %arg1[%get3A_2, %get3A_3] : memref<128x128xf32, #tpu.memory_space<vmem>>, vector<128x128xf32>
    %dot_general3A = arith.constant dense<0.000000e+00> : vector<10000x128xf32>
    %dot_general3A_5 = tpu.matmul %get3A_1, %get3A_4, %dot_general3A {dimension_numbers = #tpu.dot_dimension_numbers<[1], [0], [0], [1], [0, 0, 1, 1], [], []>, transpose_lhs_hint = false} : vector<10000x128xf32>, vector<128x128xf32>, vector<10000x128xf32> -> vector<10000x128xf32>
    %get3A_6 = arith.constant 0 : index
    %get3A_7 = arith.constant 0 : index
    %get3A_8 = vector.load %arg2[%get3A_6, %get3A_7] : memref<1x128xf32, #tpu.memory_space<vmem>>, vector<1x128xf32>
    %add3A = vector.broadcast %get3A_8 : vector<1x128xf32> to vector<10000x128xf32>
    %add3A_9 = arith.addf %dot_general3A_5, %add3A : vector<10000x128xf32>
    %max3A = arith.constant 0.000000e+00 : f32
    %max3A_10 = vector.broadcast %max3A : f32 to vector<10000x128xf32>
    %max3A_11 = arith.maximumf %add3A_9, %max3A_10 : vector<10000x128xf32>
    %swap3A = arith.constant 0 : index
    %swap3A_12 = arith.constant 0 : index
    %swap3A_13 = vector.load %arg3[%swap3A, %swap3A_12] : memref<10000x128xf32, #tpu.memory_space<vmem>>, vector<10000x128xf32>
    tpu.vector_store %arg3[%swap3A, %swap3A_12], %max3A_11 {strides = array<i32>} : memref<10000x128xf32, #tpu.memory_space<vmem>>, vector<10000x128xf32>,
    return
  }
}

</mosaic_0001>

<sc_bundles>
// kernel: _run.5.cloned.1.call-start
scs
__scs_entry_jumppad:
0x0: {  	(pc) =	sbr.rel $0x88, $3  }
0x1: {  	(tag) =	ssettag $0x0;
	lr =	simm.s32 $0x1  }
0x2: {  	[smem:$0x3F9B] =	sst lr;
	_ =	strace $0xD0000000  }
0x3: {  	_ = 	snop  }
0x4: {  	_ = 	snop  }
0x5: {  	_ = 	snop  }
0x6: {  	_ = 	snop  }
0x7: {  	_ = 	snop  }
__scs_overlays_trampoline_lowered:
0x8: {  	[smem:$0x3FAA] =	sst s0  }
0x9: {  	[smem:$0x3FAB] =	sst s1  }
0xa: {  	[smem:$0x3FAC] =	sst s2  }
0xb: {  	[smem:$0x3FAD] =	sst s3  }
0xc: {  	[smem:$0x3FAE] =	sst s4  }
0xd: {  	[smem:$0x3FAF] =	sst s5  }
0xe: {  	[smem:$0x3FB0] =	sst s6  }
0xf: {  	[smem:$0x3FB1] =	sst s7  }
0x10: {  	[smem:$0x3FB2] =	sst s8  }
0x11: {  	[smem:$0x3FB3] =	sst s9;
	s0 =	simm.s32 @!p0 $0x0  }
0x12: {  	s1 =	sld [smem:$0x3F99];
	s0 =	simm.s32 @p0 $0x1  }
0x13: {  	[smem:$0x3FB4] =	sst s0;
	s0 =	simm.s32 @!p1 $0x0  }
0x14: {  	s2 =	sld [smem:$0x3F98];
	s0 =	simm.s32 @p1 $0x1  }
0x15: {  	[smem:$0x3FB5] =	sst s0;
	s0 =	simm.s32 @!p2 $0x0  }
0x16: {  	s3 =	sld [smem:$0x3FDB];
	s0 =	simm.s32 @p2 $0x1  }
0x17: {  	s4 =	simm.s32 $0x1BF5;
	[smem:$0x3FB7] =	sst s0  }
0x18: {  	s0 =	sld [smem:$0x3F9A];
	_ =	swait.ge [sflag:s4], $0x0  }
0x19: {  	s7 =	sld [smem:$0x3F9B]  }
0x1a: {  	s8 =	sadd.s32 $0xFFFFE003, lr  }
0x1b: {  	s9 =	sadd.s32 $0xFFFFFEF7, lr;
	s5 =	simm.s32 $0xFFFFFFFF;
	p2 =	slt.u32 s8, $0xFFFFF086  }
0x1c: {  	p1 =	slt.u32 s9, $0xF7A;
	s5 =	simm.s32 @!p2 $0x0  }
0x1d: {  	s5 =	simm.s32 @p1 $0x1;
	p0 =	seq.s32 s7, s2  }
0x1e: {  	s7 =	smul.u32 @!p0 $0xF7A, s2;
	p2 =	seq.s32 @!p0 s5, $0x0  }
0x1f: {  	s9 =	smul.u32 $0xF7A, s1;
	s8 =	simm.s32 @!p0 $0x1BF5;
	p2 =	por !p2, p0  }
0x20: {  	[sflag:s8] =	ssyncset.s32 @!p0 $0xFFFFF086;
	s6 =	sadd.s32 @!p0 s3, s7;
	s7 =	simm.s32 @!p0 $0x108  }
0x21: {  	s3 =	sadd.s32 s3, s9;
	s6 =	sadd.s32 @!p0 $0x88, s6;
	s7 =	simm.s32 @p2 $0x1082  }
0x22: {  	[simem:s7], [sflag:s8] =	dma.local @!p0 [hbm:s6], $0xF7A  }
0x23: {  	s9 =	sor.u32 $0xD0000000, s2;
	s6 =	simm.s32 $0x108;
	_ =	swait.ge @!p0 [sflag:s8], $0x0  }
0x24: {  	s3 =	sadd.s32 $0x88, s3;
	s6 =	simm.s32 @!p1 $0x1082;
	[sflag:s4] =	ssyncset.s32 $0xFFFFF086  }
0x25: {  	[simem:s6], [sflag:s4] =	dma.local [hbm:s3], $0xF7A  }
0x26: {  	[smem:$0x3F9B] =	sst s1;
	(tag) =	ssettag s2;
	_ =	strace s9  }
0x27: {  	s1 =	sld [smem:$0x3FAB]  }
0x28: {  	s2 =	sld [smem:$0x3FAC]  }
0x29: {  	s4 =	sld [smem:$0x3FAE]  }
0x2a: {  	p0 =	seq.s32 s5, $0x0;
	s5 =	sld [smem:$0x3FAF]  }
0x2b: {  	s6 =	sld [smem:$0x3FB0]  }
0x2c: {  	s7 =	sld [smem:$0x3FB1]  }
0x2d: {  	s3 =	simm.s32 $0x108;
	s8 =	sld [smem:$0x3FB2]  }
0x2e: {  	s3 =	simm.s32 @!p0 $0x1082;
	s9 =	sld [smem:$0x3FB3]  }
0x2f: {  	lr =	sadd.s32 s0, s3;
	s0 =	sld [smem:$0x3FAA]  }
0x30: {  	s3 =	sld [smem:$0x3FAD]  }
0x31: {  	[smem:$0x3FB6] =	sst s10  }
0x32: {  	s10 =	sld [smem:$0x3FB4];
	_ =	sdelay $0x3  }
0x33: {  	p0 =	seq.s32 s10, $0x1;
	s10 =	sld [smem:$0x3FB6];
	_ =	sdelay $0x3  }
0x34: {  	[smem:$0x3FB6] =	sst s10  }
0x35: {  	s10 =	sld [smem:$0x3FB5];
	_ =	sdelay $0x3  }
0x36: {  	p1 =	seq.s32 s10, $0x1;
	s10 =	sld [smem:$0x3FB6];
	_ =	sdelay $0x3  }
0x37: {  	[smem:$0x3FB6] =	sst s10  }
0x38: {  	s10 =	sld [smem:$0x3FB7]  }
0x39: {  	_ = 	snop;
	(pc) =	sbr.ind lr, $3  }
0x3a: {  	_ = 	snop  }
0x3b: {  	_ = 	snop  }
0x3c: {  	p2 =	seq.s32 s10, $0x1;
	s10 =	sld [smem:$0x3FB6]  }
0x3d: {  	_ =	shalt  }
0x3e: {  	_ =	shalt  }
0x3f: {  	_ =	shalt  }
0x40: {  	_ =	shalt  }
0x41: {  	_ =	shalt  }
0x42: {  	_ =	shalt  }
0x43: {  	_ =	shalt  }
0x44: {  	_ =	shalt  }
0x45: {  	_ =	shalt  }
0x46: {  	_ =	shalt  }
0x47: {  	_ =	shalt  }
0x48: {  	_ =	shalt  }
0x49: {  	_ =	shalt  }
0x4a: {  	_ =	shalt  }
0x4b: {  	_ =	shalt  }
0x4c: {  	_ =	shalt  }
0x4d: {  	_ =	shalt  }
0x4e: {  	_ =	shalt  }
0x4f: {  	_ =	shalt  }
0x50: {  	_ =	shalt  }
0x51: {  	_ =	shalt  }
0x52: {  	_ =	shalt  }
0x53: {  	_ =	shalt  }
0x54: {  	_ =	shalt  }
0x55: {  	_ =	shalt  }
0x56: {  	_ =	shalt  }
0x57: {  	_ =	shalt  }
0x58: {  	_ =	shalt  }
0x59: {  	_ =	shalt  }
0x5a: {  	_ =	shalt  }
0x5b: {  	_ =	shalt  }
0x5c: {  	_ =	shalt  }
0x5d: {  	_ =	shalt  }
0x5e: {  	_ =	shalt  }
0x5f: {  	_ =	shalt  }
0x60: {  	_ =	shalt  }
0x61: {  	_ =	shalt  }
0x62: {  	_ =	shalt  }
0x63: {  	_ =	shalt  }
0x64: {  	_ =	shalt  }
0x65: {  	_ =	shalt  }
0x66: {  	_ =	shalt  }
0x67: {  	_ =	shalt  }
0x68: {  	_ =	shalt  }
0x69: {  	_ =	shalt  }
0x6a: {  	_ =	shalt  }
0x6b: {  	_ =	shalt  }
0x6c: {  	_ =	shalt  }
0x6d: {  	_ =	shalt  }
0x6e: {  	_ =	shalt  }
0x6f: {  	_ =	shalt  }
0x70: {  	_ =	shalt  }
0x71: {  	_ =	shalt  }
0x72: {  	_ =	shalt  }
0x73: {  	_ =	shalt  }
0x74: {  	_ =	shalt  }
0x75: {  	_ =	shalt  }
0x76: {  	_ =	shalt  }
0x77: {  	_ =	shalt  }
0x78: {  	_ =	shalt  }
0x79: {  	_ =	shalt  }
0x7a: {  	_ =	shalt  }
0x7b: {  	_ =	shalt  }
0x7c: {  	_ =	shalt  }
0x7d: {  	_ =	shalt  }
0x7e: {  	_ =	shalt  }
0x7f: {  	_ =	shalt  }
0x80: {  	_ =	shalt  }
0x81: {  	_ =	shalt  }
0x82: {  	_ =	shalt  }
0x83: {  	_ =	shalt  }
0x84: {  	_ =	shalt  }
0x85: {  	_ =	shalt  }
0x86: {  	_ =	shalt  }
0x87: {  	_ =	shalt  }
.Lfunc_end0:
.L_simem_size_0:
called_computation_lowered:
.L_overlay_start_0:
0x88: {  	s2 =	sld [smem:$0x3FD9]  }
0x89: {  	s3 =	sld [smem:$0x3FFE];
	_ =	sdelay $0x1  }
0x8a: {  	s1 =	srdreg.scid  }
0x8b: {  	s0 =	sand.u32 $0x1, s1  }
0x8c: {  	s17 =	sshll.u32 s0, $0xA;
	s2 =	sadd.s32 s3, s2  }
0x8d: {  	s2 =	sadd.s32 s2, s17  }
0x8e: {  	[smem:$0x3FC2] =	sst s2  }
0x8f: {  	_ = 	snop  }
0x90: {  	s2 =	sld [smem:$0x3FD0];
	(tm) =	ssettm $0x1  }
0x91: {  	s18 =	sld [smem:$0x3FFB];
	_ =	sdelay $0x3  }
0x92: {  	_ =	strace s18  }
0x93: {  	s3 =	sld [smem:$0x3FFC];
	_ =	sdelay $0x3  }
0x94: {  	_ =	strace s3  }
0x95: {  	s3 =	sld [smem:$0x3FFD];
	_ =	sdelay $0x3  }
0x96: {  	_ =	strace s3  }
0x97: {  	_ =	strace $0x8FFFFFFF  }
0x98: {  	s19 =	sld [smem:$0x3FDB];
	_ =	sdelay $0x1  }
0x99: {  	s4 =	simm.s32 $_scs_section_size  }
0x9a: {  	s5 =	simm.s32 $_size__tile_overlayer_lowered;
	s6 =	simm.s32 $_tile_overlayer_lowered  }
0x9b: {  	s22 =	simm.s32 $0x1BFF;
	s21 =	sshll.u32 s6, $0x1;
	s3 =	sadd.s32 s4, s19  }
0x9c: {  	s7 =	simm.s32 $0x0;
	s20 =	sshll.u32 s5, $0x1;
	s5 =	sadd.s32 s21, s3  }
0x9d: {  	[timem:s7], [sflag:s22] =	dma.local [hbm:s5], s20  }
0x9e: {  	_ =	swait.ge [sflag:s22], s20  }
0x9f: {  	s4 =	ssub.s32 $0x0, s20;
	[sflag:s22] =	ssyncset.done $0x0  }
0xa0: {  	[sflag:s22] =	ssyncadd.s32 s4;
	_ =	sdelay $0x1  }
0xa1: {  	s23 =	simm.s32 $0x1B8B  }
0xa2: {  	_ =	swait.ge [sflag:s23], $0x1  }
0xa3: {  	[sflag:s23] =	ssyncset.done $0x0  }
0xa4: {  	s25 =	simm.s32 $0x1B8E;
	s24 =	sld [smem:$0x3FFE];
	[sflag:s23] =	ssyncadd.s32 $0xFFFFFFFF  }
0xa5: {  	s26 =	simm.s32 $execute0_lowered;
	[smem:$0x3FD2] =	sst s25  }
0xa6: {  	s5 =	sshll.u32 s26, $0x1;
	_ =	strace $0x80000046;
	[dreg:$0x1] =	wrdreg $0xFFFFFFFF  }
0xa7: {  	s28 =	simm.s32 $_size_execute0_lowered;
	s3 =	sadd.s32 s3, s5;
	[dreg:$0x0] =	wrdreg $0x0  }
0xa8: {  	s5 =	sshll.u32 s28, $0x1;
	[dreg:$0x2] =	wrdreg s3  }
0xa9: {  	[dreg:$0x3] =	wrdreg s5  }
0xaa: {  	[dreg:$0x4] =	wrdreg $0xC0  }
0xab: {  	_ =	task [dreg:s7], $0x5FFFF  }
0xac: {  	[dreg:$0x1] =	wrdreg $0xFFFFFFFF  }
0xad: {  	[dreg:$0x0] =	wrdreg $0x60  }
0xae: {  	[dreg:$0x2] =	wrdreg s2  }
0xaf: {  	[dreg:$0x3] =	wrdreg s24  }
0xb0: {  	[dreg:$0x4] =	wrdreg $0xC0000  }
0xb1: {  	[dreg:$0x5] =	wrdreg $0x9  }
0xb2: {  	_ =	task.clear_ibuf [dreg:s7], $0x6FFFF;
	_ =	strace $0x90000046  }
0xb3: {  	s29 =	simm.s32 $0x9;
	_ =	strace $0x80000048  }
0xb4: {  	_ =	swait.ge [sflag:s29], $0x1  }
0xb5: {  	[sflag:s29] =	ssyncadd.s32 $0xFFFFFFFF  }
0xb6: {  	_ =	strace $0x90000048  }
0xb7: {  	_ =	sfence  }
0xb8: {  	s30 =	sld [smem:$0x0];
	_ =	sdelay $0x2  }
0xb9: {  	s31 =	sshll.u32 s1, $0xD;
	s1 =	sshrl.u32 s1, $0x2  }
0xba: {  	s3 =	sand.u32 $0x4000, s31;
	s1 =	sadd.s32 s1, s30  }
0xbb: {  	s0 =	sor.u32 s3, s0;
	s1 =	sshll.u32 s1, $0x11  }
0xbc: {  	s0 =	sor.u32 s1, s0  }
0xbd: {  	s0 =	sadd.s32 $0x8F2B, s0  }
0xbe: {  	[sflag:s0] =	ssyncadd.remote.s32 $0x1  }
0xbf: {  	_ =	sfence.sel $0xFFFF  }
0xc0: {  	[dreg:$0x0] =	wrdreg $0xFFFFFFFF;
	(pc) =	sbr.abs _section_cstart, $3  }
0xc1: {  	[dreg:$0x1] =	wrdreg $0xFFFFFFFF  }
0xc2: {  	_ =	task.clear_ibuf [dreg:s7], $0x2FFFF;
	_ =	strace $0x9FFFFFFF  }
0xc3: {  	(tm) =	ssettm $0x7FFFFFFF  }
tec
execute0_lowered:
.L_overlay_start_1:
0x0: {  	(tag) =	ssettag $0x1  }
0x1: {  	s0 =	rddreg [dreg:$0x0]  }
0x2: {  	s1 =	rddreg [dreg:$0x1]  }
0x3: {  	s2 =	srdreg.scid;
	s3 =	rddreg [dreg:$0x2]  }
0x4: {  	s9 =	stileid.u32;
	s4 =	simm.s32 $0x0;
	s28 =	simm.s32 $0x200  }
0x5: {  	s29 =	simm.s32 $0x78;
	s30 =	simm.s32 $0x4800;
	s6 =	smul.u32 $0x14000, s9  }
0x6: {  	s31 =	simm.s32 $0x400;
	s2 =	sand.u32 $0x1, s2;
	s7 =	smul.u32 $0x50000, s9  }
0x7: {  	[smem:$0x7FF] =	sst s4;
	s8 =	sadd.s32 $0x1800, s1;
	s5 =	smul.u32 $0x140000, s2  }
0x8: {  	_ =	strace $0x80000047;
	s24 =	sshll.u32 s2, $0x4;
	s2 =	ssub.s32 $0x2, s2  }
0x9: {  	s7 =	sshrl.u32 s7, $0x2;
	s10 =	sshrl.u32 s2, $0x1;
	s5 =	sadd.s32 s6, s5  }
0xa: {  	s6 =	sor.u32 s9, s24;
	s19 =	sadd.s32 s7, s3;
	s2 =	ssub.s32 s2, s10  }
0xb: {  	s10 =	simm.s32 $0xA00;
	s26 =	sadd.s32 $0x3C00, s19;
	[dreg:$0x4] =	wrdreg s19  }
0xc: {  	s7 =	simm.s32 $0xC;
	s11 =	sadd.s32 $0x7800, s19;
	[dreg:$0x5] =	wrdreg s26  }
0xd: {  	s5 =	sshrl.u32 s5, $0x3;
	s12 =	sadd.s32 $0xB400, s19;
	[dreg:$0x6] =	wrdreg s11  }
0xe: {  	s9 =	smul.u32 $0x54, s6;
	s13 =	sadd.s32 $0xF000, s19;
	[dreg:$0x7] =	wrdreg s12  }
0xf: {  	s25 =	smul.u32 $0x1500, s6;
	s14 =	sadd.s32 $0x12C00, s19;
	[dreg:$0x8] =	wrdreg s13  }
0x10: {  	s6 =	smul.u32 $0xA800, s6;
	s5 =	sadd.s32 s5, s1;
	[dreg:$0x9] =	wrdreg s14  }
0x11: {  	s13 =	sadd.s32 $0x18C0, s1;
	s26 =	smax.u32 s2, $0x1;
	s2 =	simm.s32 $0x800  }
0x12: {  	s12 =	simm.s32 $0x8;
	s15 =	sadd.s32 s8, s25;
	[dreg:$0x15] =	wrdreg s26  }
0x13: {  	s14 =	simm.s32 $0x6;
	s18 =	sadd.s32 s25, s13;
	[dreg:$0xa] =	wrdreg s15  }
0x14: {  	s6 =	sshrl.u32 s6, $0x3;
	s20 =	sor.u32 $0x2, s9;
	[dreg:$0xd] =	wrdreg s18  }
0x15: {  	s21 =	sor.u32 $0x3, s9;
	s22 =	sadd.s32 $0x4, s9;
	[dreg:$0xf] =	wrdreg s20  }
0x16: {  	s23 =	sadd.s32 $0x5, s9;
	s24 =	sadd.s32 $0x7, s9;
	[dreg:$0x10] =	wrdreg s21  }
0x17: {  	s25 =	sadd.s32 $0x2B800, s5;
	s5 =	simm.s32 $0x5;
	[dreg:$0x11] =	wrdreg s22  }
0x18: {  	s11 =	sadd.s32 $0x40, s15;
	s16 =	sadd.s32 s8, s6;
	[dreg:$0x12] =	wrdreg s23  }
0x19: {  	s17 =	sadd.s32 $0x80, s15;
	s21 =	sadd.s32 $0x6, s9;
	[dreg:$0x13] =	wrdreg s24  }
0x1a: {  	[dreg:$0x14] =	wrdreg s25;
	s25 =	simm.s32 $0xC00;
	s20 =	simm.s32 $0xD  }
.Ltmp0:
0x1b: {  	s6 =	simm.s32 $0x7;
	s8 =	simm.s32 $0x3;
	(pc) =	sbr.rel .LBB2_1-.Ltmp0, $4  }
0x1c: {  	s9 =	simm.s32 $0x8400;
	s15 =	simm.s32 $0xA;
	s23 =	simm.s32 $0x9  }
0x1d: {  	s24 =	simm.s32 $0x2;
	s18 =	simm.s32 $0x0;
	[dreg:$0xb] =	wrdreg s11  }
0x1e: {  	[dreg:$0xc] =	wrdreg s17;
	s1 =	sadd.s32 $0x100, s16;
	s16 =	simm.s32 $0x4  }
0x1f: {  	v0 =	vimm.f32 $0.0e+00;
	s11 =	simm.s32 $0xB;
	[dreg:$0xe] =	wrdreg s1;
	s1 =	simm.s32 $0x600  }
.LBB2_18:
0x20: {  	_ =	swait.ge [sflag:s15], $0x3C00  }
0x21: {  	[sflag:s15] =	ssyncset.done $0x0  }
0x22: {  	[sflag:s15] =	ssyncadd.s32 $0xFFFFC400  }
0x23: {  	_ =	swait.ge [sflag:s11], $0x3C00  }
0x24: {  	[sflag:s11] =	ssyncset.done $0x0  }
0x25: {  	[sflag:s11] =	ssyncadd.s32 $0xFFFFC400  }
0x26: {  	_ =	swait.ge [sflag:s7], $0x3C00  }
0x27: {  	[sflag:s7] =	ssyncset.done $0x0  }
0x28: {  	[sflag:s7] =	ssyncadd.s32 $0xFFFFC400  }
0x29: {  	s17 =	stileid.u32;
	[bflag:$0x0] =	sbarrier.arrive $0xFFFF  }
0x2a: {  	s17 =	sshll.u32 s17, $0x6;
	s19 =	rddreg [dreg:$0x4]  }
0x2b: {  	s17 =	sor.u32 $0x1C0D, s17;
	s20 =	rddreg [dreg:$0x14];
	s18 =	sshrl.u32 s19, $0x3  }
0x2c: {  	[hbm:s20], [sflag:s17] =	dma.local [spmem:s18], $0x2800  }
0x2d: {  	s20 =	simm.s32 $0xD  }
0x2e: {  	_ =	swait.ge [sflag:s20], $0x2800  }
0x2f: {  	s22 =	rddreg [dreg:$0x16]  }
0x30: {  	s26 =	rddreg [dreg:$0x15];
	s18 =	sadd.s32 $0x1, s22  }
0x31: {  	p0 =	sne.s32 s18, s26  }
.Ltmp1:
0x32: {  	_ = 	snop;
	(pc) =	sbr.rel @!p0 .LBB2_19-.Ltmp1, $3  }
0x33: {  	_ =	sdelay $0x1  }
0x34: {  	[sflag:s20] =	ssyncset.done $0x0  }
0x35: {  	[sflag:s20] =	ssyncadd.s32 $0xFFFFD800  }
.LBB2_1:
0x36: {  	[dreg:$0x16] =	wrdreg s18;
	s17 =	simm.s32 $0x0;
	s18 =	simm.s32 $0x200  }
.LBB2_2:
0x37: {  	p0 =	sne.s32 s18, $0xEE00;
	[tilespmem:s17+$0xC70] =	vst v0  }
0x38: {  	[tilespmem:s17+$0xC00] =	vst v0  }
0x39: {  	[tilespmem:s17+$0xC10] =	vst v0  }
.Ltmp2:
0x3a: {  	[tilespmem:s17+$0xC20] =	vst v0;
	(pc) =	sbr.rel @p0 .LBB2_2-.Ltmp2, $4  }
0x3b: {  	[tilespmem:s17+$0xC30] =	vst v0  }
0x3c: {  	[tilespmem:s17+$0xC40] =	vst v0  }
0x3d: {  	[tilespmem:s17+$0xC50] =	vst v0  }
0x3e: {  	[tilespmem:s17+$0xC60] =	vst v0;
	s17 =	sshra.s32 s18, $0x2;
	s18 =	sadd.s32 $0x200, s18  }
0x3f: {  	[tilespmem:s17+$0xC70] =	vst v0  }
0x40: {  	[tilespmem:s17+$0xC00] =	vst v0  }
0x41: {  	[tilespmem:s17+$0xC10] =	vst v0  }
0x42: {  	[tilespmem:s17+$0xC20] =	vst v0  }
0x43: {  	[tilespmem:s17+$0xC30] =	vst v0  }
0x44: {  	[tilespmem:s17+$0xC40] =	vst v0  }
0x45: {  	[tilespmem:s17+$0xC50] =	vst v0  }
0x46: {  	[tilespmem:s17+$0xC60] =	vst v0  }
0x47: {  	[spmem:s19] =	stream.linear.scatter [tilespmem:s25], [sflag:$0xD], $0x3C00, $0x38;
	v63 =	vld [tilespmem:$0x0]  }
0x48: {  	_ =	swait.ge [sflag:s20], $0x3C00  }
0x49: {  	[sflag:s20] =	ssyncset.done $0x0  }
0x4a: {  	s22 =	rddreg [dreg:$0x5];
	[sflag:s20] =	ssyncadd.s32 $0xFFFFC400  }
0x4b: {  	[spmem:s22] =	stream.linear.scatter [tilespmem:s25], [sflag:$0xD], $0x3C00, $0x38;
	v63 =	vld [tilespmem:$0x0]  }
0x4c: {  	_ =	swait.ge [sflag:s20], $0x3C00  }
0x4d: {  	[sflag:s20] =	ssyncset.done $0x0  }
0x4e: {  	s26 =	rddreg [dreg:$0x6];
	[sflag:s20] =	ssyncadd.s32 $0xFFFFC400  }
0x4f: {  	[spmem:s26] =	stream.linear.scatter [tilespmem:s25], [sflag:$0xD], $0x3C00, $0x38;
	v63 =	vld [tilespmem:$0x0]  }
0x50: {  	_ =	swait.ge [sflag:s20], $0x3C00  }
0x51: {  	[sflag:s20] =	ssyncset.done $0x0  }
0x52: {  	s18 =	rddreg [dreg:$0x7];
	[sflag:s20] =	ssyncadd.s32 $0xFFFFC400  }
0x53: {  	[spmem:s18] =	stream.linear.scatter [tilespmem:s25], [sflag:$0xD], $0x3C00, $0x38;
	v63 =	vld [tilespmem:$0x0]  }
0x54: {  	_ =	swait.ge [sflag:s20], $0x3C00  }
0x55: {  	[sflag:s20] =	ssyncset.done $0x0  }
0x56: {  	s19 =	rddreg [dreg:$0x8];
	[sflag:s20] =	ssyncadd.s32 $0xFFFFC400  }
0x57: {  	[spmem:s19] =	stream.linear.scatter [tilespmem:s25], [sflag:$0xD], $0x3C00, $0x38;
	v63 =	vld [tilespmem:$0x0]  }
0x58: {  	_ =	swait.ge [sflag:s20], $0x3C00  }
0x59: {  	[sflag:s20] =	ssyncset.done $0x0  }
0x5a: {  	s22 =	rddreg [dreg:$0x9];
	[sflag:s20] =	ssyncadd.s32 $0xFFFFC400  }
0x5b: {  	[spmem:s22] =	stream.linear.scatter [tilespmem:s25], [sflag:$0xD], $0x1400, $0x38;
	v63 =	vld [tilespmem:$0x0]  }
0x5c: {  	_ =	swait.ge [sflag:s20], $0x1400  }
0x5d: {  	[sflag:s20] =	ssyncset.done $0x0  }
0x5e: {  	[sflag:s20] =	ssyncadd.s32 $0xFFFFEC00  }
0x5f: {  	[bflag:$0x0] =	sbarrier.arrive $0xFFFF  }
0x60: {  	s18 =	simm.s32 $0x0;
	s26 =	rddreg [dreg:$0xa]  }
0x61: {  	[tilespmem:s18], [sflag:$0xD] =	stream.linear.gather [hbm4b:s26+s18], $0x180, $0x38;
	v63 =	vld [tilespmem:$0x0]  }
0x62: {  	_ =	swait.ge [sflag:s20], $0x180  }
0x63: {  	[sflag:s20] =	ssyncset.done $0x0  }
0x64: {  	s19 =	rddreg [dreg:$0xb];
	[sflag:s20] =	ssyncadd.s32 $0xFFFFFE80  }
0x65: {  	[tilespmem:s28], [sflag:$0xD] =	stream.linear.gather [hbm4b:s19+s18], $0x180, $0x38;
	v63 =	vld [tilespmem:$0x0]  }
0x66: {  	_ =	swait.ge [sflag:s20], $0x180  }
0x67: {  	[sflag:s20] =	ssyncset.done $0x0  }
0x68: {  	[sflag:s20] =	ssyncadd.s32 $0xFFFFFE80  }
0x69: {  	[tilespmem:s25], [sflag:$0x7] =	stream.indirect.gather [hbm4b:s0+s29], $0x80, s18, s29, $0xb8;
	v63 =	vld [tilespmem:$0x0]  }
0x6a: {  	_ = 	snop  }
0x6b: {  	[tilespmem:s30], [sflag:$0x8] =	stream.indirect.gather [hbm4b:s0+s29], $0x80, s28, s29, $0xb8;
	v63 =	vld [tilespmem:$0x0]  }
0x6c: {  	s20 =	rddreg [dreg:$0xc]  }
0x6d: {  	[tilespmem:s31], [sflag:$0x3] =	stream.linear.gather [hbm4b:s20+s18], $0x180, $0x38;
	v63 =	vld [tilespmem:$0x0]  }
0x6e: {  	s22 =	rddreg [dreg:$0xd]  }
0x6f: {  	[tilespmem:s1], [sflag:$0x4] =	stream.linear.gather [hbm4b:s22+s18], $0x180, $0x38;
	v63 =	vld [tilespmem:$0x0]  }
0x70: {  	s26 =	rddreg [dreg:$0xe]  }
0x71: {  	[tilespmem:s2], [sflag:$0x5] =	stream.linear.gather [hbm4b:s26+s18], $0x180, $0x38;
	v63 =	vld [tilespmem:$0x0]  }
0x72: {  	s26 =	simm.s32 $0x0  }
.LBB2_4:
0x73: {  	s17 =	simm.s32 $0x0  }
0x74: {  	s18 =	simm.s32 $0x3;
	v1 =	vmov s17  }
0x75: {  	v2 =	vmov s18;
	v1 =	vand.u32 $0x7C, v1  }
0x76: {  	v2 =	vand.u32 $0x7F, v2;
	v1 =	vor.u32 $0x100, v1  }
0x77: {  	v2 =	vor.u32 $0x100, v2;
	v1 =	vbroadcast v1, $0x0  }
0x78: {  	_ =	swait.ge [sflag:s6], $0x3C00;
	v2 =	vbroadcast v2, $0x0  }
0x79: {  	[sflag:s6] =	ssyncset.done $0x0  }
0x7a: {  	s22 =	simm.s32 $0xD00;
	[sflag:s6] =	ssyncadd.s32 $0xFFFFC400  }
0x7b: {  	v5 =	vld [tilespmem:s22+$0xFFFFFF00]  }
0x7c: {  	s19 =	simm.s32 $0x1;
	v6 =	vld [tilespmem:s22+$0xFFFFFF10]  }
0x7d: {  	v4 =	vmov s19;
	v3 =	vld.idx.msk [tilespmem:v1+s4+$0x0], $0xffff  }
0x7e: {  	v1 =	vld.idx.msk [tilespmem:v2+s4+$0x0], $0xffff;
	v2 =	vand.u32 $0x7D, v4  }
0x7f: {  	v7 =	vld [tilespmem:s22+$0xFFFFFF20];
	v2 =	vor.u32 $0x100, v2  }
0x80: {  	v4 =	vld [tilespmem:s22+$0xF0];
	v2 =	vbroadcast v2, $0x0  }
0x81: {  	v8 =	vld [tilespmem:s22+$0xFFFFFF30]  }
0x82: {  	v9 =	vld [tilespmem:s22+$0xFFFFFF40]  }
0x83: {  	v10 =	vld [tilespmem:s22+$0xFFFFFF50];
	v5 =	vmul.f32 v3, v5  }
0x84: {  	v11 =	vld [tilespmem:s22+$0xFFFFFF60]  }
0x85: {  	s20 =	simm.s32 $0x2;
	v4 =	vmul.f32 v1, v4;
	[tilespmem:s22+$0xFFFFFF00] =	vst v5;
	v5 =	vld [tilespmem:s22+$0xFFFFFF70]  }
0x86: {  	v12 =	vmov s20;
	v6 =	vmul.f32 v3, v6;
	v13 =	vld.idx.msk [tilespmem:v2+s4+$0x0], $0xffff  }
0x87: {  	[tilespmem:s22+$0xF0] =	vst v4;
	v4 =	vmul.f32 v3, v7;
	v2 =	vand.u32 $0x7E, v12;
	v12 =	vld [tilespmem:s22+$0xFFFFFF80]  }
0x88: {  	v7 =	vld [tilespmem:s22+$0xFFFFFF90];
	[tilespmem:s22+$0xFFFFFF10] =	vst v6;
	v6 =	vmul.f32 v3, v8;
	v2 =	vor.u32 $0x100, v2  }
0x89: {  	v8 =	vld [tilespmem:s22+$0xFFFFFFA0];
	[tilespmem:s22+$0xFFFFFF20] =	vst v4;
	v4 =	vmul.f32 v3, v9;
	v2 =	vbroadcast v2, $0x0  }
0x8a: {  	v9 =	vld [tilespmem:s22+$0xFFFFFFB0];
	[tilespmem:s22+$0xFFFFFF30] =	vst v6;
	v6 =	vmul.f32 v3, v10  }
0x8b: {  	v11 =	vmul.f32 v3, v11;
	v10 =	vld [tilespmem:s22+$0xFFFFFFC0];
	[tilespmem:s22+$0xFFFFFF40] =	vst v4;
	v3 =	vmul.f32 v3, v5  }
0x8c: {  	[tilespmem:s22+$0xFFFFFF50] =	vst v6;
	v6 =	vld [tilespmem:s22+$0xFFFFFFE0];
	v4 =	vmul.f32 v13, v12  }
0x8d: {  	v12 =	vld [tilespmem:s22+$0xFFFFFFD0];
	[tilespmem:s22+$0xFFFFFF70] =	vst v3  }
0x8e: {  	v3 =	vmul.f32 v13, v8;
	[tilespmem:s22+$0xFFFFFF80] =	vst v4;
	v4 =	vmul.f32 v13, v7;
	v7 =	vld [tilespmem:s22+$0x0]  }
0x8f: {  	[tilespmem:s22+$0xFFFFFF60] =	vst v11;
	v2 =	vld.idx.msk [tilespmem:v2+s4+$0x0], $0xffff  }
0x90: {  	v5 =	vld [tilespmem:s22+$0xFFFFFFF0];
	[tilespmem:s22+$0xFFFFFFA0] =	vst v3;
	v3 =	vmul.f32 v13, v10  }
0x91: {  	v8 =	vld [tilespmem:s22+$0x10];
	[tilespmem:s22+$0xFFFFFF90] =	vst v4;
	v4 =	vmul.f32 v13, v9  }
0x92: {  	s18 =	simm.s32 $0x4;
	v6 =	vmul.f32 v13, v6;
	v9 =	vld [tilespmem:s22+$0x20];
	[tilespmem:s22+$0xFFFFFFC0] =	vst v3  }
0x93: {  	v11 =	vmov s18;
	v10 =	vld [tilespmem:s22+$0x30];
	[tilespmem:s22+$0xFFFFFFB0] =	vst v4;
	v4 =	vmul.f32 v13, v12  }
0x94: {  	v11 =	vand.u32 $0x7C, v11;
	v3 =	vld [tilespmem:s22+$0x40];
	[tilespmem:s22+$0xFFFFFFE0] =	vst v6;
	v7 =	vmul.f32 v2, v7  }
0x95: {  	s19 =	simm.s32 $0x5;
	s20 =	simm.s32 $0x6;
	v6 =	vor.u32 $0x100, v11;
	v12 =	vmul.f32 v13, v5;
	[tilespmem:s22+$0xFFFFFFD0] =	vst v4;
	v4 =	vld [tilespmem:s22+$0x50]  }
0x96: {  	v13 =	vmov s19;
	v5 =	vld [tilespmem:s22+$0x60];
	v8 =	vmul.f32 v2, v8;
	[tilespmem:s22+$0x0] =	vst v7;
	v7 =	vmov s20  }
0x97: {  	[tilespmem:s22+$0xFFFFFFF0] =	vst v12;
	v12 =	vand.u32 $0x7D, v13;
	v9 =	vmul.f32 v2, v9;
	v11 =	vand.u32 $0x7E, v7;
	v7 =	vld [tilespmem:s22+$0x70]  }
0x98: {  	s17 =	simm.s32 $0xD00;
	s18 =	simm.s32 $0x8;
	v6 =	vbroadcast v6, $0x0;
	s19 =	simm.s32 $0x7;
	v10 =	vmul.f32 v2, v10;
	v12 =	vor.u32 $0x100, v12;
	[tilespmem:s22+$0x10] =	vst v8;
	v8 =	vld [tilespmem:s22+$0x80]  }
.LBB2_5:
0x99: {  	p0 =	slt.u32 s18, $0x74;
	v11 =	vor.u32 $0x100, v11;
	v13 =	vmov s19;
	[tilespmem:s22+$0x20] =	vst v9;
	v3 =	vmul.f32 v2, v3;
	v9 =	vld [tilespmem:s22+$0x90]  }
0x9a: {  	v12 =	vbroadcast v12, $0x0;
	v13 =	vand.u32 $0x7F, v13;
	[tilespmem:s22+$0x30] =	vst v10;
	v4 =	vmul.f32 v2, v4;
	v10 =	vld [tilespmem:s22+$0xA0]  }
0x9b: {  	v11 =	vbroadcast v11, $0x0;
	v13 =	vor.u32 $0x100, v13;
	[tilespmem:s22+$0x40] =	vst v3;
	v3 =	vmul.f32 v2, v5;
	v5 =	vld [tilespmem:s22+$0xB0]  }
0x9c: {  	v13 =	vbroadcast v13, $0x0;
	[tilespmem:s22+$0x50] =	vst v4;
	v2 =	vmul.f32 v2, v7;
	v4 =	vld [tilespmem:s22+$0xC0]  }
0x9d: {  	[tilespmem:s22+$0x60] =	vst v3;
	v3 =	vmul.f32 v1, v8;
	v7 =	vld [tilespmem:s22+$0xD0]  }
0x9e: {  	[tilespmem:s22+$0x70] =	vst v2;
	v2 =	vmul.f32 v1, v9;
	v8 =	vld [tilespmem:s22+$0xE0]  }
0x9f: {  	v6 =	vld.idx.msk [tilespmem:v6+s4+$0x0], $0xffff;
	[tilespmem:s22+$0x80] =	vst v3;
	v3 =	vmul.f32 v1, v10  }
0xa0: {  	v9 =	vld.idx.msk [tilespmem:v12+s4+$0x0], $0xffff;
	[tilespmem:s22+$0x90] =	vst v2;
	v5 =	vmul.f32 v1, v5  }
0xa1: {  	v2 =	vld.idx.msk [tilespmem:v11+s4+$0x0], $0xffff;
	[tilespmem:s22+$0xA0] =	vst v3;
	v3 =	vmul.f32 v1, v4  }
0xa2: {  	s22 =	sadd.s32 $0x200, s22;
	v4 =	vld.idx.msk [tilespmem:v13+s4+$0x0], $0xffff;
	[tilespmem:s17+$0xB0] =	vst v5;
	v5 =	vmul.f32 v1, v7  }
0xa3: {  	v7 =	vld [tilespmem:s22+$0xF0];
	[tilespmem:s17+$0xC0] =	vst v3;
	v1 =	vmul.f32 v1, v8  }
0xa4: {  	v3 =	vld [tilespmem:s22+$0xFFFFFF00];
	[tilespmem:s17+$0xD0] =	vst v5  }
0xa5: {  	v5 =	vld [tilespmem:s22+$0xFFFFFF10];
	[tilespmem:s17+$0xE0] =	vst v1;
	s17 =	smov.u32 s22  }
0xa6: {  	v8 =	vld [tilespmem:s22+$0xFFFFFF20]  }
0xa7: {  	v10 =	vld [tilespmem:s22+$0xFFFFFF30]  }
0xa8: {  	v1 =	vmov v4;
	v11 =	vld [tilespmem:s22+$0xFFFFFF40];
	v7 =	vmul.f32 v4, v7  }
0xa9: {  	v3 =	vmul.f32 v6, v3;
	v4 =	vld [tilespmem:s22+$0xFFFFFF50]  }
0xaa: {  	v5 =	vmul.f32 v6, v5;
	v12 =	vld [tilespmem:s22+$0xFFFFFF60];
	[tilespmem:s22+$0xF0] =	vst v7  }
0xab: {  	[tilespmem:s22+$0xFFFFFF00] =	vst v3;
	v3 =	vmul.f32 v6, v8;
	v7 =	vld [tilespmem:s22+$0xFFFFFF70]  }
0xac: {  	[tilespmem:s22+$0xFFFFFF10] =	vst v5;
	v5 =	vmul.f32 v6, v10;
	v8 =	vld [tilespmem:s22+$0xFFFFFF80]  }
0xad: {  	[tilespmem:s22+$0xFFFFFF20] =	vst v3;
	v3 =	vmul.f32 v6, v11;
	v10 =	vld [tilespmem:s22+$0xFFFFFF90]  }
0xae: {  	[tilespmem:s22+$0xFFFFFF30] =	vst v5;
	v4 =	vmul.f32 v6, v4;
	v5 =	vld [tilespmem:s22+$0xFFFFFFA0]  }
0xaf: {  	[tilespmem:s22+$0xFFFFFF40] =	vst v3;
	v3 =	vmul.f32 v6, v12;
	v11 =	vld [tilespmem:s22+$0xFFFFFFB0]  }
0xb0: {  	[tilespmem:s22+$0xFFFFFF50] =	vst v4;
	v4 =	vmul.f32 v6, v7;
	v6 =	vld [tilespmem:s22+$0xFFFFFFC0]  }
0xb1: {  	[tilespmem:s22+$0xFFFFFF60] =	vst v3;
	v3 =	vmul.f32 v9, v8;
	v7 =	vld [tilespmem:s22+$0xFFFFFFD0]  }
0xb2: {  	[tilespmem:s22+$0xFFFFFF70] =	vst v4;
	v4 =	vmul.f32 v9, v10;
	v8 =	vld [tilespmem:s22+$0xFFFFFFE0]  }
0xb3: {  	[tilespmem:s22+$0xFFFFFF80] =	vst v3;
	v3 =	vmul.f32 v9, v5;
	v5 =	vld [tilespmem:s22+$0xFFFFFFF0]  }
0xb4: {  	[tilespmem:s22+$0xFFFFFF90] =	vst v4;
	v4 =	vmul.f32 v9, v11;
	v10 =	vld [tilespmem:s22+$0x0]  }
0xb5: {  	[tilespmem:s22+$0xFFFFFFA0] =	vst v3;
	v3 =	vmul.f32 v9, v6;
	v6 =	vld [tilespmem:s22+$0x10]  }
0xb6: {  	[tilespmem:s22+$0xFFFFFFB0] =	vst v4;
	v4 =	vmul.f32 v9, v7;
	v7 =	vld [tilespmem:s22+$0x20]  }
0xb7: {  	[tilespmem:s22+$0xFFFFFFC0] =	vst v3;
	v8 =	vmul.f32 v9, v8;
	v13 =	vld [tilespmem:s22+$0x30]  }
.Ltmp3:
0xb8: {  	s19 =	sadd.s32 $0x1, s18;
	v11 =	vmov s18;
	[tilespmem:s22+$0xFFFFFFD0] =	vst v4;
	v5 =	vmul.f32 v9, v5;
	v3 =	vld [tilespmem:s22+$0x40];
	(pc) =	sbr.rel @p0 .LBB2_5-.Ltmp3, $4  }
0xb9: {  	v9 =	vand.u32 $0x7C, v11;
	v11 =	vmov s19;
	s19 =	sadd.s32 $0x2, s18;
	[tilespmem:s22+$0xFFFFFFE0] =	vst v8;
	v8 =	vmul.f32 v2, v10;
	v4 =	vld [tilespmem:s22+$0x50]  }
0xba: {  	v10 =	vor.u32 $0x100, v9;
	v9 =	vmov s19;
	[tilespmem:s22+$0xFFFFFFF0] =	vst v5;
	v14 =	vmul.f32 v2, v6;
	v5 =	vld [tilespmem:s22+$0x60]  }
0xbb: {  	v12 =	vand.u32 $0x7D, v11;
	v11 =	vand.u32 $0x7E, v9;
	[tilespmem:s22+$0x0] =	vst v8;
	v9 =	vmul.f32 v2, v7;
	v7 =	vld [tilespmem:s22+$0x70]  }
0xbc: {  	s19 =	sadd.s32 $0x3, s18;
	s18 =	sadd.s32 $0x4, s18;
	v6 =	vbroadcast v10, $0x0;
	v12 =	vor.u32 $0x100, v12;
	[tilespmem:s22+$0x10] =	vst v14;
	v10 =	vmul.f32 v2, v13;
	v8 =	vld [tilespmem:s22+$0x80]  }
0xbd: {  	v14 =	vld [tilespmem:s22+$0x90]  }
0xbe: {  	v15 =	vld [tilespmem:s22+$0xA0]  }
0xbf: {  	v13 =	vmov s19;
	v11 =	vor.u32 $0x100, v11;
	v12 =	vbroadcast v12, $0x0;
	v16 =	vld [tilespmem:s22+$0xB0]  }
0xc0: {  	v17 =	vld [tilespmem:s22+$0xC0];
	[tilespmem:s22+$0x20] =	vst v9;
	v3 =	vmul.f32 v2, v3;
	v13 =	vand.u32 $0x7F, v13;
	v11 =	vbroadcast v11, $0x0  }
0xc1: {  	v9 =	vld [tilespmem:s22+$0xD0];
	[tilespmem:s22+$0x30] =	vst v10;
	v4 =	vmul.f32 v2, v4;
	v13 =	vor.u32 $0x100, v13  }
0xc2: {  	v10 =	vld [tilespmem:s22+$0xE0];
	[tilespmem:s22+$0x40] =	vst v3;
	v3 =	vmul.f32 v2, v5;
	v13 =	vbroadcast v13, $0x0  }
0xc3: {  	s18 =	sadd.s32 $0x200, s22;
	v5 =	vld.idx.msk [tilespmem:v6+s4+$0x0], $0xffff;
	[tilespmem:s22+$0x50] =	vst v4;
	v2 =	vmul.f32 v2, v7  }
0xc4: {  	[tilespmem:s22+$0x60] =	vst v3;
	v3 =	vmul.f32 v1, v8;
	v8 =	vld [tilespmem:s18+$0xF0]  }
0xc5: {  	[tilespmem:s22+$0x70] =	vst v2;
	v2 =	vmul.f32 v1, v14;
	v4 =	vld.idx.msk [tilespmem:v12+s4+$0x0], $0xffff  }
0xc6: {  	[tilespmem:s22+$0x80] =	vst v3;
	v3 =	vmul.f32 v1, v15;
	v6 =	vld.idx.msk [tilespmem:v11+s4+$0x0], $0xffff  }
0xc7: {  	[tilespmem:s22+$0x90] =	vst v2;
	v2 =	vmul.f32 v1, v16;
	v11 =	vld [tilespmem:s18+$0xFFFFFF00]  }
0xc8: {  	[tilespmem:s22+$0xA0] =	vst v3;
	v3 =	vmul.f32 v1, v17;
	v7 =	vld.idx.msk [tilespmem:v13+s4+$0x0], $0xffff  }
0xc9: {  	v12 =	vld [tilespmem:s18+$0xFFFFFF10];
	[tilespmem:s17+$0xB0] =	vst v2;
	v2 =	vmul.f32 v1, v9  }
0xca: {  	v9 =	vld [tilespmem:s18+$0xFFFFFF20];
	v1 =	vmul.f32 v1, v10;
	[tilespmem:s17+$0xC0] =	vst v3  }
0xcb: {  	v3 =	vld [tilespmem:s18+$0xFFFFFF30];
	[tilespmem:s17+$0xD0] =	vst v2  }
0xcc: {  	v2 =	vld [tilespmem:s18+$0xFFFFFF40];
	[tilespmem:s17+$0xE0] =	vst v1;
	v1 =	vmul.f32 v5, v11  }
0xcd: {  	v10 =	vld [tilespmem:s18+$0xFFFFFF50];
	v8 =	vmul.f32 v7, v8  }
0xce: {  	v11 =	vmul.f32 v5, v12;
	v12 =	vld [tilespmem:s18+$0xFFFFFF60];
	[tilespmem:s18+$0xFFFFFF00] =	vst v1  }
0xcf: {  	v1 =	vmul.f32 v5, v9;
	[tilespmem:s18+$0xF0] =	vst v8;
	v8 =	vld [tilespmem:s18+$0xFFFFFF70]  }
0xd0: {  	[tilespmem:s18+$0xFFFFFF10] =	vst v11;
	v9 =	vld [tilespmem:s18+$0xFFFFFF80];
	v3 =	vmul.f32 v5, v3  }
0xd1: {  	[tilespmem:s18+$0xFFFFFF20] =	vst v1;
	v1 =	vmul.f32 v5, v2;
	v2 =	vld [tilespmem:s18+$0xFFFFFF90]  }
0xd2: {  	[tilespmem:s18+$0xFFFFFF30] =	vst v3;
	v3 =	vmul.f32 v5, v10;
	v10 =	vld [tilespmem:s18+$0xFFFFFFA0]  }
0xd3: {  	v11 =	vld [tilespmem:s18+$0xFFFFFFB0];
	[tilespmem:s18+$0xFFFFFF40] =	vst v1;
	v1 =	vmul.f32 v5, v12  }
0xd4: {  	[tilespmem:s18+$0xFFFFFF50] =	vst v3;
	v3 =	vmul.f32 v5, v8;
	v5 =	vld [tilespmem:s18+$0xFFFFFFC0]  }
0xd5: {  	[tilespmem:s18+$0xFFFFFF60] =	vst v1;
	v1 =	vmul.f32 v4, v9;
	v8 =	vld [tilespmem:s18+$0xFFFFFFD0]  }
0xd6: {  	v2 =	vmul.f32 v4, v2;
	[tilespmem:s18+$0xFFFFFF70] =	vst v3;
	v3 =	vld [tilespmem:s18+$0xFFFFFFE0]  }
0xd7: {  	v9 =	vld [tilespmem:s18+$0xFFFFFFF0];
	[tilespmem:s18+$0xFFFFFF80] =	vst v1;
	v1 =	vmul.f32 v4, v10  }
0xd8: {  	v10 =	vld [tilespmem:s18+$0x0];
	[tilespmem:s18+$0xFFFFFF90] =	vst v2;
	v2 =	vmul.f32 v4, v11  }
0xd9: {  	[tilespmem:s18+$0xFFFFFFA0] =	vst v1;
	v1 =	vmul.f32 v4, v5;
	v5 =	vld [tilespmem:s18+$0x10]  }
0xda: {  	[tilespmem:s18+$0xFFFFFFB0] =	vst v2;
	v2 =	vmul.f32 v4, v8;
	v8 =	vld [tilespmem:s18+$0x20]  }
0xdb: {  	[tilespmem:s18+$0xFFFFFFC0] =	vst v1;
	v1 =	vmul.f32 v4, v3;
	v3 =	vld [tilespmem:s18+$0x30]  }
0xdc: {  	[tilespmem:s18+$0xFFFFFFD0] =	vst v2;
	v2 =	vmul.f32 v4, v9;
	v4 =	vld [tilespmem:s18+$0x40]  }
0xdd: {  	v9 =	vld [tilespmem:s18+$0x50];
	[tilespmem:s18+$0xFFFFFFE0] =	vst v1;
	v1 =	vmul.f32 v6, v10  }
0xde: {  	[tilespmem:s18+$0xFFFFFFF0] =	vst v2;
	v2 =	vmul.f32 v6, v5;
	v5 =	vld [tilespmem:s18+$0x60]  }
0xdf: {  	[tilespmem:s18+$0x0] =	vst v1;
	v1 =	vmul.f32 v6, v8;
	v8 =	vld [tilespmem:s18+$0x70]  }
0xe0: {  	[tilespmem:s18+$0x10] =	vst v2;
	v2 =	vmul.f32 v6, v3;
	v3 =	vld [tilespmem:s18+$0x80]  }
0xe1: {  	[tilespmem:s18+$0x20] =	vst v1;
	v1 =	vmul.f32 v6, v4;
	v4 =	vld [tilespmem:s18+$0x90]  }
0xe2: {  	[tilespmem:s18+$0x30] =	vst v2;
	v2 =	vmul.f32 v6, v9;
	v9 =	vld [tilespmem:s18+$0xA0]  }
0xe3: {  	[tilespmem:s18+$0x40] =	vst v1;
	v1 =	vmul.f32 v6, v5;
	v5 =	vld [tilespmem:s18+$0xB0]  }
0xe4: {  	[tilespmem:s18+$0x50] =	vst v2;
	v2 =	vmul.f32 v6, v8;
	v6 =	vld [tilespmem:s18+$0xC0]  }
0xe5: {  	[tilespmem:s18+$0x60] =	vst v1;
	v1 =	vmul.f32 v7, v3;
	v3 =	vld [tilespmem:s18+$0xD0]  }
0xe6: {  	[tilespmem:s18+$0x70] =	vst v2;
	v2 =	vmul.f32 v7, v4;
	v4 =	vld [tilespmem:s18+$0xE0]  }
0xe7: {  	[tilespmem:s18+$0x80] =	vst v1;
	v1 =	vmul.f32 v7, v9  }
0xe8: {  	[tilespmem:s18+$0x90] =	vst v2;
	v2 =	vmul.f32 v7, v5  }
0xe9: {  	s22 =	smul.u32 $0x6, s26;
	[tilespmem:s18+$0xA0] =	vst v1;
	v1 =	vmul.f32 v7, v6  }
0xea: {  	[tilespmem:s18+$0xB0] =	vst v2;
	v2 =	vmul.f32 v7, v3  }
0xeb: {  	s19 =	sadd.s32 $0xFFFFFFFF, s22;
	[tilespmem:s18+$0xC0] =	vst v1;
	v1 =	vmul.f32 v7, v4  }
0xec: {  	p0 =	sgt.u32 s19, $0x50;
	[tilespmem:s18+$0xD0] =	vst v2  }
0xed: {  	s17 =	simm.s32 @!p0 $0xC;
	[tilespmem:s18+$0xE0] =	vst v1;
	s18 =	simm.s32 $0x80  }
0xee: {  	[spmem:s3] =	stream.indirect.scatter.add.f32 [tilespmem:s25], [sflag:$0xA], $0x80, s18, s29, $0xb8;
	v63 =	vld [tilespmem:$0x0]  }
0xef: {  	_ =	swait.ge @!p0 [sflag:s17], $0x3C00  }
0xf0: {  	[sflag:s17] =	ssyncset.done @!p0 $0x0  }
0xf1: {  	[sflag:s17] =	ssyncadd.s32 @!p0 $0xFFFFC400  }
0xf2: {  	s17 =	simm.s32 $0x0;
	_ =	swait.ge [sflag:s8], $0x180  }
0xf3: {  	s20 =	simm.s32 $0x3;
	v1 =	vmov s17;
	[sflag:s8] =	ssyncset.done $0x0;
	s19 =	rddreg [dreg:$0xf]  }
0xf4: {  	v2 =	vmov s20;
	v1 =	vand.u32 $0x7C, v1;
	[sflag:s8] =	ssyncadd.s32 $0xFFFFFE80;
	s18 =	sadd.s32 s22, s19  }
0xf5: {  	v2 =	vand.u32 $0x7F, v2;
	v1 =	vor.u32 $0x100, v1;
	[tilespmem:s9], [sflag:$0x9] =	stream.indirect.gather [hbm4b:s0+s29], $0x80, s31, s29, $0xb8;
	v63 =	vld [tilespmem:$0x0]  }
0xf6: {  	v2 =	vor.u32 $0x100, v2;
	s18 =	sshll.u32 s18, $0x6;
	v1 =	vbroadcast v1, $0x0  }
0xf7: {  	v2 =	vbroadcast v2, $0x0;
	s18 =	sadd.s32 s18, s13  }
0xf8: {  	[tilespmem:s10], [sflag:$0x6] =	stream.linear.gather [hbm4b:s18+s17], $0x180, $0x38;
	v63 =	vld [tilespmem:$0x0]  }
0xf9: {  	_ =	swait.ge [sflag:s12], $0x3C00  }
0xfa: {  	[sflag:s12] =	ssyncset.done $0x0  }
0xfb: {  	[sflag:s12] =	ssyncadd.s32 $0xFFFFC400  }
0xfc: {  	s20 =	simm.s32 $0x1;
	v3 =	vld.idx.msk [tilespmem:v1+s28+$0x0], $0xffff  }
0xfd: {  	v4 =	vmov s20;
	s17 =	simm.s32 $0x4900;
	v1 =	vld.idx.msk [tilespmem:v2+s28+$0x0], $0xffff  }
0xfe: {  	v2 =	vand.u32 $0x7D, v4;
	v4 =	vld [tilespmem:s17+$0xF0]  }
0xff: {  	v5 =	vld [tilespmem:s17+$0xFFFFFF00]  }
0x100: {  	v6 =	vld [tilespmem:s17+$0xFFFFFF10]  }
0x101: {  	v7 =	vld [tilespmem:s17+$0xFFFFFF20];
	v2 =	vor.u32 $0x100, v2  }
0x102: {  	v8 =	vld [tilespmem:s17+$0xFFFFFF30];
	v2 =	vbroadcast v2, $0x0  }
0x103: {  	v9 =	vld [tilespmem:s17+$0xFFFFFF40]  }
0x104: {  	v10 =	vld [tilespmem:s17+$0xFFFFFF50];
	v5 =	vmul.f32 v3, v5  }
0x105: {  	v11 =	vld [tilespmem:s17+$0xFFFFFF60];
	v4 =	vmul.f32 v1, v4  }
0x106: {  	[tilespmem:s17+$0xFFFFFF00] =	vst v5;
	v5 =	vld [tilespmem:s17+$0xFFFFFF70]  }
0x107: {  	s19 =	simm.s32 $0x2;
	v6 =	vmul.f32 v3, v6;
	[tilespmem:s17+$0xF0] =	vst v4;
	v4 =	vmul.f32 v3, v7;
	v7 =	vld [tilespmem:s17+$0xFFFFFF90]  }
0x108: {  	v12 =	vmov s19;
	v13 =	vld.idx.msk [tilespmem:v2+s28+$0x0], $0xffff  }
0x109: {  	[tilespmem:s17+$0xFFFFFF10] =	vst v6;
	v6 =	vmul.f32 v3, v8;
	v2 =	vand.u32 $0x7E, v12;
	v12 =	vld [tilespmem:s17+$0xFFFFFF80]  }
0x10a: {  	v11 =	vmul.f32 v3, v11;
	v8 =	vld [tilespmem:s17+$0xFFFFFFA0];
	v2 =	vor.u32 $0x100, v2;
	[tilespmem:s17+$0xFFFFFF20] =	vst v4;
	v4 =	vmul.f32 v3, v9  }
0x10b: {  	v9 =	vld [tilespmem:s17+$0xFFFFFFB0];
	[tilespmem:s17+$0xFFFFFF30] =	vst v6;
	v6 =	vmul.f32 v3, v10;
	v2 =	vbroadcast v2, $0x0  }
0x10c: {  	[tilespmem:s17+$0xFFFFFF60] =	vst v11;
	v10 =	vld [tilespmem:s17+$0xFFFFFFC0]  }
0x10d: {  	[tilespmem:s17+$0xFFFFFF50] =	vst v6;
	v6 =	vld [tilespmem:s17+$0xFFFFFFE0];
	v3 =	vmul.f32 v3, v5  }
0x10e: {  	[tilespmem:s17+$0xFFFFFF40] =	vst v4;
	v5 =	vld [tilespmem:s17+$0xFFFFFFF0];
	v4 =	vmul.f32 v13, v12  }
0x10f: {  	v12 =	vld [tilespmem:s17+$0xFFFFFFD0];
	[tilespmem:s17+$0xFFFFFF70] =	vst v3;
	v3 =	vmul.f32 v13, v8  }
0x110: {  	[tilespmem:s17+$0xFFFFFF80] =	vst v4;
	v4 =	vmul.f32 v13, v7;
	v7 =	vld [tilespmem:s17+$0x0]  }
0x111: {  	v2 =	vld.idx.msk [tilespmem:v2+s28+$0x0], $0xffff;
	[tilespmem:s17+$0xFFFFFFA0] =	vst v3;
	v3 =	vmul.f32 v13, v10  }
0x112: {  	v8 =	vld [tilespmem:s17+$0x10];
	[tilespmem:s17+$0xFFFFFF90] =	vst v4;
	v4 =	vmul.f32 v13, v9  }
0x113: {  	s20 =	simm.s32 $0x4;
	v6 =	vmul.f32 v13, v6;
	v9 =	vld [tilespmem:s17+$0x20];
	[tilespmem:s17+$0xFFFFFFC0] =	vst v3  }
0x114: {  	v11 =	vmov s20;
	v10 =	vld [tilespmem:s17+$0x30];
	[tilespmem:s17+$0xFFFFFFB0] =	vst v4;
	v4 =	vmul.f32 v13, v12  }
0x115: {  	v11 =	vand.u32 $0x7C, v11;
	v3 =	vld [tilespmem:s17+$0x40];
	[tilespmem:s17+$0xFFFFFFE0] =	vst v6;
	v12 =	vmul.f32 v13, v5  }
0x116: {  	s19 =	simm.s32 $0x5;
	s20 =	simm.s32 $0x6;
	v6 =	vor.u32 $0x100, v11;
	[tilespmem:s17+$0xFFFFFFD0] =	vst v4;
	v7 =	vmul.f32 v2, v7;
	v4 =	vld [tilespmem:s17+$0x50]  }
0x117: {  	v11 =	vmov s20;
	v13 =	vmov s19;
	v5 =	vld [tilespmem:s17+$0x60];
	v8 =	vmul.f32 v2, v8;
	[tilespmem:s17+$0xFFFFFFF0] =	vst v12  }
0x118: {  	v11 =	vand.u32 $0x7E, v11;
	v12 =	vand.u32 $0x7D, v13;
	v9 =	vmul.f32 v2, v9;
	[tilespmem:s17+$0x0] =	vst v7;
	v7 =	vld [tilespmem:s17+$0x70]  }
0x119: {  	s18 =	simm.s32 $0x4900;
	s20 =	simm.s32 $0x7;
	v6 =	vbroadcast v6, $0x0;
	s19 =	simm.s32 $0x8;
	v10 =	vmul.f32 v2, v10;
	v12 =	vor.u32 $0x100, v12;
	[tilespmem:s17+$0x10] =	vst v8;
	v8 =	vld [tilespmem:s17+$0x80]  }
.LBB2_7:
0x11a: {  	p0 =	slt.u32 s19, $0x74;
	v11 =	vor.u32 $0x100, v11;
	v13 =	vmov s20;
	[tilespmem:s17+$0x20] =	vst v9;
	v3 =	vmul.f32 v2, v3;
	v9 =	vld [tilespmem:s17+$0x90]  }
0x11b: {  	v12 =	vbroadcast v12, $0x0;
	v13 =	vand.u32 $0x7F, v13;
	[tilespmem:s17+$0x30] =	vst v10;
	v4 =	vmul.f32 v2, v4;
	v10 =	vld [tilespmem:s17+$0xA0]  }
0x11c: {  	v11 =	vbroadcast v11, $0x0;
	v13 =	vor.u32 $0x100, v13;
	[tilespmem:s17+$0x40] =	vst v3;
	v3 =	vmul.f32 v2, v5;
	v5 =	vld [tilespmem:s17+$0xB0]  }
0x11d: {  	v13 =	vbroadcast v13, $0x0;
	[tilespmem:s17+$0x50] =	vst v4;
	v2 =	vmul.f32 v2, v7;
	v4 =	vld [tilespmem:s17+$0xC0]  }
0x11e: {  	[tilespmem:s17+$0x60] =	vst v3;
	v3 =	vmul.f32 v1, v8;
	v7 =	vld [tilespmem:s17+$0xD0]  }
0x11f: {  	[tilespmem:s17+$0x70] =	vst v2;
	v2 =	vmul.f32 v1, v9;
	v8 =	vld [tilespmem:s17+$0xE0]  }
0x120: {  	v6 =	vld.idx.msk [tilespmem:v6+s28+$0x0], $0xffff;
	[tilespmem:s17+$0x80] =	vst v3;
	v3 =	vmul.f32 v1, v10  }
0x121: {  	v9 =	vld.idx.msk [tilespmem:v12+s28+$0x0], $0xffff;
	[tilespmem:s17+$0x90] =	vst v2;
	v5 =	vmul.f32 v1, v5  }
0x122: {  	v2 =	vld.idx.msk [tilespmem:v11+s28+$0x0], $0xffff;
	[tilespmem:s17+$0xA0] =	vst v3;
	v3 =	vmul.f32 v1, v4  }
0x123: {  	s17 =	sadd.s32 $0x200, s17;
	v4 =	vld.idx.msk [tilespmem:v13+s28+$0x0], $0xffff;
	[tilespmem:s18+$0xB0] =	vst v5;
	v5 =	vmul.f32 v1, v7  }
0x124: {  	v7 =	vld [tilespmem:s17+$0xF0];
	[tilespmem:s18+$0xC0] =	vst v3;
	v1 =	vmul.f32 v1, v8  }
0x125: {  	v3 =	vld [tilespmem:s17+$0xFFFFFF00];
	[tilespmem:s18+$0xD0] =	vst v5  }
0x126: {  	v5 =	vld [tilespmem:s17+$0xFFFFFF10];
	[tilespmem:s18+$0xE0] =	vst v1;
	s18 =	smov.u32 s17  }
0x127: {  	v8 =	vld [tilespmem:s17+$0xFFFFFF20]  }
0x128: {  	v10 =	vld [tilespmem:s17+$0xFFFFFF30]  }
0x129: {  	v1 =	vmov v4;
	v11 =	vld [tilespmem:s17+$0xFFFFFF40];
	v7 =	vmul.f32 v4, v7  }
0x12a: {  	v3 =	vmul.f32 v6, v3;
	v4 =	vld [tilespmem:s17+$0xFFFFFF50]  }
0x12b: {  	v5 =	vmul.f32 v6, v5;
	v12 =	vld [tilespmem:s17+$0xFFFFFF60];
	[tilespmem:s17+$0xF0] =	vst v7  }
0x12c: {  	[tilespmem:s17+$0xFFFFFF00] =	vst v3;
	v3 =	vmul.f32 v6, v8;
	v7 =	vld [tilespmem:s17+$0xFFFFFF70]  }
0x12d: {  	[tilespmem:s17+$0xFFFFFF10] =	vst v5;
	v5 =	vmul.f32 v6, v10;
	v8 =	vld [tilespmem:s17+$0xFFFFFF80]  }
0x12e: {  	[tilespmem:s17+$0xFFFFFF20] =	vst v3;
	v3 =	vmul.f32 v6, v11;
	v10 =	vld [tilespmem:s17+$0xFFFFFF90]  }
0x12f: {  	[tilespmem:s17+$0xFFFFFF30] =	vst v5;
	v4 =	vmul.f32 v6, v4;
	v5 =	vld [tilespmem:s17+$0xFFFFFFA0]  }
0x130: {  	[tilespmem:s17+$0xFFFFFF40] =	vst v3;
	v3 =	vmul.f32 v6, v12;
	v11 =	vld [tilespmem:s17+$0xFFFFFFB0]  }
0x131: {  	[tilespmem:s17+$0xFFFFFF50] =	vst v4;
	v4 =	vmul.f32 v6, v7;
	v6 =	vld [tilespmem:s17+$0xFFFFFFC0]  }
0x132: {  	[tilespmem:s17+$0xFFFFFF60] =	vst v3;
	v3 =	vmul.f32 v9, v8;
	v7 =	vld [tilespmem:s17+$0xFFFFFFD0]  }
0x133: {  	[tilespmem:s17+$0xFFFFFF70] =	vst v4;
	v4 =	vmul.f32 v9, v10;
	v8 =	vld [tilespmem:s17+$0xFFFFFFE0]  }
0x134: {  	[tilespmem:s17+$0xFFFFFF80] =	vst v3;
	v3 =	vmul.f32 v9, v5;
	v5 =	vld [tilespmem:s17+$0xFFFFFFF0]  }
0x135: {  	[tilespmem:s17+$0xFFFFFF90] =	vst v4;
	v4 =	vmul.f32 v9, v11;
	v10 =	vld [tilespmem:s17+$0x0]  }
0x136: {  	[tilespmem:s17+$0xFFFFFFA0] =	vst v3;
	v3 =	vmul.f32 v9, v6;
	v6 =	vld [tilespmem:s17+$0x10]  }
0x137: {  	[tilespmem:s17+$0xFFFFFFB0] =	vst v4;
	v4 =	vmul.f32 v9, v7;
	v7 =	vld [tilespmem:s17+$0x20]  }
0x138: {  	[tilespmem:s17+$0xFFFFFFC0] =	vst v3;
	v8 =	vmul.f32 v9, v8;
	v13 =	vld [tilespmem:s17+$0x30]  }
.Ltmp4:
0x139: {  	s20 =	sadd.s32 $0x1, s19;
	v11 =	vmov s19;
	[tilespmem:s17+$0xFFFFFFD0] =	vst v4;
	v5 =	vmul.f32 v9, v5;
	v3 =	vld [tilespmem:s17+$0x40];
	(pc) =	sbr.rel @p0 .LBB2_7-.Ltmp4, $4  }
0x13a: {  	v9 =	vand.u32 $0x7C, v11;
	v11 =	vmov s20;
	s20 =	sadd.s32 $0x2, s19;
	[tilespmem:s17+$0xFFFFFFE0] =	vst v8;
	v8 =	vmul.f32 v2, v10;
	v4 =	vld [tilespmem:s17+$0x50]  }
0x13b: {  	v10 =	vor.u32 $0x100, v9;
	v9 =	vmov s20;
	[tilespmem:s17+$0xFFFFFFF0] =	vst v5;
	v14 =	vmul.f32 v2, v6;
	v5 =	vld [tilespmem:s17+$0x60]  }
0x13c: {  	v12 =	vand.u32 $0x7D, v11;
	v11 =	vand.u32 $0x7E, v9;
	[tilespmem:s17+$0x0] =	vst v8;
	v9 =	vmul.f32 v2, v7;
	v7 =	vld [tilespmem:s17+$0x70]  }
0x13d: {  	s20 =	sadd.s32 $0x3, s19;
	s19 =	sadd.s32 $0x4, s19;
	v6 =	vbroadcast v10, $0x0;
	v12 =	vor.u32 $0x100, v12;
	[tilespmem:s17+$0x10] =	vst v14;
	v10 =	vmul.f32 v2, v13;
	v8 =	vld [tilespmem:s17+$0x80]  }
0x13e: {  	v14 =	vld [tilespmem:s17+$0x90]  }
0x13f: {  	v15 =	vld [tilespmem:s17+$0xA0]  }
0x140: {  	v13 =	vmov s20;
	v11 =	vor.u32 $0x100, v11;
	v12 =	vbroadcast v12, $0x0;
	v16 =	vld [tilespmem:s17+$0xB0]  }
0x141: {  	v17 =	vld [tilespmem:s17+$0xC0];
	[tilespmem:s17+$0x20] =	vst v9;
	v3 =	vmul.f32 v2, v3;
	v13 =	vand.u32 $0x7F, v13;
	v11 =	vbroadcast v11, $0x0  }
0x142: {  	v9 =	vld [tilespmem:s17+$0xD0];
	[tilespmem:s17+$0x30] =	vst v10;
	v4 =	vmul.f32 v2, v4;
	v13 =	vor.u32 $0x100, v13  }
0x143: {  	v10 =	vld [tilespmem:s17+$0xE0];
	[tilespmem:s17+$0x40] =	vst v3;
	v3 =	vmul.f32 v2, v5;
	v13 =	vbroadcast v13, $0x0  }
0x144: {  	s19 =	sadd.s32 $0x200, s17;
	v5 =	vld.idx.msk [tilespmem:v6+s28+$0x0], $0xffff;
	[tilespmem:s17+$0x50] =	vst v4;
	v2 =	vmul.f32 v2, v7  }
0x145: {  	[tilespmem:s17+$0x60] =	vst v3;
	v3 =	vmul.f32 v1, v8;
	v8 =	vld [tilespmem:s19+$0xF0]  }
0x146: {  	[tilespmem:s17+$0x70] =	vst v2;
	v2 =	vmul.f32 v1, v14;
	v4 =	vld.idx.msk [tilespmem:v12+s28+$0x0], $0xffff  }
0x147: {  	[tilespmem:s17+$0x80] =	vst v3;
	v3 =	vmul.f32 v1, v15;
	v6 =	vld.idx.msk [tilespmem:v11+s28+$0x0], $0xffff  }
0x148: {  	[tilespmem:s17+$0x90] =	vst v2;
	v2 =	vmul.f32 v1, v16;
	v11 =	vld [tilespmem:s19+$0xFFFFFF00]  }
0x149: {  	[tilespmem:s17+$0xA0] =	vst v3;
	v3 =	vmul.f32 v1, v17;
	v7 =	vld.idx.msk [tilespmem:v13+s28+$0x0], $0xffff  }
0x14a: {  	v12 =	vld [tilespmem:s19+$0xFFFFFF10];
	[tilespmem:s18+$0xB0] =	vst v2;
	v2 =	vmul.f32 v1, v9  }
0x14b: {  	v9 =	vld [tilespmem:s19+$0xFFFFFF20];
	v1 =	vmul.f32 v1, v10;
	[tilespmem:s18+$0xC0] =	vst v3  }
0x14c: {  	v3 =	vld [tilespmem:s19+$0xFFFFFF30];
	[tilespmem:s18+$0xD0] =	vst v2  }
0x14d: {  	v2 =	vld [tilespmem:s19+$0xFFFFFF40];
	[tilespmem:s18+$0xE0] =	vst v1;
	v1 =	vmul.f32 v5, v11  }
0x14e: {  	v10 =	vld [tilespmem:s19+$0xFFFFFF50];
	v8 =	vmul.f32 v7, v8  }
0x14f: {  	v11 =	vmul.f32 v5, v12;
	v12 =	vld [tilespmem:s19+$0xFFFFFF60];
	[tilespmem:s19+$0xFFFFFF00] =	vst v1  }
0x150: {  	v1 =	vmul.f32 v5, v9;
	[tilespmem:s19+$0xF0] =	vst v8;
	v8 =	vld [tilespmem:s19+$0xFFFFFF70]  }
0x151: {  	[tilespmem:s19+$0xFFFFFF10] =	vst v11;
	v9 =	vld [tilespmem:s19+$0xFFFFFF80];
	v3 =	vmul.f32 v5, v3  }
0x152: {  	[tilespmem:s19+$0xFFFFFF20] =	vst v1;
	v1 =	vmul.f32 v5, v2;
	v2 =	vld [tilespmem:s19+$0xFFFFFF90]  }
0x153: {  	[tilespmem:s19+$0xFFFFFF30] =	vst v3;
	v3 =	vmul.f32 v5, v10;
	v10 =	vld [tilespmem:s19+$0xFFFFFFA0]  }
0x154: {  	v11 =	vld [tilespmem:s19+$0xFFFFFFB0];
	[tilespmem:s19+$0xFFFFFF40] =	vst v1;
	v1 =	vmul.f32 v5, v12  }
0x155: {  	[tilespmem:s19+$0xFFFFFF50] =	vst v3;
	v3 =	vmul.f32 v5, v8;
	v5 =	vld [tilespmem:s19+$0xFFFFFFC0]  }
0x156: {  	[tilespmem:s19+$0xFFFFFF60] =	vst v1;
	v1 =	vmul.f32 v4, v9;
	v8 =	vld [tilespmem:s19+$0xFFFFFFD0]  }
0x157: {  	v2 =	vmul.f32 v4, v2;
	[tilespmem:s19+$0xFFFFFF70] =	vst v3;
	v3 =	vld [tilespmem:s19+$0xFFFFFFE0]  }
0x158: {  	v9 =	vld [tilespmem:s19+$0xFFFFFFF0];
	[tilespmem:s19+$0xFFFFFF80] =	vst v1;
	v1 =	vmul.f32 v4, v10  }
0x159: {  	v10 =	vld [tilespmem:s19+$0x0];
	[tilespmem:s19+$0xFFFFFF90] =	vst v2;
	v2 =	vmul.f32 v4, v11  }
0x15a: {  	[tilespmem:s19+$0xFFFFFFA0] =	vst v1;
	v1 =	vmul.f32 v4, v5;
	v5 =	vld [tilespmem:s19+$0x10]  }
0x15b: {  	[tilespmem:s19+$0xFFFFFFB0] =	vst v2;
	v2 =	vmul.f32 v4, v8;
	v8 =	vld [tilespmem:s19+$0x20]  }
0x15c: {  	[tilespmem:s19+$0xFFFFFFC0] =	vst v1;
	v1 =	vmul.f32 v4, v3;
	v3 =	vld [tilespmem:s19+$0x30]  }
0x15d: {  	[tilespmem:s19+$0xFFFFFFD0] =	vst v2;
	v2 =	vmul.f32 v4, v9;
	v4 =	vld [tilespmem:s19+$0x40]  }
0x15e: {  	v9 =	vld [tilespmem:s19+$0x50];
	[tilespmem:s19+$0xFFFFFFE0] =	vst v1;
	v1 =	vmul.f32 v6, v10  }
0x15f: {  	[tilespmem:s19+$0xFFFFFFF0] =	vst v2;
	v2 =	vmul.f32 v6, v5;
	v5 =	vld [tilespmem:s19+$0x60]  }
0x160: {  	[tilespmem:s19+$0x0] =	vst v1;
	v1 =	vmul.f32 v6, v8;
	v8 =	vld [tilespmem:s19+$0x70]  }
0x161: {  	[tilespmem:s19+$0x10] =	vst v2;
	v2 =	vmul.f32 v6, v3;
	v3 =	vld [tilespmem:s19+$0x80]  }
0x162: {  	[tilespmem:s19+$0x20] =	vst v1;
	v1 =	vmul.f32 v6, v4;
	v4 =	vld [tilespmem:s19+$0x90]  }
0x163: {  	[tilespmem:s19+$0x30] =	vst v2;
	v2 =	vmul.f32 v6, v9;
	v9 =	vld [tilespmem:s19+$0xA0]  }
0x164: {  	[tilespmem:s19+$0x40] =	vst v1;
	v1 =	vmul.f32 v6, v5;
	v5 =	vld [tilespmem:s19+$0xB0]  }
0x165: {  	[tilespmem:s19+$0x50] =	vst v2;
	v2 =	vmul.f32 v6, v8;
	v6 =	vld [tilespmem:s19+$0xC0]  }
0x166: {  	[tilespmem:s19+$0x60] =	vst v1;
	v1 =	vmul.f32 v7, v3;
	v3 =	vld [tilespmem:s19+$0xD0]  }
0x167: {  	[tilespmem:s19+$0x70] =	vst v2;
	v2 =	vmul.f32 v7, v4;
	v4 =	vld [tilespmem:s19+$0xE0]  }
0x168: {  	[tilespmem:s19+$0x80] =	vst v1;
	v1 =	vmul.f32 v7, v9  }
0x169: {  	[tilespmem:s19+$0x90] =	vst v2;
	v2 =	vmul.f32 v7, v5  }
0x16a: {  	[tilespmem:s19+$0xA0] =	vst v1;
	v1 =	vmul.f32 v7, v6  }
0x16b: {  	[tilespmem:s19+$0xB0] =	vst v2;
	v2 =	vmul.f32 v7, v3  }
0x16c: {  	[tilespmem:s19+$0xC0] =	vst v1;
	v1 =	vmul.f32 v7, v4  }
0x16d: {  	[tilespmem:s19+$0xD0] =	vst v2  }
0x16e: {  	s20 =	simm.s32 $0x280;
	[tilespmem:s19+$0xE0] =	vst v1  }
0x16f: {  	[spmem:s3] =	stream.indirect.scatter.add.f32 [tilespmem:s30], [sflag:$0xB], $0x80, s20, s29, $0xb8;
	v63 =	vld [tilespmem:$0x0]  }
0x170: {  	_ =	swait.ge [sflag:s15], $0x3C00  }
0x171: {  	[sflag:s15] =	ssyncset.done $0x0  }
0x172: {  	[sflag:s15] =	ssyncadd.s32 $0xFFFFC400  }
0x173: {  	p0 =	seq.s32 s26, $0xD;
	s18 =	simm.s32 $0x0;
	_ =	swait.ge [sflag:s16], $0x180  }
0x174: {  	v1 =	vmov s18;
	s19 =	simm.s32 $0x3;
	[sflag:s16] =	ssyncset.done $0x0;
	s17 =	rddreg [dreg:$0x10]  }
0x175: {  	v1 =	vand.u32 $0x7C, v1;
	v2 =	vmov s19;
	[sflag:s16] =	ssyncadd.s32 $0xFFFFFE80;
	s17 =	sadd.s32 @!p0 s22, s17  }
0x176: {  	v1 =	vor.u32 $0x100, v1;
	v2 =	vand.u32 $0x7F, v2;
	[tilespmem:s25], [sflag:$0x7] =	stream.indirect.gather [hbm4b:s0+s29], $0x80, s1, s29, $0xb8;
	v63 =	vld [tilespmem:$0x0]  }
0x177: {  	v1 =	vbroadcast v1, $0x0;
	v2 =	vor.u32 $0x100, v2;
	s17 =	sshll.u32 @!p0 s17, $0x6  }
0x178: {  	s18 =	simm.s32 @!p0 $0x0;
	v2 =	vbroadcast v2, $0x0;
	s17 =	sadd.s32 @!p0 s17, s13  }
0x179: {  	[tilespmem:s18], [sflag:$0x1] =	stream.linear.gather @!p0 [hbm4b:s17+s18], $0x180, $0x38;
	v63 =	vld [tilespmem:$0x0]  }
0x17a: {  	_ =	swait.ge [sflag:s23], $0x3C00  }
0x17b: {  	[sflag:s23] =	ssyncset.done $0x0  }
0x17c: {  	[sflag:s23] =	ssyncadd.s32 $0xFFFFC400  }
0x17d: {  	s20 =	simm.s32 $0x1;
	v3 =	vld.idx.msk [tilespmem:v1+s31+$0x0], $0xffff  }
0x17e: {  	v4 =	vmov s20;
	s17 =	simm.s32 $0x8500;
	v1 =	vld.idx.msk [tilespmem:v2+s31+$0x0], $0xffff  }
0x17f: {  	v2 =	vand.u32 $0x7D, v4;
	v4 =	vld [tilespmem:s17+$0xF0]  }
0x180: {  	v5 =	vld [tilespmem:s17+$0xFFFFFF00]  }
0x181: {  	v6 =	vld [tilespmem:s17+$0xFFFFFF10]  }
0x182: {  	v7 =	vld [tilespmem:s17+$0xFFFFFF20];
	v2 =	vor.u32 $0x100, v2  }
0x183: {  	v8 =	vld [tilespmem:s17+$0xFFFFFF30];
	v2 =	vbroadcast v2, $0x0  }
0x184: {  	v9 =	vld [tilespmem:s17+$0xFFFFFF40]  }
0x185: {  	v10 =	vld [tilespmem:s17+$0xFFFFFF50];
	v5 =	vmul.f32 v3, v5  }
0x186: {  	v11 =	vld [tilespmem:s17+$0xFFFFFF60];
	v4 =	vmul.f32 v1, v4  }
0x187: {  	[tilespmem:s17+$0xFFFFFF00] =	vst v5;
	v5 =	vld [tilespmem:s17+$0xFFFFFF70]  }
0x188: {  	s19 =	simm.s32 $0x2;
	v6 =	vmul.f32 v3, v6;
	[tilespmem:s17+$0xF0] =	vst v4;
	v4 =	vmul.f32 v3, v7;
	v7 =	vld [tilespmem:s17+$0xFFFFFF90]  }
0x189: {  	v12 =	vmov s19;
	v13 =	vld.idx.msk [tilespmem:v2+s31+$0x0], $0xffff  }
0x18a: {  	[tilespmem:s17+$0xFFFFFF10] =	vst v6;
	v6 =	vmul.f32 v3, v8;
	v2 =	vand.u32 $0x7E, v12;
	v12 =	vld [tilespmem:s17+$0xFFFFFF80]  }
0x18b: {  	v11 =	vmul.f32 v3, v11;
	v8 =	vld [tilespmem:s17+$0xFFFFFFA0];
	v2 =	vor.u32 $0x100, v2;
	[tilespmem:s17+$0xFFFFFF20] =	vst v4;
	v4 =	vmul.f32 v3, v9  }
0x18c: {  	v9 =	vld [tilespmem:s17+$0xFFFFFFB0];
	[tilespmem:s17+$0xFFFFFF30] =	vst v6;
	v6 =	vmul.f32 v3, v10;
	v2 =	vbroadcast v2, $0x0  }
0x18d: {  	[tilespmem:s17+$0xFFFFFF60] =	vst v11;
	v10 =	vld [tilespmem:s17+$0xFFFFFFC0]  }
0x18e: {  	[tilespmem:s17+$0xFFFFFF50] =	vst v6;
	v6 =	vld [tilespmem:s17+$0xFFFFFFE0];
	v3 =	vmul.f32 v3, v5  }
0x18f: {  	[tilespmem:s17+$0xFFFFFF40] =	vst v4;
	v5 =	vld [tilespmem:s17+$0xFFFFFFF0];
	v4 =	vmul.f32 v13, v12  }
0x190: {  	v12 =	vld [tilespmem:s17+$0xFFFFFFD0];
	[tilespmem:s17+$0xFFFFFF70] =	vst v3;
	v3 =	vmul.f32 v13, v8  }
0x191: {  	[tilespmem:s17+$0xFFFFFF80] =	vst v4;
	v4 =	vmul.f32 v13, v7;
	v7 =	vld [tilespmem:s17+$0x0]  }
0x192: {  	v2 =	vld.idx.msk [tilespmem:v2+s31+$0x0], $0xffff;
	[tilespmem:s17+$0xFFFFFFA0] =	vst v3;
	v3 =	vmul.f32 v13, v10  }
0x193: {  	v8 =	vld [tilespmem:s17+$0x10];
	[tilespmem:s17+$0xFFFFFF90] =	vst v4;
	v4 =	vmul.f32 v13, v9  }
0x194: {  	s20 =	simm.s32 $0x4;
	v6 =	vmul.f32 v13, v6;
	v9 =	vld [tilespmem:s17+$0x20];
	[tilespmem:s17+$0xFFFFFFC0] =	vst v3  }
0x195: {  	v11 =	vmov s20;
	v10 =	vld [tilespmem:s17+$0x30];
	[tilespmem:s17+$0xFFFFFFB0] =	vst v4;
	v4 =	vmul.f32 v13, v12  }
0x196: {  	v11 =	vand.u32 $0x7C, v11;
	v3 =	vld [tilespmem:s17+$0x40];
	[tilespmem:s17+$0xFFFFFFE0] =	vst v6;
	v12 =	vmul.f32 v13, v5  }
0x197: {  	s19 =	simm.s32 $0x5;
	s20 =	simm.s32 $0x6;
	v6 =	vor.u32 $0x100, v11;
	[tilespmem:s17+$0xFFFFFFD0] =	vst v4;
	v7 =	vmul.f32 v2, v7;
	v4 =	vld [tilespmem:s17+$0x50]  }
0x198: {  	v11 =	vmov s20;
	v13 =	vmov s19;
	v5 =	vld [tilespmem:s17+$0x60];
	v8 =	vmul.f32 v2, v8;
	[tilespmem:s17+$0xFFFFFFF0] =	vst v12  }
0x199: {  	v11 =	vand.u32 $0x7E, v11;
	v12 =	vand.u32 $0x7D, v13;
	v9 =	vmul.f32 v2, v9;
	[tilespmem:s17+$0x0] =	vst v7;
	v7 =	vld [tilespmem:s17+$0x70]  }
0x19a: {  	s18 =	simm.s32 $0x8500;
	s20 =	simm.s32 $0x7;
	v6 =	vbroadcast v6, $0x0;
	s19 =	simm.s32 $0x8;
	v10 =	vmul.f32 v2, v10;
	v12 =	vor.u32 $0x100, v12;
	[tilespmem:s17+$0x10] =	vst v8;
	v8 =	vld [tilespmem:s17+$0x80]  }
.LBB2_9:
0x19b: {  	p1 =	slt.u32 s19, $0x74;
	v11 =	vor.u32 $0x100, v11;
	v13 =	vmov s20;
	[tilespmem:s17+$0x20] =	vst v9;
	v3 =	vmul.f32 v2, v3;
	v9 =	vld [tilespmem:s17+$0x90]  }
0x19c: {  	v12 =	vbroadcast v12, $0x0;
	v13 =	vand.u32 $0x7F, v13;
	[tilespmem:s17+$0x30] =	vst v10;
	v4 =	vmul.f32 v2, v4;
	v10 =	vld [tilespmem:s17+$0xA0]  }
0x19d: {  	v11 =	vbroadcast v11, $0x0;
	v13 =	vor.u32 $0x100, v13;
	[tilespmem:s17+$0x40] =	vst v3;
	v3 =	vmul.f32 v2, v5;
	v5 =	vld [tilespmem:s17+$0xB0]  }
0x19e: {  	v13 =	vbroadcast v13, $0x0;
	[tilespmem:s17+$0x50] =	vst v4;
	v2 =	vmul.f32 v2, v7;
	v4 =	vld [tilespmem:s17+$0xC0]  }
0x19f: {  	[tilespmem:s17+$0x60] =	vst v3;
	v3 =	vmul.f32 v1, v8;
	v7 =	vld [tilespmem:s17+$0xD0]  }
0x1a0: {  	[tilespmem:s17+$0x70] =	vst v2;
	v2 =	vmul.f32 v1, v9;
	v8 =	vld [tilespmem:s17+$0xE0]  }
0x1a1: {  	v6 =	vld.idx.msk [tilespmem:v6+s31+$0x0], $0xffff;
	[tilespmem:s17+$0x80] =	vst v3;
	v3 =	vmul.f32 v1, v10  }
0x1a2: {  	v9 =	vld.idx.msk [tilespmem:v12+s31+$0x0], $0xffff;
	[tilespmem:s17+$0x90] =	vst v2;
	v5 =	vmul.f32 v1, v5  }
0x1a3: {  	v2 =	vld.idx.msk [tilespmem:v11+s31+$0x0], $0xffff;
	[tilespmem:s17+$0xA0] =	vst v3;
	v3 =	vmul.f32 v1, v4  }
0x1a4: {  	s17 =	sadd.s32 $0x200, s17;
	v4 =	vld.idx.msk [tilespmem:v13+s31+$0x0], $0xffff;
	[tilespmem:s18+$0xB0] =	vst v5;
	v5 =	vmul.f32 v1, v7  }
0x1a5: {  	v7 =	vld [tilespmem:s17+$0xF0];
	[tilespmem:s18+$0xC0] =	vst v3;
	v1 =	vmul.f32 v1, v8  }
0x1a6: {  	v3 =	vld [tilespmem:s17+$0xFFFFFF00];
	[tilespmem:s18+$0xD0] =	vst v5  }
0x1a7: {  	v5 =	vld [tilespmem:s17+$0xFFFFFF10];
	[tilespmem:s18+$0xE0] =	vst v1;
	s18 =	smov.u32 s17  }
0x1a8: {  	v8 =	vld [tilespmem:s17+$0xFFFFFF20]  }
0x1a9: {  	v10 =	vld [tilespmem:s17+$0xFFFFFF30]  }
0x1aa: {  	v1 =	vmov v4;
	v11 =	vld [tilespmem:s17+$0xFFFFFF40];
	v7 =	vmul.f32 v4, v7  }
0x1ab: {  	v3 =	vmul.f32 v6, v3;
	v4 =	vld [tilespmem:s17+$0xFFFFFF50]  }
0x1ac: {  	v5 =	vmul.f32 v6, v5;
	v12 =	vld [tilespmem:s17+$0xFFFFFF60];
	[tilespmem:s17+$0xF0] =	vst v7  }
0x1ad: {  	[tilespmem:s17+$0xFFFFFF00] =	vst v3;
	v3 =	vmul.f32 v6, v8;
	v7 =	vld [tilespmem:s17+$0xFFFFFF70]  }
0x1ae: {  	[tilespmem:s17+$0xFFFFFF10] =	vst v5;
	v5 =	vmul.f32 v6, v10;
	v8 =	vld [tilespmem:s17+$0xFFFFFF80]  }
0x1af: {  	[tilespmem:s17+$0xFFFFFF20] =	vst v3;
	v3 =	vmul.f32 v6, v11;
	v10 =	vld [tilespmem:s17+$0xFFFFFF90]  }
0x1b0: {  	[tilespmem:s17+$0xFFFFFF30] =	vst v5;
	v4 =	vmul.f32 v6, v4;
	v5 =	vld [tilespmem:s17+$0xFFFFFFA0]  }
0x1b1: {  	[tilespmem:s17+$0xFFFFFF40] =	vst v3;
	v3 =	vmul.f32 v6, v12;
	v11 =	vld [tilespmem:s17+$0xFFFFFFB0]  }
0x1b2: {  	[tilespmem:s17+$0xFFFFFF50] =	vst v4;
	v4 =	vmul.f32 v6, v7;
	v6 =	vld [tilespmem:s17+$0xFFFFFFC0]  }
0x1b3: {  	[tilespmem:s17+$0xFFFFFF60] =	vst v3;
	v3 =	vmul.f32 v9, v8;
	v7 =	vld [tilespmem:s17+$0xFFFFFFD0]  }
0x1b4: {  	[tilespmem:s17+$0xFFFFFF70] =	vst v4;
	v4 =	vmul.f32 v9, v10;
	v8 =	vld [tilespmem:s17+$0xFFFFFFE0]  }
0x1b5: {  	[tilespmem:s17+$0xFFFFFF80] =	vst v3;
	v3 =	vmul.f32 v9, v5;
	v5 =	vld [tilespmem:s17+$0xFFFFFFF0]  }
0x1b6: {  	[tilespmem:s17+$0xFFFFFF90] =	vst v4;
	v4 =	vmul.f32 v9, v11;
	v10 =	vld [tilespmem:s17+$0x0]  }
0x1b7: {  	[tilespmem:s17+$0xFFFFFFA0] =	vst v3;
	v3 =	vmul.f32 v9, v6;
	v6 =	vld [tilespmem:s17+$0x10]  }
0x1b8: {  	[tilespmem:s17+$0xFFFFFFB0] =	vst v4;
	v4 =	vmul.f32 v9, v7;
	v7 =	vld [tilespmem:s17+$0x20]  }
0x1b9: {  	[tilespmem:s17+$0xFFFFFFC0] =	vst v3;
	v8 =	vmul.f32 v9, v8;
	v13 =	vld [tilespmem:s17+$0x30]  }
.Ltmp5:
0x1ba: {  	s20 =	sadd.s32 $0x1, s19;
	v11 =	vmov s19;
	[tilespmem:s17+$0xFFFFFFD0] =	vst v4;
	v5 =	vmul.f32 v9, v5;
	v3 =	vld [tilespmem:s17+$0x40];
	(pc) =	sbr.rel @p1 .LBB2_9-.Ltmp5, $4  }
0x1bb: {  	v9 =	vand.u32 $0x7C, v11;
	v11 =	vmov s20;
	s20 =	sadd.s32 $0x2, s19;
	[tilespmem:s17+$0xFFFFFFE0] =	vst v8;
	v8 =	vmul.f32 v2, v10;
	v4 =	vld [tilespmem:s17+$0x50]  }
0x1bc: {  	v10 =	vor.u32 $0x100, v9;
	v9 =	vmov s20;
	[tilespmem:s17+$0xFFFFFFF0] =	vst v5;
	v14 =	vmul.f32 v2, v6;
	v5 =	vld [tilespmem:s17+$0x60]  }
0x1bd: {  	v12 =	vand.u32 $0x7D, v11;
	v11 =	vand.u32 $0x7E, v9;
	[tilespmem:s17+$0x0] =	vst v8;
	v9 =	vmul.f32 v2, v7;
	v7 =	vld [tilespmem:s17+$0x70]  }
0x1be: {  	s20 =	sadd.s32 $0x3, s19;
	s19 =	sadd.s32 $0x4, s19;
	v6 =	vbroadcast v10, $0x0;
	v12 =	vor.u32 $0x100, v12;
	[tilespmem:s17+$0x10] =	vst v14;
	v10 =	vmul.f32 v2, v13;
	v8 =	vld [tilespmem:s17+$0x80]  }
0x1bf: {  	v14 =	vld [tilespmem:s17+$0x90]  }
0x1c0: {  	v15 =	vld [tilespmem:s17+$0xA0]  }
0x1c1: {  	v13 =	vmov s20;
	v11 =	vor.u32 $0x100, v11;
	v12 =	vbroadcast v12, $0x0;
	v16 =	vld [tilespmem:s17+$0xB0]  }
0x1c2: {  	v17 =	vld [tilespmem:s17+$0xC0];
	[tilespmem:s17+$0x20] =	vst v9;
	v3 =	vmul.f32 v2, v3;
	v13 =	vand.u32 $0x7F, v13;
	v11 =	vbroadcast v11, $0x0  }
0x1c3: {  	v9 =	vld [tilespmem:s17+$0xD0];
	[tilespmem:s17+$0x30] =	vst v10;
	v4 =	vmul.f32 v2, v4;
	v13 =	vor.u32 $0x100, v13  }
0x1c4: {  	v10 =	vld [tilespmem:s17+$0xE0];
	[tilespmem:s17+$0x40] =	vst v3;
	v3 =	vmul.f32 v2, v5;
	v13 =	vbroadcast v13, $0x0  }
0x1c5: {  	s19 =	sadd.s32 $0x200, s17;
	v5 =	vld.idx.msk [tilespmem:v6+s31+$0x0], $0xffff;
	[tilespmem:s17+$0x50] =	vst v4;
	v2 =	vmul.f32 v2, v7  }
0x1c6: {  	[tilespmem:s17+$0x60] =	vst v3;
	v3 =	vmul.f32 v1, v8;
	v8 =	vld [tilespmem:s19+$0xF0]  }
0x1c7: {  	[tilespmem:s17+$0x70] =	vst v2;
	v2 =	vmul.f32 v1, v14;
	v4 =	vld.idx.msk [tilespmem:v12+s31+$0x0], $0xffff  }
0x1c8: {  	[tilespmem:s17+$0x80] =	vst v3;
	v3 =	vmul.f32 v1, v15;
	v6 =	vld.idx.msk [tilespmem:v11+s31+$0x0], $0xffff  }
0x1c9: {  	[tilespmem:s17+$0x90] =	vst v2;
	v2 =	vmul.f32 v1, v16;
	v11 =	vld [tilespmem:s19+$0xFFFFFF00]  }
0x1ca: {  	[tilespmem:s17+$0xA0] =	vst v3;
	v3 =	vmul.f32 v1, v17;
	v7 =	vld.idx.msk [tilespmem:v13+s31+$0x0], $0xffff  }
0x1cb: {  	v12 =	vld [tilespmem:s19+$0xFFFFFF10];
	[tilespmem:s18+$0xB0] =	vst v2;
	v2 =	vmul.f32 v1, v9  }
0x1cc: {  	v9 =	vld [tilespmem:s19+$0xFFFFFF20];
	v1 =	vmul.f32 v1, v10;
	[tilespmem:s18+$0xC0] =	vst v3  }
0x1cd: {  	v3 =	vld [tilespmem:s19+$0xFFFFFF30];
	[tilespmem:s18+$0xD0] =	vst v2  }
0x1ce: {  	v2 =	vld [tilespmem:s19+$0xFFFFFF40];
	[tilespmem:s18+$0xE0] =	vst v1;
	v1 =	vmul.f32 v5, v11  }
0x1cf: {  	v10 =	vld [tilespmem:s19+$0xFFFFFF50];
	v8 =	vmul.f32 v7, v8  }
0x1d0: {  	v11 =	vmul.f32 v5, v12;
	v12 =	vld [tilespmem:s19+$0xFFFFFF60];
	[tilespmem:s19+$0xFFFFFF00] =	vst v1  }
0x1d1: {  	v1 =	vmul.f32 v5, v9;
	[tilespmem:s19+$0xF0] =	vst v8;
	v8 =	vld [tilespmem:s19+$0xFFFFFF70]  }
0x1d2: {  	[tilespmem:s19+$0xFFFFFF10] =	vst v11;
	v9 =	vld [tilespmem:s19+$0xFFFFFF80];
	v3 =	vmul.f32 v5, v3  }
0x1d3: {  	[tilespmem:s19+$0xFFFFFF20] =	vst v1;
	v1 =	vmul.f32 v5, v2;
	v2 =	vld [tilespmem:s19+$0xFFFFFF90]  }
0x1d4: {  	[tilespmem:s19+$0xFFFFFF30] =	vst v3;
	v3 =	vmul.f32 v5, v10;
	v10 =	vld [tilespmem:s19+$0xFFFFFFA0]  }
0x1d5: {  	v11 =	vld [tilespmem:s19+$0xFFFFFFB0];
	[tilespmem:s19+$0xFFFFFF40] =	vst v1;
	v1 =	vmul.f32 v5, v12  }
0x1d6: {  	[tilespmem:s19+$0xFFFFFF50] =	vst v3;
	v3 =	vmul.f32 v5, v8;
	v5 =	vld [tilespmem:s19+$0xFFFFFFC0]  }
0x1d7: {  	[tilespmem:s19+$0xFFFFFF60] =	vst v1;
	v1 =	vmul.f32 v4, v9;
	v8 =	vld [tilespmem:s19+$0xFFFFFFD0]  }
0x1d8: {  	v2 =	vmul.f32 v4, v2;
	[tilespmem:s19+$0xFFFFFF70] =	vst v3;
	v3 =	vld [tilespmem:s19+$0xFFFFFFE0]  }
0x1d9: {  	v9 =	vld [tilespmem:s19+$0xFFFFFFF0];
	[tilespmem:s19+$0xFFFFFF80] =	vst v1;
	v1 =	vmul.f32 v4, v10  }
0x1da: {  	v10 =	vld [tilespmem:s19+$0x0];
	[tilespmem:s19+$0xFFFFFF90] =	vst v2;
	v2 =	vmul.f32 v4, v11  }
0x1db: {  	[tilespmem:s19+$0xFFFFFFA0] =	vst v1;
	v1 =	vmul.f32 v4, v5;
	v5 =	vld [tilespmem:s19+$0x10]  }
0x1dc: {  	[tilespmem:s19+$0xFFFFFFB0] =	vst v2;
	v2 =	vmul.f32 v4, v8;
	v8 =	vld [tilespmem:s19+$0x20]  }
0x1dd: {  	[tilespmem:s19+$0xFFFFFFC0] =	vst v1;
	v1 =	vmul.f32 v4, v3;
	v3 =	vld [tilespmem:s19+$0x30]  }
0x1de: {  	[tilespmem:s19+$0xFFFFFFD0] =	vst v2;
	v2 =	vmul.f32 v4, v9;
	v4 =	vld [tilespmem:s19+$0x40]  }
0x1df: {  	v9 =	vld [tilespmem:s19+$0x50];
	[tilespmem:s19+$0xFFFFFFE0] =	vst v1;
	v1 =	vmul.f32 v6, v10  }
0x1e0: {  	[tilespmem:s19+$0xFFFFFFF0] =	vst v2;
	v2 =	vmul.f32 v6, v5;
	v5 =	vld [tilespmem:s19+$0x60]  }
0x1e1: {  	[tilespmem:s19+$0x0] =	vst v1;
	v1 =	vmul.f32 v6, v8;
	v8 =	vld [tilespmem:s19+$0x70]  }
0x1e2: {  	[tilespmem:s19+$0x10] =	vst v2;
	v2 =	vmul.f32 v6, v3;
	v3 =	vld [tilespmem:s19+$0x80]  }
0x1e3: {  	[tilespmem:s19+$0x20] =	vst v1;
	v1 =	vmul.f32 v6, v4;
	v4 =	vld [tilespmem:s19+$0x90]  }
0x1e4: {  	[tilespmem:s19+$0x30] =	vst v2;
	v2 =	vmul.f32 v6, v9;
	v9 =	vld [tilespmem:s19+$0xA0]  }
0x1e5: {  	[tilespmem:s19+$0x40] =	vst v1;
	v1 =	vmul.f32 v6, v5;
	v5 =	vld [tilespmem:s19+$0xB0]  }
0x1e6: {  	[tilespmem:s19+$0x50] =	vst v2;
	v2 =	vmul.f32 v6, v8;
	v6 =	vld [tilespmem:s19+$0xC0]  }
0x1e7: {  	[tilespmem:s19+$0x60] =	vst v1;
	v1 =	vmul.f32 v7, v3;
	v3 =	vld [tilespmem:s19+$0xD0]  }
0x1e8: {  	[tilespmem:s19+$0x70] =	vst v2;
	v2 =	vmul.f32 v7, v4;
	v4 =	vld [tilespmem:s19+$0xE0]  }
0x1e9: {  	[tilespmem:s19+$0x80] =	vst v1;
	v1 =	vmul.f32 v7, v9  }
0x1ea: {  	[tilespmem:s19+$0x90] =	vst v2;
	v2 =	vmul.f32 v7, v5  }
0x1eb: {  	[tilespmem:s19+$0xA0] =	vst v1;
	v1 =	vmul.f32 v7, v6  }
0x1ec: {  	[tilespmem:s19+$0xB0] =	vst v2;
	v2 =	vmul.f32 v7, v3  }
0x1ed: {  	[tilespmem:s19+$0xC0] =	vst v1;
	v1 =	vmul.f32 v7, v4  }
0x1ee: {  	[tilespmem:s19+$0xD0] =	vst v2  }
0x1ef: {  	s20 =	simm.s32 $0x480;
	[tilespmem:s19+$0xE0] =	vst v1  }
0x1f0: {  	[spmem:s3] =	stream.indirect.scatter.add.f32 [tilespmem:s9], [sflag:$0xC], $0x80, s20, s29, $0xb8;
	v63 =	vld [tilespmem:$0x0]  }
0x1f1: {  	_ =	swait.ge [sflag:s11], $0x3C00  }
0x1f2: {  	[sflag:s11] =	ssyncset.done $0x0  }
0x1f3: {  	[sflag:s11] =	ssyncadd.s32 $0xFFFFC400  }
0x1f4: {  	s18 =	simm.s32 $0x0;
	_ =	swait.ge [sflag:s5], $0x180  }
0x1f5: {  	v1 =	vmov s18;
	s19 =	simm.s32 $0x3;
	[sflag:s5] =	ssyncset.done $0x0;
	s17 =	rddreg [dreg:$0x11]  }
0x1f6: {  	v1 =	vand.u32 $0x7C, v1;
	v2 =	vmov s19;
	[sflag:s5] =	ssyncadd.s32 $0xFFFFFE80;
	s17 =	sadd.s32 @!p0 s22, s17  }
0x1f7: {  	v1 =	vor.u32 $0x100, v1;
	v2 =	vand.u32 $0x7F, v2;
	[tilespmem:s30], [sflag:$0x8] =	stream.indirect.gather [hbm4b:s0+s29], $0x80, s2, s29, $0xb8;
	v63 =	vld [tilespmem:$0x0]  }
0x1f8: {  	v1 =	vbroadcast v1, $0x0;
	v2 =	vor.u32 $0x100, v2;
	s17 =	sshll.u32 @!p0 s17, $0x6  }
0x1f9: {  	s18 =	simm.s32 @!p0 $0x0;
	s19 =	simm.s32 @!p0 $0x200;
	v2 =	vbroadcast v2, $0x0;
	s17 =	sadd.s32 @!p0 s17, s13  }
0x1fa: {  	[tilespmem:s19], [sflag:$0x2] =	stream.linear.gather @!p0 [hbm4b:s17+s18], $0x180, $0x38;
	v63 =	vld [tilespmem:$0x0]  }
0x1fb: {  	_ =	swait.ge [sflag:s6], $0x3C00  }
0x1fc: {  	[sflag:s6] =	ssyncset.done $0x0  }
0x1fd: {  	[sflag:s6] =	ssyncadd.s32 $0xFFFFC400  }
0x1fe: {  	s20 =	simm.s32 $0x1;
	v3 =	vld.idx.msk [tilespmem:v1+s1+$0x0], $0xffff  }
0x1ff: {  	v4 =	vmov s20;
	s17 =	simm.s32 $0xD00;
	v1 =	vld.idx.msk [tilespmem:v2+s1+$0x0], $0xffff  }
0x200: {  	v2 =	vand.u32 $0x7D, v4;
	v4 =	vld [tilespmem:s17+$0xF0]  }
0x201: {  	v5 =	vld [tilespmem:s17+$0xFFFFFF00]  }
0x202: {  	v6 =	vld [tilespmem:s17+$0xFFFFFF10]  }
0x203: {  	v7 =	vld [tilespmem:s17+$0xFFFFFF20];
	v2 =	vor.u32 $0x100, v2  }
0x204: {  	v8 =	vld [tilespmem:s17+$0xFFFFFF30];
	v2 =	vbroadcast v2, $0x0  }
0x205: {  	v9 =	vld [tilespmem:s17+$0xFFFFFF40]  }
0x206: {  	v10 =	vld [tilespmem:s17+$0xFFFFFF50];
	v5 =	vmul.f32 v3, v5  }
0x207: {  	v11 =	vld [tilespmem:s17+$0xFFFFFF60];
	v4 =	vmul.f32 v1, v4  }
0x208: {  	[tilespmem:s17+$0xFFFFFF00] =	vst v5;
	v5 =	vld [tilespmem:s17+$0xFFFFFF70]  }
0x209: {  	s19 =	simm.s32 $0x2;
	v6 =	vmul.f32 v3, v6;
	[tilespmem:s17+$0xF0] =	vst v4;
	v4 =	vmul.f32 v3, v7;
	v7 =	vld [tilespmem:s17+$0xFFFFFF90]  }
0x20a: {  	v12 =	vmov s19;
	v13 =	vld.idx.msk [tilespmem:v2+s1+$0x0], $0xffff  }
0x20b: {  	[tilespmem:s17+$0xFFFFFF10] =	vst v6;
	v6 =	vmul.f32 v3, v8;
	v2 =	vand.u32 $0x7E, v12;
	v12 =	vld [tilespmem:s17+$0xFFFFFF80]  }
0x20c: {  	v11 =	vmul.f32 v3, v11;
	v8 =	vld [tilespmem:s17+$0xFFFFFFA0];
	v2 =	vor.u32 $0x100, v2;
	[tilespmem:s17+$0xFFFFFF20] =	vst v4;
	v4 =	vmul.f32 v3, v9  }
0x20d: {  	v9 =	vld [tilespmem:s17+$0xFFFFFFB0];
	[tilespmem:s17+$0xFFFFFF30] =	vst v6;
	v6 =	vmul.f32 v3, v10;
	v2 =	vbroadcast v2, $0x0  }
0x20e: {  	[tilespmem:s17+$0xFFFFFF60] =	vst v11;
	v10 =	vld [tilespmem:s17+$0xFFFFFFC0]  }
0x20f: {  	[tilespmem:s17+$0xFFFFFF50] =	vst v6;
	v6 =	vld [tilespmem:s17+$0xFFFFFFE0];
	v3 =	vmul.f32 v3, v5  }
0x210: {  	[tilespmem:s17+$0xFFFFFF40] =	vst v4;
	v5 =	vld [tilespmem:s17+$0xFFFFFFF0];
	v4 =	vmul.f32 v13, v12  }
0x211: {  	v12 =	vld [tilespmem:s17+$0xFFFFFFD0];
	[tilespmem:s17+$0xFFFFFF70] =	vst v3;
	v3 =	vmul.f32 v13, v8  }
0x212: {  	[tilespmem:s17+$0xFFFFFF80] =	vst v4;
	v4 =	vmul.f32 v13, v7;
	v7 =	vld [tilespmem:s17+$0x0]  }
0x213: {  	v2 =	vld.idx.msk [tilespmem:v2+s1+$0x0], $0xffff;
	[tilespmem:s17+$0xFFFFFFA0] =	vst v3;
	v3 =	vmul.f32 v13, v10  }
0x214: {  	v8 =	vld [tilespmem:s17+$0x10];
	[tilespmem:s17+$0xFFFFFF90] =	vst v4;
	v4 =	vmul.f32 v13, v9  }
0x215: {  	s20 =	simm.s32 $0x4;
	v6 =	vmul.f32 v13, v6;
	v9 =	vld [tilespmem:s17+$0x20];
	[tilespmem:s17+$0xFFFFFFC0] =	vst v3  }
0x216: {  	v11 =	vmov s20;
	v10 =	vld [tilespmem:s17+$0x30];
	[tilespmem:s17+$0xFFFFFFB0] =	vst v4;
	v4 =	vmul.f32 v13, v12  }
0x217: {  	v11 =	vand.u32 $0x7C, v11;
	v3 =	vld [tilespmem:s17+$0x40];
	[tilespmem:s17+$0xFFFFFFE0] =	vst v6;
	v12 =	vmul.f32 v13, v5  }
0x218: {  	s19 =	simm.s32 $0x5;
	s20 =	simm.s32 $0x6;
	v6 =	vor.u32 $0x100, v11;
	[tilespmem:s17+$0xFFFFFFD0] =	vst v4;
	v7 =	vmul.f32 v2, v7;
	v4 =	vld [tilespmem:s17+$0x50]  }
0x219: {  	v11 =	vmov s20;
	v13 =	vmov s19;
	v5 =	vld [tilespmem:s17+$0x60];
	v8 =	vmul.f32 v2, v8;
	[tilespmem:s17+$0xFFFFFFF0] =	vst v12  }
0x21a: {  	v11 =	vand.u32 $0x7E, v11;
	v12 =	vand.u32 $0x7D, v13;
	v9 =	vmul.f32 v2, v9;
	[tilespmem:s17+$0x0] =	vst v7;
	v7 =	vld [tilespmem:s17+$0x70]  }
0x21b: {  	s18 =	simm.s32 $0xD00;
	s20 =	simm.s32 $0x7;
	v6 =	vbroadcast v6, $0x0;
	s19 =	simm.s32 $0x8;
	v10 =	vmul.f32 v2, v10;
	v12 =	vor.u32 $0x100, v12;
	[tilespmem:s17+$0x10] =	vst v8;
	v8 =	vld [tilespmem:s17+$0x80]  }
.LBB2_11:
0x21c: {  	p1 =	slt.u32 s19, $0x74;
	v11 =	vor.u32 $0x100, v11;
	v13 =	vmov s20;
	[tilespmem:s17+$0x20] =	vst v9;
	v3 =	vmul.f32 v2, v3;
	v9 =	vld [tilespmem:s17+$0x90]  }
0x21d: {  	v12 =	vbroadcast v12, $0x0;
	v13 =	vand.u32 $0x7F, v13;
	[tilespmem:s17+$0x30] =	vst v10;
	v4 =	vmul.f32 v2, v4;
	v10 =	vld [tilespmem:s17+$0xA0]  }
0x21e: {  	v11 =	vbroadcast v11, $0x0;
	v13 =	vor.u32 $0x100, v13;
	[tilespmem:s17+$0x40] =	vst v3;
	v3 =	vmul.f32 v2, v5;
	v5 =	vld [tilespmem:s17+$0xB0]  }
0x21f: {  	v13 =	vbroadcast v13, $0x0;
	[tilespmem:s17+$0x50] =	vst v4;
	v2 =	vmul.f32 v2, v7;
	v4 =	vld [tilespmem:s17+$0xC0]  }
0x220: {  	[tilespmem:s17+$0x60] =	vst v3;
	v3 =	vmul.f32 v1, v8;
	v7 =	vld [tilespmem:s17+$0xD0]  }
0x221: {  	[tilespmem:s17+$0x70] =	vst v2;
	v2 =	vmul.f32 v1, v9;
	v8 =	vld [tilespmem:s17+$0xE0]  }
0x222: {  	v6 =	vld.idx.msk [tilespmem:v6+s1+$0x0], $0xffff;
	[tilespmem:s17+$0x80] =	vst v3;
	v3 =	vmul.f32 v1, v10  }
0x223: {  	v9 =	vld.idx.msk [tilespmem:v12+s1+$0x0], $0xffff;
	[tilespmem:s17+$0x90] =	vst v2;
	v5 =	vmul.f32 v1, v5  }
0x224: {  	v2 =	vld.idx.msk [tilespmem:v11+s1+$0x0], $0xffff;
	[tilespmem:s17+$0xA0] =	vst v3;
	v3 =	vmul.f32 v1, v4  }
0x225: {  	s17 =	sadd.s32 $0x200, s17;
	v4 =	vld.idx.msk [tilespmem:v13+s1+$0x0], $0xffff;
	[tilespmem:s18+$0xB0] =	vst v5;
	v5 =	vmul.f32 v1, v7  }
0x226: {  	v7 =	vld [tilespmem:s17+$0xF0];
	[tilespmem:s18+$0xC0] =	vst v3;
	v1 =	vmul.f32 v1, v8  }
0x227: {  	v3 =	vld [tilespmem:s17+$0xFFFFFF00];
	[tilespmem:s18+$0xD0] =	vst v5  }
0x228: {  	v5 =	vld [tilespmem:s17+$0xFFFFFF10];
	[tilespmem:s18+$0xE0] =	vst v1;
	s18 =	smov.u32 s17  }
0x229: {  	v8 =	vld [tilespmem:s17+$0xFFFFFF20]  }
0x22a: {  	v10 =	vld [tilespmem:s17+$0xFFFFFF30]  }
0x22b: {  	v1 =	vmov v4;
	v11 =	vld [tilespmem:s17+$0xFFFFFF40];
	v7 =	vmul.f32 v4, v7  }
0x22c: {  	v3 =	vmul.f32 v6, v3;
	v4 =	vld [tilespmem:s17+$0xFFFFFF50]  }
0x22d: {  	v5 =	vmul.f32 v6, v5;
	v12 =	vld [tilespmem:s17+$0xFFFFFF60];
	[tilespmem:s17+$0xF0] =	vst v7  }
0x22e: {  	[tilespmem:s17+$0xFFFFFF00] =	vst v3;
	v3 =	vmul.f32 v6, v8;
	v7 =	vld [tilespmem:s17+$0xFFFFFF70]  }
0x22f: {  	[tilespmem:s17+$0xFFFFFF10] =	vst v5;
	v5 =	vmul.f32 v6, v10;
	v8 =	vld [tilespmem:s17+$0xFFFFFF80]  }
0x230: {  	[tilespmem:s17+$0xFFFFFF20] =	vst v3;
	v3 =	vmul.f32 v6, v11;
	v10 =	vld [tilespmem:s17+$0xFFFFFF90]  }
0x231: {  	[tilespmem:s17+$0xFFFFFF30] =	vst v5;
	v4 =	vmul.f32 v6, v4;
	v5 =	vld [tilespmem:s17+$0xFFFFFFA0]  }
0x232: {  	[tilespmem:s17+$0xFFFFFF40] =	vst v3;
	v3 =	vmul.f32 v6, v12;
	v11 =	vld [tilespmem:s17+$0xFFFFFFB0]  }
0x233: {  	[tilespmem:s17+$0xFFFFFF50] =	vst v4;
	v4 =	vmul.f32 v6, v7;
	v6 =	vld [tilespmem:s17+$0xFFFFFFC0]  }
0x234: {  	[tilespmem:s17+$0xFFFFFF60] =	vst v3;
	v3 =	vmul.f32 v9, v8;
	v7 =	vld [tilespmem:s17+$0xFFFFFFD0]  }
0x235: {  	[tilespmem:s17+$0xFFFFFF70] =	vst v4;
	v4 =	vmul.f32 v9, v10;
	v8 =	vld [tilespmem:s17+$0xFFFFFFE0]  }
0x236: {  	[tilespmem:s17+$0xFFFFFF80] =	vst v3;
	v3 =	vmul.f32 v9, v5;
	v5 =	vld [tilespmem:s17+$0xFFFFFFF0]  }
0x237: {  	[tilespmem:s17+$0xFFFFFF90] =	vst v4;
	v4 =	vmul.f32 v9, v11;
	v10 =	vld [tilespmem:s17+$0x0]  }
0x238: {  	[tilespmem:s17+$0xFFFFFFA0] =	vst v3;
	v3 =	vmul.f32 v9, v6;
	v6 =	vld [tilespmem:s17+$0x10]  }
0x239: {  	[tilespmem:s17+$0xFFFFFFB0] =	vst v4;
	v4 =	vmul.f32 v9, v7;
	v7 =	vld [tilespmem:s17+$0x20]  }
0x23a: {  	[tilespmem:s17+$0xFFFFFFC0] =	vst v3;
	v8 =	vmul.f32 v9, v8;
	v13 =	vld [tilespmem:s17+$0x30]  }
.Ltmp6:
0x23b: {  	s20 =	sadd.s32 $0x1, s19;
	v11 =	vmov s19;
	[tilespmem:s17+$0xFFFFFFD0] =	vst v4;
	v5 =	vmul.f32 v9, v5;
	v3 =	vld [tilespmem:s17+$0x40];
	(pc) =	sbr.rel @p1 .LBB2_11-.Ltmp6, $4  }
0x23c: {  	v9 =	vand.u32 $0x7C, v11;
	v11 =	vmov s20;
	s20 =	sadd.s32 $0x2, s19;
	[tilespmem:s17+$0xFFFFFFE0] =	vst v8;
	v8 =	vmul.f32 v2, v10;
	v4 =	vld [tilespmem:s17+$0x50]  }
0x23d: {  	v10 =	vor.u32 $0x100, v9;
	v9 =	vmov s20;
	[tilespmem:s17+$0xFFFFFFF0] =	vst v5;
	v14 =	vmul.f32 v2, v6;
	v5 =	vld [tilespmem:s17+$0x60]  }
0x23e: {  	v12 =	vand.u32 $0x7D, v11;
	v11 =	vand.u32 $0x7E, v9;
	[tilespmem:s17+$0x0] =	vst v8;
	v9 =	vmul.f32 v2, v7;
	v7 =	vld [tilespmem:s17+$0x70]  }
0x23f: {  	s20 =	sadd.s32 $0x3, s19;
	s19 =	sadd.s32 $0x4, s19;
	v6 =	vbroadcast v10, $0x0;
	v12 =	vor.u32 $0x100, v12;
	[tilespmem:s17+$0x10] =	vst v14;
	v10 =	vmul.f32 v2, v13;
	v8 =	vld [tilespmem:s17+$0x80]  }
0x240: {  	v14 =	vld [tilespmem:s17+$0x90]  }
0x241: {  	v15 =	vld [tilespmem:s17+$0xA0]  }
0x242: {  	v13 =	vmov s20;
	v11 =	vor.u32 $0x100, v11;
	v12 =	vbroadcast v12, $0x0;
	v16 =	vld [tilespmem:s17+$0xB0]  }
0x243: {  	v17 =	vld [tilespmem:s17+$0xC0];
	[tilespmem:s17+$0x20] =	vst v9;
	v3 =	vmul.f32 v2, v3;
	v13 =	vand.u32 $0x7F, v13;
	v11 =	vbroadcast v11, $0x0  }
0x244: {  	v9 =	vld [tilespmem:s17+$0xD0];
	[tilespmem:s17+$0x30] =	vst v10;
	v4 =	vmul.f32 v2, v4;
	v13 =	vor.u32 $0x100, v13  }
0x245: {  	v10 =	vld [tilespmem:s17+$0xE0];
	[tilespmem:s17+$0x40] =	vst v3;
	v3 =	vmul.f32 v2, v5;
	v13 =	vbroadcast v13, $0x0  }
0x246: {  	s19 =	sadd.s32 $0x200, s17;
	v5 =	vld.idx.msk [tilespmem:v6+s1+$0x0], $0xffff;
	[tilespmem:s17+$0x50] =	vst v4;
	v2 =	vmul.f32 v2, v7  }
0x247: {  	[tilespmem:s17+$0x60] =	vst v3;
	v3 =	vmul.f32 v1, v8;
	v8 =	vld [tilespmem:s19+$0xF0]  }
0x248: {  	[tilespmem:s17+$0x70] =	vst v2;
	v2 =	vmul.f32 v1, v14;
	v4 =	vld.idx.msk [tilespmem:v12+s1+$0x0], $0xffff  }
0x249: {  	[tilespmem:s17+$0x80] =	vst v3;
	v3 =	vmul.f32 v1, v15;
	v6 =	vld.idx.msk [tilespmem:v11+s1+$0x0], $0xffff  }
0x24a: {  	[tilespmem:s17+$0x90] =	vst v2;
	v2 =	vmul.f32 v1, v16;
	v11 =	vld [tilespmem:s19+$0xFFFFFF00]  }
0x24b: {  	[tilespmem:s17+$0xA0] =	vst v3;
	v3 =	vmul.f32 v1, v17;
	v7 =	vld.idx.msk [tilespmem:v13+s1+$0x0], $0xffff  }
0x24c: {  	v12 =	vld [tilespmem:s19+$0xFFFFFF10];
	[tilespmem:s18+$0xB0] =	vst v2;
	v2 =	vmul.f32 v1, v9  }
0x24d: {  	v9 =	vld [tilespmem:s19+$0xFFFFFF20];
	v1 =	vmul.f32 v1, v10;
	[tilespmem:s18+$0xC0] =	vst v3  }
0x24e: {  	v3 =	vld [tilespmem:s19+$0xFFFFFF30];
	[tilespmem:s18+$0xD0] =	vst v2  }
0x24f: {  	v2 =	vld [tilespmem:s19+$0xFFFFFF40];
	[tilespmem:s18+$0xE0] =	vst v1;
	v1 =	vmul.f32 v5, v11  }
0x250: {  	v10 =	vld [tilespmem:s19+$0xFFFFFF50];
	v8 =	vmul.f32 v7, v8  }
0x251: {  	v11 =	vmul.f32 v5, v12;
	v12 =	vld [tilespmem:s19+$0xFFFFFF60];
	[tilespmem:s19+$0xFFFFFF00] =	vst v1  }
0x252: {  	v1 =	vmul.f32 v5, v9;
	[tilespmem:s19+$0xF0] =	vst v8;
	v8 =	vld [tilespmem:s19+$0xFFFFFF70]  }
0x253: {  	[tilespmem:s19+$0xFFFFFF10] =	vst v11;
	v9 =	vld [tilespmem:s19+$0xFFFFFF80];
	v3 =	vmul.f32 v5, v3  }
0x254: {  	[tilespmem:s19+$0xFFFFFF20] =	vst v1;
	v1 =	vmul.f32 v5, v2;
	v2 =	vld [tilespmem:s19+$0xFFFFFF90]  }
0x255: {  	[tilespmem:s19+$0xFFFFFF30] =	vst v3;
	v3 =	vmul.f32 v5, v10;
	v10 =	vld [tilespmem:s19+$0xFFFFFFA0]  }
0x256: {  	v11 =	vld [tilespmem:s19+$0xFFFFFFB0];
	[tilespmem:s19+$0xFFFFFF40] =	vst v1;
	v1 =	vmul.f32 v5, v12  }
0x257: {  	[tilespmem:s19+$0xFFFFFF50] =	vst v3;
	v3 =	vmul.f32 v5, v8;
	v5 =	vld [tilespmem:s19+$0xFFFFFFC0]  }
0x258: {  	[tilespmem:s19+$0xFFFFFF60] =	vst v1;
	v1 =	vmul.f32 v4, v9;
	v8 =	vld [tilespmem:s19+$0xFFFFFFD0]  }
0x259: {  	v2 =	vmul.f32 v4, v2;
	[tilespmem:s19+$0xFFFFFF70] =	vst v3;
	v3 =	vld [tilespmem:s19+$0xFFFFFFE0]  }
0x25a: {  	v9 =	vld [tilespmem:s19+$0xFFFFFFF0];
	[tilespmem:s19+$0xFFFFFF80] =	vst v1;
	v1 =	vmul.f32 v4, v10  }
0x25b: {  	v10 =	vld [tilespmem:s19+$0x0];
	[tilespmem:s19+$0xFFFFFF90] =	vst v2;
	v2 =	vmul.f32 v4, v11  }
0x25c: {  	[tilespmem:s19+$0xFFFFFFA0] =	vst v1;
	v1 =	vmul.f32 v4, v5;
	v5 =	vld [tilespmem:s19+$0x10]  }
0x25d: {  	[tilespmem:s19+$0xFFFFFFB0] =	vst v2;
	v2 =	vmul.f32 v4, v8;
	v8 =	vld [tilespmem:s19+$0x20]  }
0x25e: {  	[tilespmem:s19+$0xFFFFFFC0] =	vst v1;
	v1 =	vmul.f32 v4, v3;
	v3 =	vld [tilespmem:s19+$0x30]  }
0x25f: {  	[tilespmem:s19+$0xFFFFFFD0] =	vst v2;
	v2 =	vmul.f32 v4, v9;
	v4 =	vld [tilespmem:s19+$0x40]  }
0x260: {  	v9 =	vld [tilespmem:s19+$0x50];
	[tilespmem:s19+$0xFFFFFFE0] =	vst v1;
	v1 =	vmul.f32 v6, v10  }
0x261: {  	[tilespmem:s19+$0xFFFFFFF0] =	vst v2;
	v2 =	vmul.f32 v6, v5;
	v5 =	vld [tilespmem:s19+$0x60]  }
0x262: {  	[tilespmem:s19+$0x0] =	vst v1;
	v1 =	vmul.f32 v6, v8;
	v8 =	vld [tilespmem:s19+$0x70]  }
0x263: {  	[tilespmem:s19+$0x10] =	vst v2;
	v2 =	vmul.f32 v6, v3;
	v3 =	vld [tilespmem:s19+$0x80]  }
0x264: {  	[tilespmem:s19+$0x20] =	vst v1;
	v1 =	vmul.f32 v6, v4;
	v4 =	vld [tilespmem:s19+$0x90]  }
0x265: {  	[tilespmem:s19+$0x30] =	vst v2;
	v2 =	vmul.f32 v6, v9;
	v9 =	vld [tilespmem:s19+$0xA0]  }
0x266: {  	[tilespmem:s19+$0x40] =	vst v1;
	v1 =	vmul.f32 v6, v5;
	v5 =	vld [tilespmem:s19+$0xB0]  }
0x267: {  	[tilespmem:s19+$0x50] =	vst v2;
	v2 =	vmul.f32 v6, v8;
	v6 =	vld [tilespmem:s19+$0xC0]  }
0x268: {  	[tilespmem:s19+$0x60] =	vst v1;
	v1 =	vmul.f32 v7, v3;
	v3 =	vld [tilespmem:s19+$0xD0]  }
0x269: {  	[tilespmem:s19+$0x70] =	vst v2;
	v2 =	vmul.f32 v7, v4;
	v4 =	vld [tilespmem:s19+$0xE0]  }
0x26a: {  	[tilespmem:s19+$0x80] =	vst v1;
	v1 =	vmul.f32 v7, v9  }
0x26b: {  	[tilespmem:s19+$0x90] =	vst v2;
	v2 =	vmul.f32 v7, v5  }
0x26c: {  	[tilespmem:s19+$0xA0] =	vst v1;
	v1 =	vmul.f32 v7, v6  }
0x26d: {  	[tilespmem:s19+$0xB0] =	vst v2;
	v2 =	vmul.f32 v7, v3  }
0x26e: {  	[tilespmem:s19+$0xC0] =	vst v1;
	v1 =	vmul.f32 v7, v4  }
0x26f: {  	[tilespmem:s19+$0xD0] =	vst v2  }
0x270: {  	s20 =	simm.s32 $0x680;
	[tilespmem:s19+$0xE0] =	vst v1  }
0x271: {  	[spmem:s3] =	stream.indirect.scatter.add.f32 [tilespmem:s25], [sflag:$0xA], $0x80, s20, s29, $0xb8;
	v63 =	vld [tilespmem:$0x0]  }
0x272: {  	_ =	swait.ge [sflag:s7], $0x3C00  }
0x273: {  	[sflag:s7] =	ssyncset.done $0x0  }
0x274: {  	[sflag:s7] =	ssyncadd.s32 $0xFFFFC400  }
0x275: {  	s18 =	simm.s32 $0x0;
	_ =	swait.ge [sflag:s14], $0x180  }
0x276: {  	v1 =	vmov s18;
	s19 =	simm.s32 $0x3;
	[sflag:s14] =	ssyncset.done $0x0;
	s17 =	rddreg [dreg:$0x12]  }
0x277: {  	v1 =	vand.u32 $0x7C, v1;
	v2 =	vmov s19;
	[sflag:s14] =	ssyncadd.s32 $0xFFFFFE80;
	s17 =	sadd.s32 @!p0 s22, s17  }
0x278: {  	v1 =	vor.u32 $0x100, v1;
	v2 =	vand.u32 $0x7F, v2;
	[tilespmem:s9], [sflag:$0x9] =	stream.indirect.gather [hbm4b:s0+s29], $0x80, s10, s29, $0xb8;
	v63 =	vld [tilespmem:$0x0]  }
0x279: {  	v1 =	vbroadcast v1, $0x0;
	v2 =	vor.u32 $0x100, v2;
	s17 =	sshll.u32 @!p0 s17, $0x6  }
0x27a: {  	s18 =	simm.s32 @!p0 $0x0;
	s19 =	simm.s32 @!p0 $0x400;
	v2 =	vbroadcast v2, $0x0;
	s17 =	sadd.s32 @!p0 s17, s13  }
0x27b: {  	[tilespmem:s19], [sflag:$0x3] =	stream.linear.gather @!p0 [hbm4b:s17+s18], $0x180, $0x38;
	v63 =	vld [tilespmem:$0x0]  }
0x27c: {  	_ =	swait.ge [sflag:s12], $0x3C00  }
0x27d: {  	[sflag:s12] =	ssyncset.done $0x0  }
0x27e: {  	[sflag:s12] =	ssyncadd.s32 $0xFFFFC400  }
0x27f: {  	s20 =	simm.s32 $0x1;
	v3 =	vld.idx.msk [tilespmem:v1+s2+$0x0], $0xffff  }
0x280: {  	v4 =	vmov s20;
	s17 =	simm.s32 $0x4900;
	v1 =	vld.idx.msk [tilespmem:v2+s2+$0x0], $0xffff  }
0x281: {  	v2 =	vand.u32 $0x7D, v4;
	v4 =	vld [tilespmem:s17+$0xF0]  }
0x282: {  	v5 =	vld [tilespmem:s17+$0xFFFFFF00]  }
0x283: {  	v6 =	vld [tilespmem:s17+$0xFFFFFF10]  }
0x284: {  	v7 =	vld [tilespmem:s17+$0xFFFFFF20];
	v2 =	vor.u32 $0x100, v2  }
0x285: {  	v8 =	vld [tilespmem:s17+$0xFFFFFF30];
	v2 =	vbroadcast v2, $0x0  }
0x286: {  	v9 =	vld [tilespmem:s17+$0xFFFFFF40]  }
0x287: {  	v10 =	vld [tilespmem:s17+$0xFFFFFF50];
	v5 =	vmul.f32 v3, v5  }
0x288: {  	v11 =	vld [tilespmem:s17+$0xFFFFFF60];
	v4 =	vmul.f32 v1, v4  }
0x289: {  	[tilespmem:s17+$0xFFFFFF00] =	vst v5;
	v5 =	vld [tilespmem:s17+$0xFFFFFF70]  }
0x28a: {  	s19 =	simm.s32 $0x2;
	v6 =	vmul.f32 v3, v6;
	[tilespmem:s17+$0xF0] =	vst v4;
	v4 =	vmul.f32 v3, v7;
	v7 =	vld [tilespmem:s17+$0xFFFFFF90]  }
0x28b: {  	v12 =	vmov s19;
	v13 =	vld.idx.msk [tilespmem:v2+s2+$0x0], $0xffff  }
0x28c: {  	[tilespmem:s17+$0xFFFFFF10] =	vst v6;
	v6 =	vmul.f32 v3, v8;
	v2 =	vand.u32 $0x7E, v12;
	v12 =	vld [tilespmem:s17+$0xFFFFFF80]  }
0x28d: {  	v11 =	vmul.f32 v3, v11;
	v8 =	vld [tilespmem:s17+$0xFFFFFFA0];
	v2 =	vor.u32 $0x100, v2;
	[tilespmem:s17+$0xFFFFFF20] =	vst v4;
	v4 =	vmul.f32 v3, v9  }
0x28e: {  	v9 =	vld [tilespmem:s17+$0xFFFFFFB0];
	[tilespmem:s17+$0xFFFFFF30] =	vst v6;
	v6 =	vmul.f32 v3, v10;
	v2 =	vbroadcast v2, $0x0  }
0x28f: {  	[tilespmem:s17+$0xFFFFFF60] =	vst v11;
	v10 =	vld [tilespmem:s17+$0xFFFFFFC0]  }
0x290: {  	[tilespmem:s17+$0xFFFFFF50] =	vst v6;
	v6 =	vld [tilespmem:s17+$0xFFFFFFE0];
	v3 =	vmul.f32 v3, v5  }
0x291: {  	[tilespmem:s17+$0xFFFFFF40] =	vst v4;
	v5 =	vld [tilespmem:s17+$0xFFFFFFF0];
	v4 =	vmul.f32 v13, v12  }
0x292: {  	v12 =	vld [tilespmem:s17+$0xFFFFFFD0];
	[tilespmem:s17+$0xFFFFFF70] =	vst v3;
	v3 =	vmul.f32 v13, v8  }
0x293: {  	[tilespmem:s17+$0xFFFFFF80] =	vst v4;
	v4 =	vmul.f32 v13, v7;
	v7 =	vld [tilespmem:s17+$0x0]  }
0x294: {  	v2 =	vld.idx.msk [tilespmem:v2+s2+$0x0], $0xffff;
	[tilespmem:s17+$0xFFFFFFA0] =	vst v3;
	v3 =	vmul.f32 v13, v10  }
0x295: {  	v8 =	vld [tilespmem:s17+$0x10];
	[tilespmem:s17+$0xFFFFFF90] =	vst v4;
	v4 =	vmul.f32 v13, v9  }
0x296: {  	s20 =	simm.s32 $0x4;
	v6 =	vmul.f32 v13, v6;
	v9 =	vld [tilespmem:s17+$0x20];
	[tilespmem:s17+$0xFFFFFFC0] =	vst v3  }
0x297: {  	v11 =	vmov s20;
	v10 =	vld [tilespmem:s17+$0x30];
	[tilespmem:s17+$0xFFFFFFB0] =	vst v4;
	v4 =	vmul.f32 v13, v12  }
0x298: {  	v11 =	vand.u32 $0x7C, v11;
	v3 =	vld [tilespmem:s17+$0x40];
	[tilespmem:s17+$0xFFFFFFE0] =	vst v6;
	v12 =	vmul.f32 v13, v5  }
0x299: {  	s19 =	simm.s32 $0x5;
	s20 =	simm.s32 $0x6;
	v6 =	vor.u32 $0x100, v11;
	[tilespmem:s17+$0xFFFFFFD0] =	vst v4;
	v7 =	vmul.f32 v2, v7;
	v4 =	vld [tilespmem:s17+$0x50]  }
0x29a: {  	v11 =	vmov s20;
	v13 =	vmov s19;
	v5 =	vld [tilespmem:s17+$0x60];
	v8 =	vmul.f32 v2, v8;
	[tilespmem:s17+$0xFFFFFFF0] =	vst v12  }
0x29b: {  	v11 =	vand.u32 $0x7E, v11;
	v12 =	vand.u32 $0x7D, v13;
	v9 =	vmul.f32 v2, v9;
	[tilespmem:s17+$0x0] =	vst v7;
	v7 =	vld [tilespmem:s17+$0x70]  }
0x29c: {  	s18 =	simm.s32 $0x4900;
	s20 =	simm.s32 $0x7;
	v6 =	vbroadcast v6, $0x0;
	s19 =	simm.s32 $0x8;
	v10 =	vmul.f32 v2, v10;
	v12 =	vor.u32 $0x100, v12;
	[tilespmem:s17+$0x10] =	vst v8;
	v8 =	vld [tilespmem:s17+$0x80]  }
.LBB2_13:
0x29d: {  	p1 =	slt.u32 s19, $0x74;
	v11 =	vor.u32 $0x100, v11;
	v13 =	vmov s20;
	[tilespmem:s17+$0x20] =	vst v9;
	v3 =	vmul.f32 v2, v3;
	v9 =	vld [tilespmem:s17+$0x90]  }
0x29e: {  	v12 =	vbroadcast v12, $0x0;
	v13 =	vand.u32 $0x7F, v13;
	[tilespmem:s17+$0x30] =	vst v10;
	v4 =	vmul.f32 v2, v4;
	v10 =	vld [tilespmem:s17+$0xA0]  }
0x29f: {  	v11 =	vbroadcast v11, $0x0;
	v13 =	vor.u32 $0x100, v13;
	[tilespmem:s17+$0x40] =	vst v3;
	v3 =	vmul.f32 v2, v5;
	v5 =	vld [tilespmem:s17+$0xB0]  }
0x2a0: {  	v13 =	vbroadcast v13, $0x0;
	[tilespmem:s17+$0x50] =	vst v4;
	v2 =	vmul.f32 v2, v7;
	v4 =	vld [tilespmem:s17+$0xC0]  }
0x2a1: {  	[tilespmem:s17+$0x60] =	vst v3;
	v3 =	vmul.f32 v1, v8;
	v7 =	vld [tilespmem:s17+$0xD0]  }
0x2a2: {  	[tilespmem:s17+$0x70] =	vst v2;
	v2 =	vmul.f32 v1, v9;
	v8 =	vld [tilespmem:s17+$0xE0]  }
0x2a3: {  	v6 =	vld.idx.msk [tilespmem:v6+s2+$0x0], $0xffff;
	[tilespmem:s17+$0x80] =	vst v3;
	v3 =	vmul.f32 v1, v10  }
0x2a4: {  	v9 =	vld.idx.msk [tilespmem:v12+s2+$0x0], $0xffff;
	[tilespmem:s17+$0x90] =	vst v2;
	v5 =	vmul.f32 v1, v5  }
0x2a5: {  	v2 =	vld.idx.msk [tilespmem:v11+s2+$0x0], $0xffff;
	[tilespmem:s17+$0xA0] =	vst v3;
	v3 =	vmul.f32 v1, v4  }
0x2a6: {  	s17 =	sadd.s32 $0x200, s17;
	v4 =	vld.idx.msk [tilespmem:v13+s2+$0x0], $0xffff;
	[tilespmem:s18+$0xB0] =	vst v5;
	v5 =	vmul.f32 v1, v7  }
0x2a7: {  	v7 =	vld [tilespmem:s17+$0xF0];
	[tilespmem:s18+$0xC0] =	vst v3;
	v1 =	vmul.f32 v1, v8  }
0x2a8: {  	v3 =	vld [tilespmem:s17+$0xFFFFFF00];
	[tilespmem:s18+$0xD0] =	vst v5  }
0x2a9: {  	v5 =	vld [tilespmem:s17+$0xFFFFFF10];
	[tilespmem:s18+$0xE0] =	vst v1;
	s18 =	smov.u32 s17  }
0x2aa: {  	v8 =	vld [tilespmem:s17+$0xFFFFFF20]  }
0x2ab: {  	v10 =	vld [tilespmem:s17+$0xFFFFFF30]  }
0x2ac: {  	v1 =	vmov v4;
	v11 =	vld [tilespmem:s17+$0xFFFFFF40];
	v7 =	vmul.f32 v4, v7  }
0x2ad: {  	v3 =	vmul.f32 v6, v3;
	v4 =	vld [tilespmem:s17+$0xFFFFFF50]  }
0x2ae: {  	v5 =	vmul.f32 v6, v5;
	v12 =	vld [tilespmem:s17+$0xFFFFFF60];
	[tilespmem:s17+$0xF0] =	vst v7  }
0x2af: {  	[tilespmem:s17+$0xFFFFFF00] =	vst v3;
	v3 =	vmul.f32 v6, v8;
	v7 =	vld [tilespmem:s17+$0xFFFFFF70]  }
0x2b0: {  	[tilespmem:s17+$0xFFFFFF10] =	vst v5;
	v5 =	vmul.f32 v6, v10;
	v8 =	vld [tilespmem:s17+$0xFFFFFF80]  }
0x2b1: {  	[tilespmem:s17+$0xFFFFFF20] =	vst v3;
	v3 =	vmul.f32 v6, v11;
	v10 =	vld [tilespmem:s17+$0xFFFFFF90]  }
0x2b2: {  	[tilespmem:s17+$0xFFFFFF30] =	vst v5;
	v4 =	vmul.f32 v6, v4;
	v5 =	vld [tilespmem:s17+$0xFFFFFFA0]  }
0x2b3: {  	[tilespmem:s17+$0xFFFFFF40] =	vst v3;
	v3 =	vmul.f32 v6, v12;
	v11 =	vld [tilespmem:s17+$0xFFFFFFB0]  }
0x2b4: {  	[tilespmem:s17+$0xFFFFFF50] =	vst v4;
	v4 =	vmul.f32 v6, v7;
	v6 =	vld [tilespmem:s17+$0xFFFFFFC0]  }
0x2b5: {  	[tilespmem:s17+$0xFFFFFF60] =	vst v3;
	v3 =	vmul.f32 v9, v8;
	v7 =	vld [tilespmem:s17+$0xFFFFFFD0]  }
0x2b6: {  	[tilespmem:s17+$0xFFFFFF70] =	vst v4;
	v4 =	vmul.f32 v9, v10;
	v8 =	vld [tilespmem:s17+$0xFFFFFFE0]  }
0x2b7: {  	[tilespmem:s17+$0xFFFFFF80] =	vst v3;
	v3 =	vmul.f32 v9, v5;
	v5 =	vld [tilespmem:s17+$0xFFFFFFF0]  }
0x2b8: {  	[tilespmem:s17+$0xFFFFFF90] =	vst v4;
	v4 =	vmul.f32 v9, v11;
	v10 =	vld [tilespmem:s17+$0x0]  }
0x2b9: {  	[tilespmem:s17+$0xFFFFFFA0] =	vst v3;
	v3 =	vmul.f32 v9, v6;
	v6 =	vld [tilespmem:s17+$0x10]  }
0x2ba: {  	[tilespmem:s17+$0xFFFFFFB0] =	vst v4;
	v4 =	vmul.f32 v9, v7;
	v7 =	vld [tilespmem:s17+$0x20]  }
0x2bb: {  	[tilespmem:s17+$0xFFFFFFC0] =	vst v3;
	v8 =	vmul.f32 v9, v8;
	v13 =	vld [tilespmem:s17+$0x30]  }
.Ltmp7:
0x2bc: {  	s20 =	sadd.s32 $0x1, s19;
	v11 =	vmov s19;
	[tilespmem:s17+$0xFFFFFFD0] =	vst v4;
	v5 =	vmul.f32 v9, v5;
	v3 =	vld [tilespmem:s17+$0x40];
	(pc) =	sbr.rel @p1 .LBB2_13-.Ltmp7, $4  }
0x2bd: {  	v9 =	vand.u32 $0x7C, v11;
	v11 =	vmov s20;
	s20 =	sadd.s32 $0x2, s19;
	[tilespmem:s17+$0xFFFFFFE0] =	vst v8;
	v8 =	vmul.f32 v2, v10;
	v4 =	vld [tilespmem:s17+$0x50]  }
0x2be: {  	v10 =	vor.u32 $0x100, v9;
	v9 =	vmov s20;
	[tilespmem:s17+$0xFFFFFFF0] =	vst v5;
	v14 =	vmul.f32 v2, v6;
	v5 =	vld [tilespmem:s17+$0x60]  }
0x2bf: {  	v12 =	vand.u32 $0x7D, v11;
	v11 =	vand.u32 $0x7E, v9;
	[tilespmem:s17+$0x0] =	vst v8;
	v9 =	vmul.f32 v2, v7;
	v7 =	vld [tilespmem:s17+$0x70]  }
0x2c0: {  	s20 =	sadd.s32 $0x3, s19;
	s19 =	sadd.s32 $0x4, s19;
	v6 =	vbroadcast v10, $0x0;
	v12 =	vor.u32 $0x100, v12;
	[tilespmem:s17+$0x10] =	vst v14;
	v10 =	vmul.f32 v2, v13;
	v8 =	vld [tilespmem:s17+$0x80]  }
0x2c1: {  	v14 =	vld [tilespmem:s17+$0x90]  }
0x2c2: {  	v15 =	vld [tilespmem:s17+$0xA0]  }
0x2c3: {  	v13 =	vmov s20;
	v11 =	vor.u32 $0x100, v11;
	v12 =	vbroadcast v12, $0x0;
	v16 =	vld [tilespmem:s17+$0xB0]  }
0x2c4: {  	v17 =	vld [tilespmem:s17+$0xC0];
	[tilespmem:s17+$0x20] =	vst v9;
	v3 =	vmul.f32 v2, v3;
	v13 =	vand.u32 $0x7F, v13;
	v11 =	vbroadcast v11, $0x0  }
0x2c5: {  	v9 =	vld [tilespmem:s17+$0xD0];
	[tilespmem:s17+$0x30] =	vst v10;
	v4 =	vmul.f32 v2, v4;
	v13 =	vor.u32 $0x100, v13  }
0x2c6: {  	v10 =	vld [tilespmem:s17+$0xE0];
	[tilespmem:s17+$0x40] =	vst v3;
	v3 =	vmul.f32 v2, v5;
	v13 =	vbroadcast v13, $0x0  }
0x2c7: {  	s19 =	sadd.s32 $0x200, s17;
	v5 =	vld.idx.msk [tilespmem:v6+s2+$0x0], $0xffff;
	[tilespmem:s17+$0x50] =	vst v4;
	v2 =	vmul.f32 v2, v7  }
0x2c8: {  	[tilespmem:s17+$0x60] =	vst v3;
	v3 =	vmul.f32 v1, v8;
	v8 =	vld [tilespmem:s19+$0xF0]  }
0x2c9: {  	[tilespmem:s17+$0x70] =	vst v2;
	v2 =	vmul.f32 v1, v14;
	v4 =	vld.idx.msk [tilespmem:v12+s2+$0x0], $0xffff  }
0x2ca: {  	[tilespmem:s17+$0x80] =	vst v3;
	v3 =	vmul.f32 v1, v15;
	v6 =	vld.idx.msk [tilespmem:v11+s2+$0x0], $0xffff  }
0x2cb: {  	[tilespmem:s17+$0x90] =	vst v2;
	v2 =	vmul.f32 v1, v16;
	v11 =	vld [tilespmem:s19+$0xFFFFFF00]  }
0x2cc: {  	[tilespmem:s17+$0xA0] =	vst v3;
	v3 =	vmul.f32 v1, v17;
	v7 =	vld.idx.msk [tilespmem:v13+s2+$0x0], $0xffff  }
0x2cd: {  	v12 =	vld [tilespmem:s19+$0xFFFFFF10];
	[tilespmem:s18+$0xB0] =	vst v2;
	v2 =	vmul.f32 v1, v9  }
0x2ce: {  	v9 =	vld [tilespmem:s19+$0xFFFFFF20];
	v1 =	vmul.f32 v1, v10;
	[tilespmem:s18+$0xC0] =	vst v3  }
0x2cf: {  	v3 =	vld [tilespmem:s19+$0xFFFFFF30];
	[tilespmem:s18+$0xD0] =	vst v2  }
0x2d0: {  	v2 =	vld [tilespmem:s19+$0xFFFFFF40];
	[tilespmem:s18+$0xE0] =	vst v1;
	v1 =	vmul.f32 v5, v11  }
0x2d1: {  	v10 =	vld [tilespmem:s19+$0xFFFFFF50];
	v8 =	vmul.f32 v7, v8  }
0x2d2: {  	v11 =	vmul.f32 v5, v12;
	v12 =	vld [tilespmem:s19+$0xFFFFFF60];
	[tilespmem:s19+$0xFFFFFF00] =	vst v1  }
0x2d3: {  	v1 =	vmul.f32 v5, v9;
	[tilespmem:s19+$0xF0] =	vst v8;
	v8 =	vld [tilespmem:s19+$0xFFFFFF70]  }
0x2d4: {  	[tilespmem:s19+$0xFFFFFF10] =	vst v11;
	v9 =	vld [tilespmem:s19+$0xFFFFFF80];
	v3 =	vmul.f32 v5, v3  }
0x2d5: {  	[tilespmem:s19+$0xFFFFFF20] =	vst v1;
	v1 =	vmul.f32 v5, v2;
	v2 =	vld [tilespmem:s19+$0xFFFFFF90]  }
0x2d6: {  	[tilespmem:s19+$0xFFFFFF30] =	vst v3;
	v3 =	vmul.f32 v5, v10;
	v10 =	vld [tilespmem:s19+$0xFFFFFFA0]  }
0x2d7: {  	v11 =	vld [tilespmem:s19+$0xFFFFFFB0];
	[tilespmem:s19+$0xFFFFFF40] =	vst v1;
	v1 =	vmul.f32 v5, v12  }
0x2d8: {  	[tilespmem:s19+$0xFFFFFF50] =	vst v3;
	v3 =	vmul.f32 v5, v8;
	v5 =	vld [tilespmem:s19+$0xFFFFFFC0]  }
0x2d9: {  	[tilespmem:s19+$0xFFFFFF60] =	vst v1;
	v1 =	vmul.f32 v4, v9;
	v8 =	vld [tilespmem:s19+$0xFFFFFFD0]  }
0x2da: {  	v2 =	vmul.f32 v4, v2;
	[tilespmem:s19+$0xFFFFFF70] =	vst v3;
	v3 =	vld [tilespmem:s19+$0xFFFFFFE0]  }
0x2db: {  	v9 =	vld [tilespmem:s19+$0xFFFFFFF0];
	[tilespmem:s19+$0xFFFFFF80] =	vst v1;
	v1 =	vmul.f32 v4, v10  }
0x2dc: {  	v10 =	vld [tilespmem:s19+$0x0];
	[tilespmem:s19+$0xFFFFFF90] =	vst v2;
	v2 =	vmul.f32 v4, v11  }
0x2dd: {  	[tilespmem:s19+$0xFFFFFFA0] =	vst v1;
	v1 =	vmul.f32 v4, v5;
	v5 =	vld [tilespmem:s19+$0x10]  }
0x2de: {  	[tilespmem:s19+$0xFFFFFFB0] =	vst v2;
	v2 =	vmul.f32 v4, v8;
	v8 =	vld [tilespmem:s19+$0x20]  }
0x2df: {  	[tilespmem:s19+$0xFFFFFFC0] =	vst v1;
	v1 =	vmul.f32 v4, v3;
	v3 =	vld [tilespmem:s19+$0x30]  }
0x2e0: {  	[tilespmem:s19+$0xFFFFFFD0] =	vst v2;
	v2 =	vmul.f32 v4, v9;
	v4 =	vld [tilespmem:s19+$0x40]  }
0x2e1: {  	v9 =	vld [tilespmem:s19+$0x50];
	[tilespmem:s19+$0xFFFFFFE0] =	vst v1;
	v1 =	vmul.f32 v6, v10  }
0x2e2: {  	[tilespmem:s19+$0xFFFFFFF0] =	vst v2;
	v2 =	vmul.f32 v6, v5;
	v5 =	vld [tilespmem:s19+$0x60]  }
0x2e3: {  	[tilespmem:s19+$0x0] =	vst v1;
	v1 =	vmul.f32 v6, v8;
	v8 =	vld [tilespmem:s19+$0x70]  }
0x2e4: {  	[tilespmem:s19+$0x10] =	vst v2;
	v2 =	vmul.f32 v6, v3;
	v3 =	vld [tilespmem:s19+$0x80]  }
0x2e5: {  	[tilespmem:s19+$0x20] =	vst v1;
	v1 =	vmul.f32 v6, v4;
	v4 =	vld [tilespmem:s19+$0x90]  }
0x2e6: {  	[tilespmem:s19+$0x30] =	vst v2;
	v2 =	vmul.f32 v6, v9;
	v9 =	vld [tilespmem:s19+$0xA0]  }
0x2e7: {  	[tilespmem:s19+$0x40] =	vst v1;
	v1 =	vmul.f32 v6, v5;
	v5 =	vld [tilespmem:s19+$0xB0]  }
0x2e8: {  	[tilespmem:s19+$0x50] =	vst v2;
	v2 =	vmul.f32 v6, v8;
	v6 =	vld [tilespmem:s19+$0xC0]  }
0x2e9: {  	[tilespmem:s19+$0x60] =	vst v1;
	v1 =	vmul.f32 v7, v3;
	v3 =	vld [tilespmem:s19+$0xD0]  }
0x2ea: {  	[tilespmem:s19+$0x70] =	vst v2;
	v2 =	vmul.f32 v7, v4;
	v4 =	vld [tilespmem:s19+$0xE0]  }
0x2eb: {  	[tilespmem:s19+$0x80] =	vst v1;
	v1 =	vmul.f32 v7, v9  }
0x2ec: {  	[tilespmem:s19+$0x90] =	vst v2;
	v2 =	vmul.f32 v7, v5  }
0x2ed: {  	[tilespmem:s19+$0xA0] =	vst v1;
	v1 =	vmul.f32 v7, v6  }
0x2ee: {  	[tilespmem:s19+$0xB0] =	vst v2;
	v2 =	vmul.f32 v7, v3  }
0x2ef: {  	[tilespmem:s19+$0xC0] =	vst v1;
	v1 =	vmul.f32 v7, v4  }
0x2f0: {  	[tilespmem:s19+$0xD0] =	vst v2  }
0x2f1: {  	s17 =	simm.s32 @!p0 $0xA;
	[tilespmem:s19+$0xE0] =	vst v1;
	s19 =	simm.s32 $0x880  }
0x2f2: {  	[spmem:s3] =	stream.indirect.scatter.add.f32 [tilespmem:s30], [sflag:$0xB], $0x80, s19, s29, $0xb8;
	v63 =	vld [tilespmem:$0x0]  }
0x2f3: {  	_ =	swait.ge @!p0 [sflag:s17], $0x3C00  }
0x2f4: {  	[sflag:s17] =	ssyncset.done @!p0 $0x0  }
0x2f5: {  	[sflag:s17] =	ssyncadd.s32 @!p0 $0xFFFFC400;
	s17 =	simm.s32 @!p0 $0x1  }
0x2f6: {  	s18 =	simm.s32 $0x0;
	_ =	swait.ge @!p0 [sflag:s17], $0x180  }
0x2f7: {  	s20 =	simm.s32 @!p0 $0xC00;
	v1 =	vmov s18;
	s18 =	simm.s32 $0x3;
	[sflag:s17] =	ssyncset.done @!p0 $0x0  }
0x2f8: {  	s19 =	simm.s32 @!p0 $0x0;
	[sflag:s17] =	ssyncadd.s32 @!p0 $0xFFFFFE80;
	s17 =	simm.s32 @!p0 $0x78  }
0x2f9: {  	v1 =	vand.u32 $0x7C, v1;
	v2 =	vmov s18;
	[tilespmem:s20], [sflag:$0x7] =	stream.indirect.gather @!p0 [hbm4b:s0+s17], $0x80, s19, s17, $0xb8;
	v63 =	vld [tilespmem:$0x0]  }
0x2fa: {  	v1 =	vor.u32 $0x100, v1;
	v2 =	vand.u32 $0x7F, v2;
	s17 =	sadd.s32 @!p0 s22, s21  }
0x2fb: {  	v1 =	vbroadcast v1, $0x0;
	v2 =	vor.u32 $0x100, v2;
	s17 =	sshll.u32 @!p0 s17, $0x6  }
0x2fc: {  	s18 =	simm.s32 @!p0 $0x600;
	v2 =	vbroadcast v2, $0x0;
	s17 =	sadd.s32 @!p0 s17, s13  }
0x2fd: {  	[tilespmem:s18], [sflag:$0x4] =	stream.linear.gather @!p0 [hbm4b:s17+s19], $0x180, $0x38;
	v63 =	vld [tilespmem:$0x0]  }
0x2fe: {  	_ =	swait.ge [sflag:s23], $0x3C00  }
0x2ff: {  	[sflag:s23] =	ssyncset.done $0x0  }
0x300: {  	[sflag:s23] =	ssyncadd.s32 $0xFFFFC400  }
0x301: {  	s20 =	simm.s32 $0x1;
	v3 =	vld.idx.msk [tilespmem:v1+s10+$0x0], $0xffff  }
0x302: {  	v4 =	vmov s20;
	s17 =	simm.s32 $0x8500;
	v1 =	vld.idx.msk [tilespmem:v2+s10+$0x0], $0xffff  }
0x303: {  	v2 =	vand.u32 $0x7D, v4;
	v4 =	vld [tilespmem:s17+$0xF0]  }
0x304: {  	v5 =	vld [tilespmem:s17+$0xFFFFFF00]  }
0x305: {  	v6 =	vld [tilespmem:s17+$0xFFFFFF10]  }
0x306: {  	v7 =	vld [tilespmem:s17+$0xFFFFFF20];
	v2 =	vor.u32 $0x100, v2  }
0x307: {  	v8 =	vld [tilespmem:s17+$0xFFFFFF30];
	v2 =	vbroadcast v2, $0x0  }
0x308: {  	v9 =	vld [tilespmem:s17+$0xFFFFFF40]  }
0x309: {  	v10 =	vld [tilespmem:s17+$0xFFFFFF50];
	v5 =	vmul.f32 v3, v5  }
0x30a: {  	v11 =	vld [tilespmem:s17+$0xFFFFFF60];
	v4 =	vmul.f32 v1, v4  }
0x30b: {  	[tilespmem:s17+$0xFFFFFF00] =	vst v5;
	v5 =	vld [tilespmem:s17+$0xFFFFFF70]  }
0x30c: {  	s19 =	simm.s32 $0x2;
	v6 =	vmul.f32 v3, v6;
	[tilespmem:s17+$0xF0] =	vst v4;
	v4 =	vmul.f32 v3, v7;
	v7 =	vld [tilespmem:s17+$0xFFFFFF90]  }
0x30d: {  	v12 =	vmov s19;
	v13 =	vld.idx.msk [tilespmem:v2+s10+$0x0], $0xffff  }
0x30e: {  	[tilespmem:s17+$0xFFFFFF10] =	vst v6;
	v6 =	vmul.f32 v3, v8;
	v2 =	vand.u32 $0x7E, v12;
	v12 =	vld [tilespmem:s17+$0xFFFFFF80]  }
0x30f: {  	v11 =	vmul.f32 v3, v11;
	v8 =	vld [tilespmem:s17+$0xFFFFFFA0];
	v2 =	vor.u32 $0x100, v2;
	[tilespmem:s17+$0xFFFFFF20] =	vst v4;
	v4 =	vmul.f32 v3, v9  }
0x310: {  	v9 =	vld [tilespmem:s17+$0xFFFFFFB0];
	[tilespmem:s17+$0xFFFFFF30] =	vst v6;
	v6 =	vmul.f32 v3, v10;
	v2 =	vbroadcast v2, $0x0  }
0x311: {  	[tilespmem:s17+$0xFFFFFF60] =	vst v11;
	v10 =	vld [tilespmem:s17+$0xFFFFFFC0]  }
0x312: {  	[tilespmem:s17+$0xFFFFFF50] =	vst v6;
	v6 =	vld [tilespmem:s17+$0xFFFFFFE0];
	v3 =	vmul.f32 v3, v5  }
0x313: {  	[tilespmem:s17+$0xFFFFFF40] =	vst v4;
	v5 =	vld [tilespmem:s17+$0xFFFFFFF0];
	v4 =	vmul.f32 v13, v12  }
0x314: {  	v12 =	vld [tilespmem:s17+$0xFFFFFFD0];
	[tilespmem:s17+$0xFFFFFF70] =	vst v3;
	v3 =	vmul.f32 v13, v8  }
0x315: {  	[tilespmem:s17+$0xFFFFFF80] =	vst v4;
	v4 =	vmul.f32 v13, v7;
	v7 =	vld [tilespmem:s17+$0x0]  }
0x316: {  	v2 =	vld.idx.msk [tilespmem:v2+s10+$0x0], $0xffff;
	[tilespmem:s17+$0xFFFFFFA0] =	vst v3;
	v3 =	vmul.f32 v13, v10  }
0x317: {  	v8 =	vld [tilespmem:s17+$0x10];
	[tilespmem:s17+$0xFFFFFF90] =	vst v4;
	v4 =	vmul.f32 v13, v9  }
0x318: {  	s20 =	simm.s32 $0x4;
	v6 =	vmul.f32 v13, v6;
	v9 =	vld [tilespmem:s17+$0x20];
	[tilespmem:s17+$0xFFFFFFC0] =	vst v3  }
0x319: {  	v11 =	vmov s20;
	v10 =	vld [tilespmem:s17+$0x30];
	[tilespmem:s17+$0xFFFFFFB0] =	vst v4;
	v4 =	vmul.f32 v13, v12  }
0x31a: {  	v11 =	vand.u32 $0x7C, v11;
	v3 =	vld [tilespmem:s17+$0x40];
	[tilespmem:s17+$0xFFFFFFE0] =	vst v6;
	v12 =	vmul.f32 v13, v5  }
0x31b: {  	s19 =	simm.s32 $0x5;
	s20 =	simm.s32 $0x6;
	v6 =	vor.u32 $0x100, v11;
	[tilespmem:s17+$0xFFFFFFD0] =	vst v4;
	v7 =	vmul.f32 v2, v7;
	v4 =	vld [tilespmem:s17+$0x50]  }
0x31c: {  	v11 =	vmov s20;
	v13 =	vmov s19;
	v5 =	vld [tilespmem:s17+$0x60];
	v8 =	vmul.f32 v2, v8;
	[tilespmem:s17+$0xFFFFFFF0] =	vst v12  }
0x31d: {  	v11 =	vand.u32 $0x7E, v11;
	v12 =	vand.u32 $0x7D, v13;
	v9 =	vmul.f32 v2, v9;
	[tilespmem:s17+$0x0] =	vst v7;
	v7 =	vld [tilespmem:s17+$0x70]  }
0x31e: {  	s18 =	simm.s32 $0x8500;
	s20 =	simm.s32 $0x7;
	v6 =	vbroadcast v6, $0x0;
	s19 =	simm.s32 $0x8;
	v10 =	vmul.f32 v2, v10;
	v12 =	vor.u32 $0x100, v12;
	[tilespmem:s17+$0x10] =	vst v8;
	v8 =	vld [tilespmem:s17+$0x80]  }
.LBB2_15:
0x31f: {  	p1 =	slt.u32 s19, $0x74;
	v11 =	vor.u32 $0x100, v11;
	v13 =	vmov s20;
	[tilespmem:s17+$0x20] =	vst v9;
	v3 =	vmul.f32 v2, v3;
	v9 =	vld [tilespmem:s17+$0x90]  }
0x320: {  	v12 =	vbroadcast v12, $0x0;
	v13 =	vand.u32 $0x7F, v13;
	[tilespmem:s17+$0x30] =	vst v10;
	v4 =	vmul.f32 v2, v4;
	v10 =	vld [tilespmem:s17+$0xA0]  }
0x321: {  	v11 =	vbroadcast v11, $0x0;
	v13 =	vor.u32 $0x100, v13;
	[tilespmem:s17+$0x40] =	vst v3;
	v3 =	vmul.f32 v2, v5;
	v5 =	vld [tilespmem:s17+$0xB0]  }
0x322: {  	v13 =	vbroadcast v13, $0x0;
	[tilespmem:s17+$0x50] =	vst v4;
	v2 =	vmul.f32 v2, v7;
	v4 =	vld [tilespmem:s17+$0xC0]  }
0x323: {  	[tilespmem:s17+$0x60] =	vst v3;
	v3 =	vmul.f32 v1, v8;
	v7 =	vld [tilespmem:s17+$0xD0]  }
0x324: {  	[tilespmem:s17+$0x70] =	vst v2;
	v2 =	vmul.f32 v1, v9;
	v8 =	vld [tilespmem:s17+$0xE0]  }
0x325: {  	v6 =	vld.idx.msk [tilespmem:v6+s10+$0x0], $0xffff;
	[tilespmem:s17+$0x80] =	vst v3;
	v3 =	vmul.f32 v1, v10  }
0x326: {  	v9 =	vld.idx.msk [tilespmem:v12+s10+$0x0], $0xffff;
	[tilespmem:s17+$0x90] =	vst v2;
	v5 =	vmul.f32 v1, v5  }
0x327: {  	v2 =	vld.idx.msk [tilespmem:v11+s10+$0x0], $0xffff;
	[tilespmem:s17+$0xA0] =	vst v3;
	v3 =	vmul.f32 v1, v4  }
0x328: {  	s17 =	sadd.s32 $0x200, s17;
	v4 =	vld.idx.msk [tilespmem:v13+s10+$0x0], $0xffff;
	[tilespmem:s18+$0xB0] =	vst v5;
	v5 =	vmul.f32 v1, v7  }
0x329: {  	v7 =	vld [tilespmem:s17+$0xF0];
	[tilespmem:s18+$0xC0] =	vst v3;
	v1 =	vmul.f32 v1, v8  }
0x32a: {  	v3 =	vld [tilespmem:s17+$0xFFFFFF00];
	[tilespmem:s18+$0xD0] =	vst v5  }
0x32b: {  	v5 =	vld [tilespmem:s17+$0xFFFFFF10];
	[tilespmem:s18+$0xE0] =	vst v1;
	s18 =	smov.u32 s17  }
0x32c: {  	v8 =	vld [tilespmem:s17+$0xFFFFFF20]  }
0x32d: {  	v10 =	vld [tilespmem:s17+$0xFFFFFF30]  }
0x32e: {  	v1 =	vmov v4;
	v11 =	vld [tilespmem:s17+$0xFFFFFF40];
	v7 =	vmul.f32 v4, v7  }
0x32f: {  	v3 =	vmul.f32 v6, v3;
	v4 =	vld [tilespmem:s17+$0xFFFFFF50]  }
0x330: {  	v5 =	vmul.f32 v6, v5;
	v12 =	vld [tilespmem:s17+$0xFFFFFF60];
	[tilespmem:s17+$0xF0] =	vst v7  }
0x331: {  	[tilespmem:s17+$0xFFFFFF00] =	vst v3;
	v3 =	vmul.f32 v6, v8;
	v7 =	vld [tilespmem:s17+$0xFFFFFF70]  }
0x332: {  	[tilespmem:s17+$0xFFFFFF10] =	vst v5;
	v5 =	vmul.f32 v6, v10;
	v8 =	vld [tilespmem:s17+$0xFFFFFF80]  }
0x333: {  	[tilespmem:s17+$0xFFFFFF20] =	vst v3;
	v3 =	vmul.f32 v6, v11;
	v10 =	vld [tilespmem:s17+$0xFFFFFF90]  }
0x334: {  	[tilespmem:s17+$0xFFFFFF30] =	vst v5;
	v4 =	vmul.f32 v6, v4;
	v5 =	vld [tilespmem:s17+$0xFFFFFFA0]  }
0x335: {  	[tilespmem:s17+$0xFFFFFF40] =	vst v3;
	v3 =	vmul.f32 v6, v12;
	v11 =	vld [tilespmem:s17+$0xFFFFFFB0]  }
0x336: {  	[tilespmem:s17+$0xFFFFFF50] =	vst v4;
	v4 =	vmul.f32 v6, v7;
	v6 =	vld [tilespmem:s17+$0xFFFFFFC0]  }
0x337: {  	[tilespmem:s17+$0xFFFFFF60] =	vst v3;
	v3 =	vmul.f32 v9, v8;
	v7 =	vld [tilespmem:s17+$0xFFFFFFD0]  }
0x338: {  	[tilespmem:s17+$0xFFFFFF70] =	vst v4;
	v4 =	vmul.f32 v9, v10;
	v8 =	vld [tilespmem:s17+$0xFFFFFFE0]  }
0x339: {  	[tilespmem:s17+$0xFFFFFF80] =	vst v3;
	v3 =	vmul.f32 v9, v5;
	v5 =	vld [tilespmem:s17+$0xFFFFFFF0]  }
0x33a: {  	[tilespmem:s17+$0xFFFFFF90] =	vst v4;
	v4 =	vmul.f32 v9, v11;
	v10 =	vld [tilespmem:s17+$0x0]  }
0x33b: {  	[tilespmem:s17+$0xFFFFFFA0] =	vst v3;
	v3 =	vmul.f32 v9, v6;
	v6 =	vld [tilespmem:s17+$0x10]  }
0x33c: {  	[tilespmem:s17+$0xFFFFFFB0] =	vst v4;
	v4 =	vmul.f32 v9, v7;
	v7 =	vld [tilespmem:s17+$0x20]  }
0x33d: {  	[tilespmem:s17+$0xFFFFFFC0] =	vst v3;
	v8 =	vmul.f32 v9, v8;
	v13 =	vld [tilespmem:s17+$0x30]  }
.Ltmp8:
0x33e: {  	s20 =	sadd.s32 $0x1, s19;
	v11 =	vmov s19;
	[tilespmem:s17+$0xFFFFFFD0] =	vst v4;
	v5 =	vmul.f32 v9, v5;
	v3 =	vld [tilespmem:s17+$0x40];
	(pc) =	sbr.rel @p1 .LBB2_15-.Ltmp8, $4  }
0x33f: {  	v9 =	vand.u32 $0x7C, v11;
	v11 =	vmov s20;
	s20 =	sadd.s32 $0x2, s19;
	[tilespmem:s17+$0xFFFFFFE0] =	vst v8;
	v8 =	vmul.f32 v2, v10;
	v4 =	vld [tilespmem:s17+$0x50]  }
0x340: {  	v10 =	vor.u32 $0x100, v9;
	v9 =	vmov s20;
	[tilespmem:s17+$0xFFFFFFF0] =	vst v5;
	v14 =	vmul.f32 v2, v6;
	v5 =	vld [tilespmem:s17+$0x60]  }
0x341: {  	v12 =	vand.u32 $0x7D, v11;
	v11 =	vand.u32 $0x7E, v9;
	[tilespmem:s17+$0x0] =	vst v8;
	v9 =	vmul.f32 v2, v7;
	v7 =	vld [tilespmem:s17+$0x70]  }
0x342: {  	s20 =	sadd.s32 $0x3, s19;
	s19 =	sadd.s32 $0x4, s19;
	v6 =	vbroadcast v10, $0x0;
	v12 =	vor.u32 $0x100, v12;
	[tilespmem:s17+$0x10] =	vst v14;
	v10 =	vmul.f32 v2, v13;
	v8 =	vld [tilespmem:s17+$0x80]  }
0x343: {  	v14 =	vld [tilespmem:s17+$0x90]  }
0x344: {  	v15 =	vld [tilespmem:s17+$0xA0]  }
0x345: {  	v16 =	vld [tilespmem:s17+$0xB0]  }
0x346: {  	v17 =	vld [tilespmem:s17+$0xC0];
	v3 =	vmul.f32 v2, v3  }
0x347: {  	v13 =	vmov s20;
	[tilespmem:s17+$0x20] =	vst v9;
	v31 =	vld [tilespmem:s17+$0xD0]  }
0x348: {  	v32 =	vld [tilespmem:s17+$0xE0];
	v13 =	vand.u32 $0x7F, v13;
	[tilespmem:s17+$0x40] =	vst v3;
	v3 =	vmul.f32 v2, v5  }
0x349: {  	s19 =	sadd.s32 $0x200, s17;
	[tilespmem:s17+$0x30] =	vst v10;
	v4 =	vmul.f32 v2, v4;
	v33 =	vld.idx.msk [tilespmem:v6+s10+$0x0], $0xffff;
	v13 =	vor.u32 $0x100, v13;
	v2 =	vmul.f32 v2, v7  }
0x34a: {  	v37 =	vld [tilespmem:s19+$0xF0];
	v13 =	vbroadcast v13, $0x0;
	[tilespmem:s17+$0x60] =	vst v3;
	v3 =	vmul.f32 v1, v8  }
0x34b: {  	v38 =	vld [tilespmem:s19+$0xFFFFFF00];
	[tilespmem:s17+$0x70] =	vst v2;
	v2 =	vmul.f32 v1, v14  }
0x34c: {  	v39 =	vld [tilespmem:s19+$0xFFFFFF10];
	[tilespmem:s17+$0x80] =	vst v3;
	v3 =	vmul.f32 v1, v15  }
0x34d: {  	v40 =	vld [tilespmem:s19+$0xFFFFFF20];
	[tilespmem:s17+$0x90] =	vst v2;
	v2 =	vmul.f32 v1, v16  }
0x34e: {  	v41 =	vld [tilespmem:s19+$0xFFFFFF50];
	[tilespmem:s17+$0xA0] =	vst v3;
	v3 =	vmul.f32 v1, v17  }
0x34f: {  	v43 =	vld [tilespmem:s19+$0xFFFFFF60];
	[tilespmem:s18+$0xB0] =	vst v2;
	v2 =	vmul.f32 v1, v31  }
0x350: {  	v12 =	vbroadcast v12, $0x0;
	v36 =	vld.idx.msk [tilespmem:v13+s10+$0x0], $0xffff;
	v1 =	vmul.f32 v1, v32;
	[tilespmem:s18+$0xC0] =	vst v3  }
0x351: {  	v3 =	vld [tilespmem:s19+$0xFFFFFF30];
	[tilespmem:s18+$0xD0] =	vst v2  }
0x352: {  	v2 =	vld [tilespmem:s19+$0xFFFFFF40];
	[tilespmem:s18+$0xE0] =	vst v1;
	v1 =	vmul.f32 v33, v38  }
0x353: {  	v44 =	vld [tilespmem:s19+$0xFFFFFF70];
	[tilespmem:s17+$0x50] =	vst v4;
	v42 =	vmul.f32 v33, v39  }
0x354: {  	v45 =	vld [tilespmem:s19+$0xFFFFFF80];
	[tilespmem:s19+$0xFFFFFF00] =	vst v1;
	v1 =	vmul.f32 v33, v40  }
0x355: {  	v46 =	vld [tilespmem:s19+$0xFFFFFFA0];
	[tilespmem:s19+$0xFFFFFF10] =	vst v42;
	v8 =	vmul.f32 v36, v37  }
0x356: {  	v34 =	vld.idx.msk [tilespmem:v12+s10+$0x0], $0xffff;
	v3 =	vmul.f32 v33, v3;
	[tilespmem:s19+$0xFFFFFF20] =	vst v1  }
0x357: {  	v11 =	vor.u32 $0x100, v11;
	[tilespmem:s19+$0xF0] =	vst v8;
	v1 =	vmul.f32 v33, v2;
	v2 =	vld [tilespmem:s19+$0xFFFFFF90]  }
0x358: {  	v11 =	vbroadcast v11, $0x0;
	v47 =	vld [tilespmem:s19+$0xFFFFFFB0];
	[tilespmem:s19+$0xFFFFFF30] =	vst v3;
	v3 =	vmul.f32 v33, v41  }
0x359: {  	v48 =	vld [tilespmem:s19+$0xFFFFFFC0];
	[tilespmem:s19+$0xFFFFFF40] =	vst v1;
	v1 =	vmul.f32 v33, v43  }
0x35a: {  	v49 =	vld [tilespmem:s19+$0xFFFFFFD0];
	[tilespmem:s19+$0xFFFFFF50] =	vst v3;
	v3 =	vmul.f32 v33, v44  }
0x35b: {  	v50 =	vld [tilespmem:s19+$0xFFFFFFF0];
	[tilespmem:s19+$0xFFFFFF60] =	vst v1;
	v1 =	vmul.f32 v34, v45  }
0x35c: {  	[tilespmem:s19+$0xFFFFFF70] =	vst v3;
	v2 =	vmul.f32 v34, v2;
	v3 =	vld [tilespmem:s19+$0xFFFFFFE0]  }
0x35d: {  	v51 =	vld [tilespmem:s19+$0x0];
	[tilespmem:s19+$0xFFFFFF80] =	vst v1;
	v1 =	vmul.f32 v34, v46  }
0x35e: {  	v35 =	vld.idx.msk [tilespmem:v11+s10+$0x0], $0xffff;
	[tilespmem:s19+$0xFFFFFF90] =	vst v2;
	v2 =	vmul.f32 v34, v47  }
0x35f: {  	v52 =	vld [tilespmem:s19+$0x10];
	[tilespmem:s19+$0xFFFFFFA0] =	vst v1;
	v1 =	vmul.f32 v34, v48  }
0x360: {  	v53 =	vld [tilespmem:s19+$0x20];
	[tilespmem:s19+$0xFFFFFFB0] =	vst v2;
	v2 =	vmul.f32 v34, v49  }
0x361: {  	[tilespmem:s19+$0xFFFFFFC0] =	vst v1;
	v1 =	vmul.f32 v34, v3;
	v3 =	vld [tilespmem:s19+$0x30]  }
0x362: {  	v54 =	vld [tilespmem:s19+$0x40];
	[tilespmem:s19+$0xFFFFFFD0] =	vst v2;
	v2 =	vmul.f32 v34, v50  }
0x363: {  	v55 =	vld [tilespmem:s19+$0x50];
	[tilespmem:s19+$0xFFFFFFE0] =	vst v1;
	v1 =	vmul.f32 v35, v51  }
0x364: {  	v56 =	vld [tilespmem:s19+$0x60];
	[tilespmem:s19+$0xFFFFFFF0] =	vst v2;
	v2 =	vmul.f32 v35, v52  }
0x365: {  	v57 =	vld [tilespmem:s19+$0x70];
	[tilespmem:s19+$0x0] =	vst v1;
	v1 =	vmul.f32 v35, v53  }
0x366: {  	[tilespmem:s19+$0x10] =	vst v2;
	v2 =	vmul.f32 v35, v3;
	v3 =	vld [tilespmem:s19+$0x80]  }
0x367: {  	v58 =	vld [tilespmem:s19+$0x90];
	[tilespmem:s19+$0x20] =	vst v1;
	v1 =	vmul.f32 v35, v54  }
0x368: {  	v59 =	vld [tilespmem:s19+$0xA0];
	[tilespmem:s19+$0x30] =	vst v2;
	v2 =	vmul.f32 v35, v55  }
0x369: {  	v60 =	vld [tilespmem:s19+$0xB0];
	[tilespmem:s19+$0x40] =	vst v1;
	v1 =	vmul.f32 v35, v56  }
0x36a: {  	v61 =	vld [tilespmem:s19+$0xC0];
	[tilespmem:s19+$0x50] =	vst v2;
	v2 =	vmul.f32 v35, v57  }
0x36b: {  	[tilespmem:s19+$0x60] =	vst v1;
	v1 =	vmul.f32 v36, v3;
	v3 =	vld [tilespmem:s19+$0xD0]  }
0x36c: {  	v62 =	vld [tilespmem:s19+$0xE0];
	[tilespmem:s19+$0x70] =	vst v2;
	v2 =	vmul.f32 v36, v58  }
0x36d: {  	[tilespmem:s19+$0x80] =	vst v1;
	v1 =	vmul.f32 v36, v59  }
0x36e: {  	[tilespmem:s19+$0x90] =	vst v2;
	v2 =	vmul.f32 v36, v60  }
0x36f: {  	[tilespmem:s19+$0xA0] =	vst v1;
	v1 =	vmul.f32 v36, v61  }
.Ltmp9:
0x370: {  	[tilespmem:s19+$0xB0] =	vst v2;
	v2 =	vmul.f32 v36, v3;
	(pc) =	sbr.rel @p0 .LBB2_18-.Ltmp9, $4  }
0x371: {  	[tilespmem:s19+$0xC0] =	vst v1;
	v1 =	vmul.f32 v36, v62  }
0x372: {  	[tilespmem:s19+$0xD0] =	vst v2  }
0x373: {  	s20 =	simm.s32 $0xA80;
	[tilespmem:s19+$0xE0] =	vst v1  }
0x374: {  	[spmem:s3] =	stream.indirect.scatter.add.f32 [tilespmem:s9], [sflag:$0xC], $0x80, s20, s29, $0xb8;
	v63 =	vld [tilespmem:$0x0]  }
0x375: {  	_ =	swait.ge [sflag:s11], $0x3C00  }
0x376: {  	[sflag:s11] =	ssyncset.done $0x0  }
0x377: {  	[sflag:s11] =	ssyncadd.s32 $0xFFFFC400  }
0x378: {  	_ =	swait.ge [sflag:s24], $0x180  }
0x379: {  	[sflag:s24] =	ssyncset.done $0x0;
	s17 =	rddreg [dreg:$0x13]  }
.Ltmp10:
0x37a: {  	[sflag:s24] =	ssyncadd.s32 $0xFFFFFE80;
	s17 =	sadd.s32 s22, s17;
	(pc) =	sbr.rel .LBB2_4-.Ltmp10, $4  }
0x37b: {  	[tilespmem:s30], [sflag:$0x8] =	stream.indirect.gather [hbm4b:s0+s29], $0x80, s28, s29, $0xb8;
	v63 =	vld [tilespmem:$0x0]  }
0x37c: {  	s17 =	sshll.u32 s17, $0x6  }
0x37d: {  	s26 =	sadd.s32 $0x1, s26;
	s17 =	sadd.s32 s17, s13  }
0x37e: {  	[tilespmem:s2], [sflag:$0x5] =	stream.linear.gather [hbm4b:s17+s4], $0x180, $0x38;
	v63 =	vld [tilespmem:$0x0]  }
.LBB2_19:
0x37f: {  	_ =	sfence.sel $0x180000  }
0x380: {  	[bflag:$0x0] =	sbarrier.arrive $0xFFFF  }
0x381: {  	_ =	strace $0x90000047  }
0x382: {  	s0 =	stileid.u32;
	[bflag:$0x2] =	sbarrier.arrive $0xFFFF  }
0x383: {  	p0 =	sne.s32 s0, $0x0;
	s0 =	rddreg [dreg:$0x3]  }
0x384: {  	s0 =	sadd.s32 @!p0 $0x100000, s0  }
0x385: {  	[sflag:s0] =	ssyncadd.tile.s32 @!p0 $0x1;
	_ =	shalt  }
.Lfunc_end2:
_tile_overlayer_lowered:
.L_overlay_start_2:
0x386: {  	(tag) =	ssettag $0x2  }
0x387: {  	s0 =	rddreg [dreg:$0x0];
	s2 =	stileid.u32  }
0x388: {  	s1 =	rddreg [dreg:$0x1];
	p0 =	sne.s32 s2, $0x0  }
0x389: {  	s3 =	rddreg [dreg:$0x2];
	[bflag:$0x3] =	sbarrier.arrive $0xFFFF;
	s2 =	simm.s32 @!p0 $0x1C0D  }
0x38a: {  	[timem:s3], [sflag:s2] =	dma.local @!p0 [hbm:s0], s1  }
0x38b: {  	s0 =	simm.s32 @!p0 $0xD  }
0x38c: {  	_ =	swait.ge @!p0 [sflag:s0], s1  }
0x38d: {  	s1 =	ssub.s32 @!p0 $0x0, s1;
	[sflag:s0] =	ssyncset.done @!p0 $0x0  }
0x38e: {  	[sflag:s0] =	ssyncadd.s32 @!p0 s1  }
0x38f: {  	[bflag:$0x3] =	sbarrier.arrive $0xFFFF  }
0x390: {  	_ =	shalt  }

</sc_bundles>
